<compile_context>
chip_gen: v7x
topology: tpu7x:2x2x1
jax: 0.10.2.dev20260603
libtpu: 0.0.44.dev20260713+nightly
codegen_flags: <defaults>
</compile_context>

<pallas_src>
import functools

import jax
import jax.numpy as jnp
from jax import lax
from jax.experimental import pallas as pl
from jax.experimental.pallas import tpu as pltpu
from jax.experimental.pallas import tpu_sc as plsc

_CHUNK = 128
_NBUF = 5
_DEPTH = 3


@functools.lru_cache(maxsize=None)
def _make_kernels(V, D, B, L):
    info = plsc.get_sparse_core_info()
    NC, NS = info.num_cores, info.num_subcores
    NW = NC * NS
    N = B * L
    mesh = plsc.VectorSubcoreMesh(core_axis_name="c", subcore_axis_name="s")

    n_full = V // _CHUNK
    rem = V - n_full * _CHUNK
    per_w = (n_full + NW - 1) // NW
    triples = (per_w + 2) // 3

    @functools.partial(
        pl.kernel,
        mesh=mesh,
        compiler_params=pltpu.CompilerParams(needs_layout_passes=False),
        out_type=jax.ShapeDtypeStruct((V * D,), jnp.float32),
        scratch_types=[pltpu.VMEM((D, _CHUNK), jnp.float32)] * 3
        + [pltpu.VMEM((_CHUNK * D,), jnp.float32)] * 3
        + [pltpu.SemaphoreType.DMA] * 6,
    )
    def k1(tt_hbm, tail_hbm, out_hbm, *scr1):
        wid = lax.axis_index("s") * NC + lax.axis_index("c")
        stages = scr1[:3]
        trs = scr1[3:6]
        isems = scr1[6:9]
        osems = scr1[9:12]
        lane = lax.broadcasted_iota(jnp.int32, (16,), 0)

        def fire_in(rb, b):
            pltpu.async_copy(
                tt_hbm.at[:, pl.ds(rb * _CHUNK, _CHUNK)], stages[b], isems[b]
            )

        def wait_in(b):
            pltpu.make_async_copy(
                tt_hbm.at[:, pl.ds(0, _CHUNK)], stages[b], isems[b]
            ).wait()

        def fire_out(rb, b):
            pltpu.async_copy(
                trs[b], out_hbm.at[pl.ds(rb * _CHUNK * D, _CHUNK * D)], osems[b]
            )

        def wait_out(b):
            pltpu.make_async_copy(
                trs[b], out_hbm.at[pl.ds(0, _CHUNK * D)], osems[b]
            ).wait()

        cvecs = [c0 + lane for c0 in range(0, D, 16)]

        def transpose_panel(b, n_rows):
            def ts(s, carry):
                rsh = (lane + s) & 15

                def tg(g, carry2):
                    rvec = g * 16 + rsh
                    rd = rvec * D
                    for cvec in cvecs:
                        val = plsc.load_gather(stages[b], [cvec, rvec])
                        plsc.store_scatter(trs[b], [rd + cvec], val)
                    return carry2

                lax.fori_loop(0, n_rows // 16, tg, 0)
                return carry

            lax.fori_loop(0, 16, ts, 0)

        @pl.when(wid < n_full)
        def _():
            fire_in(wid, 0)

        @pl.when(wid + NW < n_full)
        def _():
            fire_in(wid + NW, 1)

        def body(p, carry):
            for par in range(3):
                j = 3 * p + par
                rb = j * NW + wid

                @pl.when(rb < n_full)
                def _():
                    nrb = rb + 2 * NW

                    @pl.when(nrb < n_full)
                    def _():
                        fire_in(nrb, (par + 2) % 3)

                    wait_in(par)

                    @pl.when(j >= 3)
                    def _():
                        wait_out(par)

                    transpose_panel(par, _CHUNK)
                    fire_out(rb, par)

            return carry

        lax.fori_loop(0, triples, body, 0)
        wait_out(0)
        wait_out(1)
        wait_out(2)

        if rem:

            @pl.when(wid == 0)
            def _():
                pltpu.sync_copy(tail_hbm, stages[0])
                transpose_panel(0, _CHUNK)
                pltpu.sync_copy(
                    trs[0],
                    out_hbm.at[pl.ds((V - _CHUNK) * D, _CHUNK * D)],
                )

    DB = D // 8
    BB = B // _CHUNK
    n_chunks = N // (NW * _CHUNK)

    @functools.partial(
        pl.kernel,
        mesh=mesh,
        compiler_params=pltpu.CompilerParams(
            use_tc_tiling_on_sc=False, needs_layout_passes=False
        ),
        out_type=jax.ShapeDtypeStruct((L, DB, BB, 8 * _CHUNK), jnp.float32),
        scratch_types=[pltpu.VMEM((_CHUNK,), jnp.int32)] * _NBUF
        + [pltpu.VMEM((_CHUNK, D), jnp.float32)] * _NBUF
        + [pltpu.VMEM((DB, 8 * _CHUNK), jnp.float32)] * _NBUF
        + [pltpu.SemaphoreType.DMA] * (3 * _NBUF),
    )
    def k2(tokt_hbm, tbl_hbm, out_hbm, *scr):
        idxs = scr[:_NBUF]
        rows = scr[_NBUF : 2 * _NBUF]
        packs = scr[2 * _NBUF : 3 * _NBUF]
        sems = scr[3 * _NBUF :]
        isems = sems[:_NBUF]
        gsems = sems[_NBUF : 2 * _NBUF]
        osems = sems[2 * _NBUF :]
        wid = lax.axis_index("s") * NC + lax.axis_index("c")
        q0 = wid * n_chunks
        lane = lax.broadcasted_iota(jnp.int32, (16,), 0)
        dvecs = [d0 + lane for d0 in range(0, D, 16)]
        dv3s = [dv >> 3 for dv in dvecs]
        in2s = [(dv & 7) << 7 for dv in dvecs]

        def fire_idx(q, b):
            l = q // BB
            bb = q % BB
            pltpu.async_copy(
                tokt_hbm.at[pl.ds(l * B + bb * _CHUNK, _CHUNK)],
                idxs[b],
                isems[b],
            )

        def wait_idx(b):
            pltpu.make_async_copy(
                tokt_hbm.at[pl.ds(0, _CHUNK)], idxs[b], isems[b]
            ).wait()

        def fire_gather(b):
            pltpu.async_copy(tbl_hbm.at[idxs[b]], rows[b], gsems[b])

        def wait_gather(b):
            pltpu.make_async_copy(
                tbl_hbm.at[idxs[b]], rows[b], gsems[b]
            ).wait()

        def fire_out(q, b):
            l = q // BB
            bb = q % BB
            pltpu.async_copy(packs[b], out_hbm.at[l, :, bb], osems[b])

        def wait_out(b):
            pltpu.make_async_copy(
                packs[b], out_hbm.at[0, :, 0], osems[b]
            ).wait()

        for c in range(_NBUF):
            fire_idx(q0 + c, c)
        for c in range(_DEPTH):
            wait_idx(c)
            fire_gather(c)

        def body(p, carry):
            for b in range(_NBUF):
                j = p * _NBUF + b

                nb = (b + _DEPTH) % _NBUF

                @pl.when(j + _DEPTH < n_chunks)
                def _():
                    wait_idx(nb)
                    fire_gather(nb)

                wait_gather(b)

                @pl.when(j + _NBUF < n_chunks)
                def _():
                    fire_idx(q0 + j + _NBUF, b)

                @pl.when(j >= _NBUF)
                def _():
                    wait_out(b)

                def ts(s, carry2):
                    tsh = (lane + s) & 15

                    def tg(g, carry3):
                        tvec = g * 16 + tsh
                        for di in range(D // 16):
                            val = plsc.load_gather(rows[b], [tvec, dvecs[di]])
                            plsc.store_scatter(
                                packs[b], [dv3s[di], in2s[di] + tvec], val
                            )
                        return carry3

                    lax.fori_loop(0, _CHUNK // 16, tg, 0)
                    return carry2

                lax.fori_loop(0, 16, ts, 0)
                fire_out(q0 + j, b)
            return carry

        lax.fori_loop(0, n_chunks // _NBUF, body, 0)
        for b in range(_NBUF):
            wait_out(b)

    def run(tokens, table):
        tt = table.T
        tail = lax.slice(table, (V - _CHUNK, 0), (V, D)).T
        tbl_flat = k1(tt, tail)
        tbl_lin = tbl_flat.reshape(V, D)
        tokt = tokens.T.reshape(N).astype(jnp.int32)
        out4 = k2(tokt, tbl_lin)
        out = (
            out4.reshape(L, DB, BB, 8, _CHUNK)
            .transpose(2, 4, 0, 1, 3)
            .reshape(B, L, D)
        )
        return out

    return run


def kernel(tokens, table):
    B, L = tokens.shape
    V, D = table.shape
    return _make_kernels(V, D, B, L)(tokens, table)

# --- scband reference (transcript-rebuilt; emitter-appended) ---
"""Pipeline reference for scband-word-embedding-5506148073889 (READ-ONLY COPY).

The authoritative reference and input builder live on the scoring server;
editing this copy changes nothing except your own understanding.
"""

import jax, jax.numpy as jnp
import numpy as np

VOCAB = 1000000
EMBED_DIM = 64
B = 4096
L = 200

def setup_inputs(seed: int = 0) -> dict:
    key = jax.random.key(seed)
    k1, k2 = jax.random.split(key)
    tokens = jax.random.randint(k1, (B, L), 0, VOCAB, dtype=jnp.int64 if jax.config.jax_enable_x64 else jnp.int32)
    table = jax.random.normal(k2, (VOCAB, EMBED_DIM), dtype=jnp.float32)
    return {"tokens": tokens, "table": table}

def reference(tokens, table):
    # Faithful translation of nn.Embedding forward: gather rows of the table.
    return jnp.take(table, tokens, axis=0)

if __name__ == "__main__":
    import jax
    _d = setup_inputs()
    print(jax.jit(kernel)(*tuple(_d.values())))

</pallas_src>

<mosaic_0001>
#map = affine_map<(d0, d1) -> (0, 0)>
#map1 = affine_map<(d0, d1) -> (0)>
module attributes {stable_mosaic.version = 14 : i64} {
  func.func @k1(%arg0: i32, %arg1: i32, %arg2: memref<64x1000000xf32, #tpu.memory_space<hbm>>, %arg3: memref<64x128xf32, #tpu.memory_space<hbm>>, %arg4: memref<64000000xf32, #tpu.memory_space<hbm>>, %arg5: memref<64x128xf32, #tpu.memory_space<vmem>>, %arg6: memref<64x128xf32, #tpu.memory_space<vmem>>, %arg7: memref<64x128xf32, #tpu.memory_space<vmem>>, %arg8: memref<8192xf32, #tpu.memory_space<vmem>>, %arg9: memref<8192xf32, #tpu.memory_space<vmem>>, %arg10: memref<8192xf32, #tpu.memory_space<vmem>>, %arg11: memref<!tpu.dma_semaphore, #tpu.memory_space<semaphore_mem>>, %arg12: memref<!tpu.dma_semaphore, #tpu.memory_space<semaphore_mem>>, %arg13: memref<!tpu.dma_semaphore, #tpu.memory_space<semaphore_mem>>, %arg14: memref<!tpu.dma_semaphore, #tpu.memory_space<semaphore_mem>>, %arg15: memref<!tpu.dma_semaphore, #tpu.memory_space<semaphore_mem>>, %arg16: memref<!tpu.dma_semaphore, #tpu.memory_space<semaphore_mem>>) attributes {dimension_semantics = [#tpu.dimension_semantics<core_parallel>, #tpu.dimension_semantics<subcore_parallel>], iteration_bounds = array<i64: 2, 16>, scalar_prefetch = 0 : i64, scratch_operands = 12 : i64, tpu.core_type = #tpu.core_type<sc_vector_subcore>, window_params = [{transform_indices = #map}, {transform_indices = #map}, {transform_indices = #map1}]} {
    %mul3A = arith.constant 2 : i32
    %mul3A_0 = arith.muli %arg1, %mul3A : i32
    %add3A = arith.addi %mul3A_0, %arg0 : i32
    %iota3A = tpu.iota {dimensions = array<i32: 0>} : vector<16xi32>
    %add3A_1 = arith.constant 0 : i32
    %add3A_2 = vector.broadcast %add3A_1 : i32 to vector<16xi32>
    %add3A_3 = arith.addi %add3A_2, %iota3A : vector<16xi32>
    %add3A_4 = arith.constant 16 : i32
    %add3A_5 = vector.broadcast %add3A_4 : i32 to vector<16xi32>
    %add3A_6 = arith.addi %add3A_5, %iota3A : vector<16xi32>
    %add3A_7 = arith.constant 32 : i32
    %add3A_8 = vector.broadcast %add3A_7 : i32 to vector<16xi32>
    %add3A_9 = arith.addi %add3A_8, %iota3A : vector<16xi32>
    %add3A_10 = arith.constant 48 : i32
    %add3A_11 = vector.broadcast %add3A_10 : i32 to vector<16xi32>
    %add3A_12 = arith.addi %add3A_11, %iota3A : vector<16xi32>
    %lt3A = arith.constant 7812 : i32
    %lt3A_13 = arith.cmpi slt, %add3A, %lt3A : i32
    %convert_element_type3A = arith.extui %lt3A_13 : i1 to i32
    %cond3A = arith.constant 0 : i32
    %cond3A_14 = arith.cmpi ne, %convert_element_type3A, %cond3A : i32
    scf.if %cond3A_14 {
      %mul3A_42 = arith.constant 128 : i32
      %mul3A_43 = arith.muli %add3A, %mul3A_42 : i32
      %dma_start3A = arith.constant 0 : i32
      %dma_start3A_44 = tpu.memref_slice %arg2[%dma_start3A, %mul3A_43] : memref<64x1000000xf32, #tpu.memory_space<hbm>> -> memref<64x128xf32, #tpu.memory_space<hbm>>
      %dma_start3A_45 = arith.constant 0 : i32
      %dma_start3A_46 = tpu.memref_slice %arg2[%dma_start3A_45, %mul3A_43] : memref<64x1000000xf32, #tpu.memory_space<hbm>> -> memref<64x128xf32, #tpu.memory_space<hbm>>
      tpu.enqueue_dma source(%dma_start3A_46 : memref<64x128xf32, #tpu.memory_space<hbm>>) target(%arg5 : memref<64x128xf32, #tpu.memory_space<vmem>>) target_semaphore(%arg11 : memref<!tpu.dma_semaphore, #tpu.memory_space<semaphore_mem>>)
    } else {
    }
    %add3A_15 = arith.constant 32 : i32
    %add3A_16 = arith.addi %add3A, %add3A_15 : i32
    %lt3A_17 = arith.constant 7812 : i32
    %lt3A_18 = arith.cmpi slt, %add3A_16, %lt3A_17 : i32
    %convert_element_type3A_19 = arith.extui %lt3A_18 : i1 to i32
    %cond3A_20 = arith.constant 0 : i32
    %cond3A_21 = arith.cmpi ne, %convert_element_type3A_19, %cond3A_20 : i32
    scf.if %cond3A_21 {
      %add3A_42 = arith.constant 32 : i32
      %add3A_43 = arith.addi %add3A, %add3A_42 : i32
      %mul3A_44 = arith.constant 128 : i32
      %mul3A_45 = arith.muli %add3A_43, %mul3A_44 : i32
      %dma_start3A = arith.constant 0 : i32
      %dma_start3A_46 = tpu.memref_slice %arg2[%dma_start3A, %mul3A_45] : memref<64x1000000xf32, #tpu.memory_space<hbm>> -> memref<64x128xf32, #tpu.memory_space<hbm>>
      %dma_start3A_47 = arith.constant 0 : i32
      %dma_start3A_48 = tpu.memref_slice %arg2[%dma_start3A_47, %mul3A_45] : memref<64x1000000xf32, #tpu.memory_space<hbm>> -> memref<64x128xf32, #tpu.memory_space<hbm>>
      tpu.enqueue_dma source(%dma_start3A_48 : memref<64x128xf32, #tpu.memory_space<hbm>>) target(%arg6 : memref<64x128xf32, #tpu.memory_space<vmem>>) target_semaphore(%arg12 : memref<!tpu.dma_semaphore, #tpu.memory_space<semaphore_mem>>)
    } else {
    }
    %scan3A = arith.constant 0 : i32
    %scan3A_22 = arith.constant 0 : i32
    %scan3A_23 = arith.constant 82 : i32
    %scan3A_24 = arith.addi %scan3A_22, %scan3A_23 : i32
    %scan3A_25 = arith.constant 1 : i32
    scf.for %scan3A_42 = %scan3A_22 to %scan3A_24 step %scan3A_25  : i32 {
      %mul3A_43 = arith.constant 3 : i32
      %mul3A_44 = arith.muli %mul3A_43, %scan3A_42 : i32
      %add3A_45 = arith.constant 0 : i32
      %add3A_46 = arith.addi %mul3A_44, %add3A_45 : i32
      %mul3A_47 = arith.constant 32 : i32
      %mul3A_48 = arith.muli %add3A_46, %mul3A_47 : i32
      %add3A_49 = arith.addi %mul3A_48, %add3A : i32
      %lt3A_50 = arith.constant 7812 : i32
      %lt3A_51 = arith.cmpi slt, %add3A_49, %lt3A_50 : i32
      %convert_element_type3A_52 = arith.extui %lt3A_51 : i1 to i32
      %cond3A_53 = arith.constant 0 : i32
      %cond3A_54 = arith.cmpi ne, %convert_element_type3A_52, %cond3A_53 : i32
      scf.if %cond3A_54 {
        %add3A_79 = arith.constant 64 : i32
        %add3A_80 = arith.addi %add3A_49, %add3A_79 : i32
        %lt3A_81 = arith.constant 7812 : i32
        %lt3A_82 = arith.cmpi slt, %add3A_80, %lt3A_81 : i32
        %convert_element_type3A_83 = arith.extui %lt3A_82 : i1 to i32
        %cond3A_84 = arith.constant 0 : i32
        %cond3A_85 = arith.cmpi ne, %convert_element_type3A_83, %cond3A_84 : i32
        scf.if %cond3A_85 {
          %mul3A_107 = arith.constant 128 : i32
          %mul3A_108 = arith.muli %add3A_80, %mul3A_107 : i32
          %dma_start3A_109 = arith.constant 0 : i32
          %dma_start3A_110 = tpu.memref_slice %arg2[%dma_start3A_109, %mul3A_108] : memref<64x1000000xf32, #tpu.memory_space<hbm>> -> memref<64x128xf32, #tpu.memory_space<hbm>>
          %dma_start3A_111 = arith.constant 0 : i32
          %dma_start3A_112 = tpu.memref_slice %arg2[%dma_start3A_111, %mul3A_108] : memref<64x1000000xf32, #tpu.memory_space<hbm>> -> memref<64x128xf32, #tpu.memory_space<hbm>>
          tpu.enqueue_dma source(%dma_start3A_112 : memref<64x128xf32, #tpu.memory_space<hbm>>) target(%arg7 : memref<64x128xf32, #tpu.memory_space<vmem>>) target_semaphore(%arg13 : memref<!tpu.dma_semaphore, #tpu.memory_space<semaphore_mem>>)
        } else {
        }
        %dma_wait3A_86 = arith.constant 0 : i32
        %dma_wait3A_87 = arith.constant 0 : i32
        %dma_wait3A_88 = tpu.memref_slice %arg2[%dma_wait3A_86, %dma_wait3A_87] : memref<64x1000000xf32, #tpu.memory_space<hbm>> -> memref<64x128xf32, #tpu.memory_space<hbm>>
        %dma_wait3A_89 = arith.constant 0 : i32
        %dma_wait3A_90 = arith.constant 0 : i32
        %dma_wait3A_91 = tpu.memref_slice %arg2[%dma_wait3A_89, %dma_wait3A_90] : memref<64x1000000xf32, #tpu.memory_space<hbm>> -> memref<64x128xf32, #tpu.memory_space<hbm>>
        tpu.wait_dma2 semaphore(%arg11 : memref<!tpu.dma_semaphore, #tpu.memory_space<semaphore_mem>>) src(%dma_wait3A_91 : memref<64x128xf32, #tpu.memory_space<hbm>>) dst(%arg5 : memref<64x128xf32, #tpu.memory_space<vmem>>)
        %ge3A = arith.constant 3 : i32
        %ge3A_92 = arith.cmpi sge, %add3A_46, %ge3A : i32
        %convert_element_type3A_93 = arith.extui %ge3A_92 : i1 to i32
        %cond3A_94 = arith.constant 0 : i32
        %cond3A_95 = arith.cmpi ne, %convert_element_type3A_93, %cond3A_94 : i32
        scf.if %cond3A_95 {
          %dma_wait3A_107 = arith.constant 0 : i32
          %dma_wait3A_108 = tpu.memref_slice %arg4[%dma_wait3A_107] : memref<64000000xf32, #tpu.memory_space<hbm>> -> memref<8192xf32, #tpu.memory_space<hbm>>
          %dma_wait3A_109 = arith.constant 0 : i32
          %dma_wait3A_110 = tpu.memref_slice %arg4[%dma_wait3A_109] : memref<64000000xf32, #tpu.memory_space<hbm>> -> memref<8192xf32, #tpu.memory_space<hbm>>
          tpu.wait_dma2 semaphore(%arg14 : memref<!tpu.dma_semaphore, #tpu.memory_space<semaphore_mem>>) src(%arg8 : memref<8192xf32, #tpu.memory_space<vmem>>) dst(%dma_wait3A_110 : memref<8192xf32, #tpu.memory_space<hbm>>)
        } else {
        }
        %scan3A_96 = arith.constant 0 : i32
        %scan3A_97 = arith.constant 0 : i32
        %scan3A_98 = arith.constant 16 : i32
        %scan3A_99 = arith.addi %scan3A_97, %scan3A_98 : i32
        %scan3A_100 = arith.constant 1 : i32
        scf.for %scan3A_107 = %scan3A_97 to %scan3A_99 step %scan3A_100  : i32 {
          %add3A_108 = vector.broadcast %scan3A_107 : i32 to vector<16xi32>
          %add3A_109 = arith.addi %iota3A, %add3A_108 : vector<16xi32>
          %and3A = arith.constant 15 : i32
          %and3A_110 = vector.broadcast %and3A : i32 to vector<16xi32>
          %and3A_111 = arith.andi %add3A_109, %and3A_110 : vector<16xi32>
          %scan3A_112 = arith.constant 0 : i32
          %scan3A_113 = arith.constant 0 : i32
          %scan3A_114 = arith.constant 8 : i32
          %scan3A_115 = arith.addi %scan3A_113, %scan3A_114 : i32
          %scan3A_116 = arith.constant 1 : i32
          scf.for %scan3A_118 = %scan3A_113 to %scan3A_115 step %scan3A_116  : i32 {
            %mul3A_119 = arith.constant 16 : i32
            %mul3A_120 = arith.muli %scan3A_118, %mul3A_119 : i32
            %add3A_121 = vector.broadcast %mul3A_120 : i32 to vector<16xi32>
            %add3A_122 = arith.addi %add3A_121, %and3A_111 : vector<16xi32>
            %mul3A_123 = arith.constant 64 : i32
            %mul3A_124 = vector.broadcast %mul3A_123 : i32 to vector<16xi32>
            %mul3A_125 = arith.muli %add3A_122, %mul3A_124 : vector<16xi32>
            %gather3A = tpu.vector_load_idx %arg5[%add3A_3, %add3A_122] : memref<64x128xf32, #tpu.memory_space<vmem>>[vector<16xi32>, vector<16xi32>], vector<16xf32>,
            %add3A_126 = arith.addi %mul3A_125, %add3A_3 : vector<16xi32>
            tpu.vector_store_idx %arg8[%add3A_126], %gather3A : memref<8192xf32, #tpu.memory_space<vmem>>[vector<16xi32>], vector<16xf32>,
            %gather3A_127 = tpu.vector_load_idx %arg5[%add3A_6, %add3A_122] : memref<64x128xf32, #tpu.memory_space<vmem>>[vector<16xi32>, vector<16xi32>], vector<16xf32>,
            %add3A_128 = arith.addi %mul3A_125, %add3A_6 : vector<16xi32>
            tpu.vector_store_idx %arg8[%add3A_128], %gather3A_127 : memref<8192xf32, #tpu.memory_space<vmem>>[vector<16xi32>], vector<16xf32>,
            %gather3A_129 = tpu.vector_load_idx %arg5[%add3A_9, %add3A_122] : memref<64x128xf32, #tpu.memory_space<vmem>>[vector<16xi32>, vector<16xi32>], vector<16xf32>,
            %add3A_130 = arith.addi %mul3A_125, %add3A_9 : vector<16xi32>
            tpu.vector_store_idx %arg8[%add3A_130], %gather3A_129 : memref<8192xf32, #tpu.memory_space<vmem>>[vector<16xi32>], vector<16xf32>,
            %gather3A_131 = tpu.vector_load_idx %arg5[%add3A_12, %add3A_122] : memref<64x128xf32, #tpu.memory_space<vmem>>[vector<16xi32>, vector<16xi32>], vector<16xf32>,
            %add3A_132 = arith.addi %mul3A_125, %add3A_12 : vector<16xi32>
            tpu.vector_store_idx %arg8[%add3A_132], %gather3A_131 : memref<8192xf32, #tpu.memory_space<vmem>>[vector<16xi32>], vector<16xf32>,
          }
          %scan3A_117 = arith.constant 8 : i32
        }
        %scan3A_101 = arith.constant 16 : i32
        %mul3A_102 = arith.constant 128 : i32
        %mul3A_103 = arith.muli %add3A_49, %mul3A_102 : i32
        %mul3A_104 = arith.constant 64 : i32
        %mul3A_105 = arith.muli %mul3A_103, %mul3A_104 : i32
        %dma_start3A = tpu.memref_slice %arg4[%mul3A_105] : memref<64000000xf32, #tpu.memory_space<hbm>> -> memref<8192xf32, #tpu.memory_space<hbm>>
        %dma_start3A_106 = tpu.memref_slice %arg4[%mul3A_105] : memref<64000000xf32, #tpu.memory_space<hbm>> -> memref<8192xf32, #tpu.memory_space<hbm>>
        tpu.enqueue_dma source(%arg8 : memref<8192xf32, #tpu.memory_space<vmem>>) target(%dma_start3A_106 : memref<8192xf32, #tpu.memory_space<hbm>>) target_semaphore(%arg14 : memref<!tpu.dma_semaphore, #tpu.memory_space<semaphore_mem>>)
      } else {
      }
      %mul3A_55 = arith.constant 3 : i32
      %mul3A_56 = arith.muli %mul3A_55, %scan3A_42 : i32
      %add3A_57 = arith.constant 1 : i32
      %add3A_58 = arith.addi %mul3A_56, %add3A_57 : i32
      %mul3A_59 = arith.constant 32 : i32
      %mul3A_60 = arith.muli %add3A_58, %mul3A_59 : i32
      %add3A_61 = arith.addi %mul3A_60, %add3A : i32
      %lt3A_62 = arith.constant 7812 : i32
      %lt3A_63 = arith.cmpi slt, %add3A_61, %lt3A_62 : i32
      %convert_element_type3A_64 = arith.extui %lt3A_63 : i1 to i32
      %cond3A_65 = arith.constant 0 : i32
      %cond3A_66 = arith.cmpi ne, %convert_element_type3A_64, %cond3A_65 : i32
      scf.if %cond3A_66 {
        %add3A_79 = arith.constant 64 : i32
        %add3A_80 = arith.addi %add3A_61, %add3A_79 : i32
        %lt3A_81 = arith.constant 7812 : i32
        %lt3A_82 = arith.cmpi slt, %add3A_80, %lt3A_81 : i32
        %convert_element_type3A_83 = arith.extui %lt3A_82 : i1 to i32
        %cond3A_84 = arith.constant 0 : i32
        %cond3A_85 = arith.cmpi ne, %convert_element_type3A_83, %cond3A_84 : i32
        scf.if %cond3A_85 {
          %mul3A_107 = arith.constant 128 : i32
          %mul3A_108 = arith.muli %add3A_80, %mul3A_107 : i32
          %dma_start3A_109 = arith.constant 0 : i32
          %dma_start3A_110 = tpu.memref_slice %arg2[%dma_start3A_109, %mul3A_108] : memref<64x1000000xf32, #tpu.memory_space<hbm>> -> memref<64x128xf32, #tpu.memory_space<hbm>>
          %dma_start3A_111 = arith.constant 0 : i32
          %dma_start3A_112 = tpu.memref_slice %arg2[%dma_start3A_111, %mul3A_108] : memref<64x1000000xf32, #tpu.memory_space<hbm>> -> memref<64x128xf32, #tpu.memory_space<hbm>>
          tpu.enqueue_dma source(%dma_start3A_112 : memref<64x128xf32, #tpu.memory_space<hbm>>) target(%arg5 : memref<64x128xf32, #tpu.memory_space<vmem>>) target_semaphore(%arg11 : memref<!tpu.dma_semaphore, #tpu.memory_space<semaphore_mem>>)
        } else {
        }
        %dma_wait3A_86 = arith.constant 0 : i32
        %dma_wait3A_87 = arith.constant 0 : i32
        %dma_wait3A_88 = tpu.memref_slice %arg2[%dma_wait3A_86, %dma_wait3A_87] : memref<64x1000000xf32, #tpu.memory_space<hbm>> -> memref<64x128xf32, #tpu.memory_space<hbm>>
        %dma_wait3A_89 = arith.constant 0 : i32
        %dma_wait3A_90 = arith.constant 0 : i32
        %dma_wait3A_91 = tpu.memref_slice %arg2[%dma_wait3A_89, %dma_wait3A_90] : memref<64x1000000xf32, #tpu.memory_space<hbm>> -> memref<64x128xf32, #tpu.memory_space<hbm>>
        tpu.wait_dma2 semaphore(%arg12 : memref<!tpu.dma_semaphore, #tpu.memory_space<semaphore_mem>>) src(%dma_wait3A_91 : memref<64x128xf32, #tpu.memory_space<hbm>>) dst(%arg6 : memref<64x128xf32, #tpu.memory_space<vmem>>)
        %ge3A = arith.constant 3 : i32
        %ge3A_92 = arith.cmpi sge, %add3A_58, %ge3A : i32
        %convert_element_type3A_93 = arith.extui %ge3A_92 : i1 to i32
        %cond3A_94 = arith.constant 0 : i32
        %cond3A_95 = arith.cmpi ne, %convert_element_type3A_93, %cond3A_94 : i32
        scf.if %cond3A_95 {
          %dma_wait3A_107 = arith.constant 0 : i32
          %dma_wait3A_108 = tpu.memref_slice %arg4[%dma_wait3A_107] : memref<64000000xf32, #tpu.memory_space<hbm>> -> memref<8192xf32, #tpu.memory_space<hbm>>
          %dma_wait3A_109 = arith.constant 0 : i32
          %dma_wait3A_110 = tpu.memref_slice %arg4[%dma_wait3A_109] : memref<64000000xf32, #tpu.memory_space<hbm>> -> memref<8192xf32, #tpu.memory_space<hbm>>
          tpu.wait_dma2 semaphore(%arg15 : memref<!tpu.dma_semaphore, #tpu.memory_space<semaphore_mem>>) src(%arg9 : memref<8192xf32, #tpu.memory_space<vmem>>) dst(%dma_wait3A_110 : memref<8192xf32, #tpu.memory_space<hbm>>)
        } else {
        }
        %scan3A_96 = arith.constant 0 : i32
        %scan3A_97 = arith.constant 0 : i32
        %scan3A_98 = arith.constant 16 : i32
        %scan3A_99 = arith.addi %scan3A_97, %scan3A_98 : i32
        %scan3A_100 = arith.constant 1 : i32
        scf.for %scan3A_107 = %scan3A_97 to %scan3A_99 step %scan3A_100  : i32 {
          %add3A_108 = vector.broadcast %scan3A_107 : i32 to vector<16xi32>
          %add3A_109 = arith.addi %iota3A, %add3A_108 : vector<16xi32>
          %and3A = arith.constant 15 : i32
          %and3A_110 = vector.broadcast %and3A : i32 to vector<16xi32>
          %and3A_111 = arith.andi %add3A_109, %and3A_110 : vector<16xi32>
          %scan3A_112 = arith.constant 0 : i32
          %scan3A_113 = arith.constant 0 : i32
          %scan3A_114 = arith.constant 8 : i32
          %scan3A_115 = arith.addi %scan3A_113, %scan3A_114 : i32
          %scan3A_116 = arith.constant 1 : i32
          scf.for %scan3A_118 = %scan3A_113 to %scan3A_115 step %scan3A_116  : i32 {
            %mul3A_119 = arith.constant 16 : i32
            %mul3A_120 = arith.muli %scan3A_118, %mul3A_119 : i32
            %add3A_121 = vector.broadcast %mul3A_120 : i32 to vector<16xi32>
            %add3A_122 = arith.addi %add3A_121, %and3A_111 : vector<16xi32>
            %mul3A_123 = arith.constant 64 : i32
            %mul3A_124 = vector.broadcast %mul3A_123 : i32 to vector<16xi32>
            %mul3A_125 = arith.muli %add3A_122, %mul3A_124 : vector<16xi32>
            %gather3A = tpu.vector_load_idx %arg6[%add3A_3, %add3A_122] : memref<64x128xf32, #tpu.memory_space<vmem>>[vector<16xi32>, vector<16xi32>], vector<16xf32>,
            %add3A_126 = arith.addi %mul3A_125, %add3A_3 : vector<16xi32>
            tpu.vector_store_idx %arg9[%add3A_126], %gather3A : memref<8192xf32, #tpu.memory_space<vmem>>[vector<16xi32>], vector<16xf32>,
            %gather3A_127 = tpu.vector_load_idx %arg6[%add3A_6, %add3A_122] : memref<64x128xf32, #tpu.memory_space<vmem>>[vector<16xi32>, vector<16xi32>], vector<16xf32>,
            %add3A_128 = arith.addi %mul3A_125, %add3A_6 : vector<16xi32>
            tpu.vector_store_idx %arg9[%add3A_128], %gather3A_127 : memref<8192xf32, #tpu.memory_space<vmem>>[vector<16xi32>], vector<16xf32>,
            %gather3A_129 = tpu.vector_load_idx %arg6[%add3A_9, %add3A_122] : memref<64x128xf32, #tpu.memory_space<vmem>>[vector<16xi32>, vector<16xi32>], vector<16xf32>,
            %add3A_130 = arith.addi %mul3A_125, %add3A_9 : vector<16xi32>
            tpu.vector_store_idx %arg9[%add3A_130], %gather3A_129 : memref<8192xf32, #tpu.memory_space<vmem>>[vector<16xi32>], vector<16xf32>,
            %gather3A_131 = tpu.vector_load_idx %arg6[%add3A_12, %add3A_122] : memref<64x128xf32, #tpu.memory_space<vmem>>[vector<16xi32>, vector<16xi32>], vector<16xf32>,
            %add3A_132 = arith.addi %mul3A_125, %add3A_12 : vector<16xi32>
            tpu.vector_store_idx %arg9[%add3A_132], %gather3A_131 : memref<8192xf32, #tpu.memory_space<vmem>>[vector<16xi32>], vector<16xf32>,
          }
          %scan3A_117 = arith.constant 8 : i32
        }
        %scan3A_101 = arith.constant 16 : i32
        %mul3A_102 = arith.constant 128 : i32
        %mul3A_103 = arith.muli %add3A_61, %mul3A_102 : i32
        %mul3A_104 = arith.constant 64 : i32
        %mul3A_105 = arith.muli %mul3A_103, %mul3A_104 : i32
        %dma_start3A = tpu.memref_slice %arg4[%mul3A_105] : memref<64000000xf32, #tpu.memory_space<hbm>> -> memref<8192xf32, #tpu.memory_space<hbm>>
        %dma_start3A_106 = tpu.memref_slice %arg4[%mul3A_105] : memref<64000000xf32, #tpu.memory_space<hbm>> -> memref<8192xf32, #tpu.memory_space<hbm>>
        tpu.enqueue_dma source(%arg9 : memref<8192xf32, #tpu.memory_space<vmem>>) target(%dma_start3A_106 : memref<8192xf32, #tpu.memory_space<hbm>>) target_semaphore(%arg15 : memref<!tpu.dma_semaphore, #tpu.memory_space<semaphore_mem>>)
      } else {
      }
      %mul3A_67 = arith.constant 3 : i32
      %mul3A_68 = arith.muli %mul3A_67, %scan3A_42 : i32
      %add3A_69 = arith.constant 2 : i32
      %add3A_70 = arith.addi %mul3A_68, %add3A_69 : i32
      %mul3A_71 = arith.constant 32 : i32
      %mul3A_72 = arith.muli %add3A_70, %mul3A_71 : i32
      %add3A_73 = arith.addi %mul3A_72, %add3A : i32
      %lt3A_74 = arith.constant 7812 : i32
      %lt3A_75 = arith.cmpi slt, %add3A_73, %lt3A_74 : i32
      %convert_element_type3A_76 = arith.extui %lt3A_75 : i1 to i32
      %cond3A_77 = arith.constant 0 : i32
      %cond3A_78 = arith.cmpi ne, %convert_element_type3A_76, %cond3A_77 : i32
      scf.if %cond3A_78 {
        %add3A_79 = arith.constant 64 : i32
        %add3A_80 = arith.addi %add3A_73, %add3A_79 : i32
        %lt3A_81 = arith.constant 7812 : i32
        %lt3A_82 = arith.cmpi slt, %add3A_80, %lt3A_81 : i32
        %convert_element_type3A_83 = arith.extui %lt3A_82 : i1 to i32
        %cond3A_84 = arith.constant 0 : i32
        %cond3A_85 = arith.cmpi ne, %convert_element_type3A_83, %cond3A_84 : i32
        scf.if %cond3A_85 {
          %mul3A_107 = arith.constant 128 : i32
          %mul3A_108 = arith.muli %add3A_80, %mul3A_107 : i32
          %dma_start3A_109 = arith.constant 0 : i32
          %dma_start3A_110 = tpu.memref_slice %arg2[%dma_start3A_109, %mul3A_108] : memref<64x1000000xf32, #tpu.memory_space<hbm>> -> memref<64x128xf32, #tpu.memory_space<hbm>>
          %dma_start3A_111 = arith.constant 0 : i32
          %dma_start3A_112 = tpu.memref_slice %arg2[%dma_start3A_111, %mul3A_108] : memref<64x1000000xf32, #tpu.memory_space<hbm>> -> memref<64x128xf32, #tpu.memory_space<hbm>>
          tpu.enqueue_dma source(%dma_start3A_112 : memref<64x128xf32, #tpu.memory_space<hbm>>) target(%arg6 : memref<64x128xf32, #tpu.memory_space<vmem>>) target_semaphore(%arg12 : memref<!tpu.dma_semaphore, #tpu.memory_space<semaphore_mem>>)
        } else {
        }
        %dma_wait3A_86 = arith.constant 0 : i32
        %dma_wait3A_87 = arith.constant 0 : i32
        %dma_wait3A_88 = tpu.memref_slice %arg2[%dma_wait3A_86, %dma_wait3A_87] : memref<64x1000000xf32, #tpu.memory_space<hbm>> -> memref<64x128xf32, #tpu.memory_space<hbm>>
        %dma_wait3A_89 = arith.constant 0 : i32
        %dma_wait3A_90 = arith.constant 0 : i32
        %dma_wait3A_91 = tpu.memref_slice %arg2[%dma_wait3A_89, %dma_wait3A_90] : memref<64x1000000xf32, #tpu.memory_space<hbm>> -> memref<64x128xf32, #tpu.memory_space<hbm>>
        tpu.wait_dma2 semaphore(%arg13 : memref<!tpu.dma_semaphore, #tpu.memory_space<semaphore_mem>>) src(%dma_wait3A_91 : memref<64x128xf32, #tpu.memory_space<hbm>>) dst(%arg7 : memref<64x128xf32, #tpu.memory_space<vmem>>)
        %ge3A = arith.constant 3 : i32
        %ge3A_92 = arith.cmpi sge, %add3A_70, %ge3A : i32
        %convert_element_type3A_93 = arith.extui %ge3A_92 : i1 to i32
        %cond3A_94 = arith.constant 0 : i32
        %cond3A_95 = arith.cmpi ne, %convert_element_type3A_93, %cond3A_94 : i32
        scf.if %cond3A_95 {
          %dma_wait3A_107 = arith.constant 0 : i32
          %dma_wait3A_108 = tpu.memref_slice %arg4[%dma_wait3A_107] : memref<64000000xf32, #tpu.memory_space<hbm>> -> memref<8192xf32, #tpu.memory_space<hbm>>
          %dma_wait3A_109 = arith.constant 0 : i32
          %dma_wait3A_110 = tpu.memref_slice %arg4[%dma_wait3A_109] : memref<64000000xf32, #tpu.memory_space<hbm>> -> memref<8192xf32, #tpu.memory_space<hbm>>
          tpu.wait_dma2 semaphore(%arg16 : memref<!tpu.dma_semaphore, #tpu.memory_space<semaphore_mem>>) src(%arg10 : memref<8192xf32, #tpu.memory_space<vmem>>) dst(%dma_wait3A_110 : memref<8192xf32, #tpu.memory_space<hbm>>)
        } else {
        }
        %scan3A_96 = arith.constant 0 : i32
        %scan3A_97 = arith.constant 0 : i32
        %scan3A_98 = arith.constant 16 : i32
        %scan3A_99 = arith.addi %scan3A_97, %scan3A_98 : i32
        %scan3A_100 = arith.constant 1 : i32
        scf.for %scan3A_107 = %scan3A_97 to %scan3A_99 step %scan3A_100  : i32 {
          %add3A_108 = vector.broadcast %scan3A_107 : i32 to vector<16xi32>
          %add3A_109 = arith.addi %iota3A, %add3A_108 : vector<16xi32>
          %and3A = arith.constant 15 : i32
          %and3A_110 = vector.broadcast %and3A : i32 to vector<16xi32>
          %and3A_111 = arith.andi %add3A_109, %and3A_110 : vector<16xi32>
          %scan3A_112 = arith.constant 0 : i32
          %scan3A_113 = arith.constant 0 : i32
          %scan3A_114 = arith.constant 8 : i32
          %scan3A_115 = arith.addi %scan3A_113, %scan3A_114 : i32
          %scan3A_116 = arith.constant 1 : i32
          scf.for %scan3A_118 = %scan3A_113 to %scan3A_115 step %scan3A_116  : i32 {
            %mul3A_119 = arith.constant 16 : i32
            %mul3A_120 = arith.muli %scan3A_118, %mul3A_119 : i32
            %add3A_121 = vector.broadcast %mul3A_120 : i32 to vector<16xi32>
            %add3A_122 = arith.addi %add3A_121, %and3A_111 : vector<16xi32>
            %mul3A_123 = arith.constant 64 : i32
            %mul3A_124 = vector.broadcast %mul3A_123 : i32 to vector<16xi32>
            %mul3A_125 = arith.muli %add3A_122, %mul3A_124 : vector<16xi32>
            %gather3A = tpu.vector_load_idx %arg7[%add3A_3, %add3A_122] : memref<64x128xf32, #tpu.memory_space<vmem>>[vector<16xi32>, vector<16xi32>], vector<16xf32>,
            %add3A_126 = arith.addi %mul3A_125, %add3A_3 : vector<16xi32>
            tpu.vector_store_idx %arg10[%add3A_126], %gather3A : memref<8192xf32, #tpu.memory_space<vmem>>[vector<16xi32>], vector<16xf32>,
            %gather3A_127 = tpu.vector_load_idx %arg7[%add3A_6, %add3A_122] : memref<64x128xf32, #tpu.memory_space<vmem>>[vector<16xi32>, vector<16xi32>], vector<16xf32>,
            %add3A_128 = arith.addi %mul3A_125, %add3A_6 : vector<16xi32>
            tpu.vector_store_idx %arg10[%add3A_128], %gather3A_127 : memref<8192xf32, #tpu.memory_space<vmem>>[vector<16xi32>], vector<16xf32>,
            %gather3A_129 = tpu.vector_load_idx %arg7[%add3A_9, %add3A_122] : memref<64x128xf32, #tpu.memory_space<vmem>>[vector<16xi32>, vector<16xi32>], vector<16xf32>,
            %add3A_130 = arith.addi %mul3A_125, %add3A_9 : vector<16xi32>
            tpu.vector_store_idx %arg10[%add3A_130], %gather3A_129 : memref<8192xf32, #tpu.memory_space<vmem>>[vector<16xi32>], vector<16xf32>,
            %gather3A_131 = tpu.vector_load_idx %arg7[%add3A_12, %add3A_122] : memref<64x128xf32, #tpu.memory_space<vmem>>[vector<16xi32>, vector<16xi32>], vector<16xf32>,
            %add3A_132 = arith.addi %mul3A_125, %add3A_12 : vector<16xi32>
            tpu.vector_store_idx %arg10[%add3A_132], %gather3A_131 : memref<8192xf32, #tpu.memory_space<vmem>>[vector<16xi32>], vector<16xf32>,
          }
          %scan3A_117 = arith.constant 8 : i32
        }
        %scan3A_101 = arith.constant 16 : i32
        %mul3A_102 = arith.constant 128 : i32
        %mul3A_103 = arith.muli %add3A_73, %mul3A_102 : i32
        %mul3A_104 = arith.constant 64 : i32
        %mul3A_105 = arith.muli %mul3A_103, %mul3A_104 : i32
        %dma_start3A = tpu.memref_slice %arg4[%mul3A_105] : memref<64000000xf32, #tpu.memory_space<hbm>> -> memref<8192xf32, #tpu.memory_space<hbm>>
        %dma_start3A_106 = tpu.memref_slice %arg4[%mul3A_105] : memref<64000000xf32, #tpu.memory_space<hbm>> -> memref<8192xf32, #tpu.memory_space<hbm>>
        tpu.enqueue_dma source(%arg10 : memref<8192xf32, #tpu.memory_space<vmem>>) target(%dma_start3A_106 : memref<8192xf32, #tpu.memory_space<hbm>>) target_semaphore(%arg16 : memref<!tpu.dma_semaphore, #tpu.memory_space<semaphore_mem>>)
      } else {
      }
    }
    %scan3A_26 = arith.constant 82 : i32
    %dma_wait3A = arith.constant 0 : i32
    %dma_wait3A_27 = tpu.memref_slice %arg4[%dma_wait3A] : memref<64000000xf32, #tpu.memory_space<hbm>> -> memref<8192xf32, #tpu.memory_space<hbm>>
    %dma_wait3A_28 = arith.constant 0 : i32
    %dma_wait3A_29 = tpu.memref_slice %arg4[%dma_wait3A_28] : memref<64000000xf32, #tpu.memory_space<hbm>> -> memref<8192xf32, #tpu.memory_space<hbm>>
    tpu.wait_dma2 semaphore(%arg14 : memref<!tpu.dma_semaphore, #tpu.memory_space<semaphore_mem>>) src(%arg8 : memref<8192xf32, #tpu.memory_space<vmem>>) dst(%dma_wait3A_29 : memref<8192xf32, #tpu.memory_space<hbm>>)
    %dma_wait3A_30 = arith.constant 0 : i32
    %dma_wait3A_31 = tpu.memref_slice %arg4[%dma_wait3A_30] : memref<64000000xf32, #tpu.memory_space<hbm>> -> memref<8192xf32, #tpu.memory_space<hbm>>
    %dma_wait3A_32 = arith.constant 0 : i32
    %dma_wait3A_33 = tpu.memref_slice %arg4[%dma_wait3A_32] : memref<64000000xf32, #tpu.memory_space<hbm>> -> memref<8192xf32, #tpu.memory_space<hbm>>
    tpu.wait_dma2 semaphore(%arg15 : memref<!tpu.dma_semaphore, #tpu.memory_space<semaphore_mem>>) src(%arg9 : memref<8192xf32, #tpu.memory_space<vmem>>) dst(%dma_wait3A_33 : memref<8192xf32, #tpu.memory_space<hbm>>)
    %dma_wait3A_34 = arith.constant 0 : i32
    %dma_wait3A_35 = tpu.memref_slice %arg4[%dma_wait3A_34] : memref<64000000xf32, #tpu.memory_space<hbm>> -> memref<8192xf32, #tpu.memory_space<hbm>>
    %dma_wait3A_36 = arith.constant 0 : i32
    %dma_wait3A_37 = tpu.memref_slice %arg4[%dma_wait3A_36] : memref<64000000xf32, #tpu.memory_space<hbm>> -> memref<8192xf32, #tpu.memory_space<hbm>>
    tpu.wait_dma2 semaphore(%arg16 : memref<!tpu.dma_semaphore, #tpu.memory_space<semaphore_mem>>) src(%arg10 : memref<8192xf32, #tpu.memory_space<vmem>>) dst(%dma_wait3A_37 : memref<8192xf32, #tpu.memory_space<hbm>>)
    %eq3A = arith.constant 0 : i32
    %eq3A_38 = arith.cmpi eq, %add3A, %eq3A : i32
    %convert_element_type3A_39 = arith.extui %eq3A_38 : i1 to i32
    %cond3A_40 = arith.constant 0 : i32
    %cond3A_41 = arith.cmpi ne, %convert_element_type3A_39, %cond3A_40 : i32
    scf.if %cond3A_41 {
      "tpu.region"() ({
        %run_scoped3A = tpu.sem_alloc : memref<!tpu.dma_semaphore, #tpu.memory_space<semaphore_mem>>
        tpu.enqueue_dma source(%arg3 : memref<64x128xf32, #tpu.memory_space<hbm>>) target(%arg5 : memref<64x128xf32, #tpu.memory_space<vmem>>) target_semaphore(%run_scoped3A : memref<!tpu.dma_semaphore, #tpu.memory_space<semaphore_mem>>)
        tpu.wait_dma2 semaphore(%run_scoped3A : memref<!tpu.dma_semaphore, #tpu.memory_space<semaphore_mem>>) src(%arg3 : memref<64x128xf32, #tpu.memory_space<hbm>>) dst(%arg5 : memref<64x128xf32, #tpu.memory_space<vmem>>)
        tpu.yield
      }) : () -> ()
      %scan3A_42 = arith.constant 0 : i32
      %scan3A_43 = arith.constant 0 : i32
      %scan3A_44 = arith.constant 16 : i32
      %scan3A_45 = arith.addi %scan3A_43, %scan3A_44 : i32
      %scan3A_46 = arith.constant 1 : i32
      scf.for %scan3A_48 = %scan3A_43 to %scan3A_45 step %scan3A_46  : i32 {
        %add3A_49 = vector.broadcast %scan3A_48 : i32 to vector<16xi32>
        %add3A_50 = arith.addi %iota3A, %add3A_49 : vector<16xi32>
        %and3A = arith.constant 15 : i32
        %and3A_51 = vector.broadcast %and3A : i32 to vector<16xi32>
        %and3A_52 = arith.andi %add3A_50, %and3A_51 : vector<16xi32>
        %scan3A_53 = arith.constant 0 : i32
        %scan3A_54 = arith.constant 0 : i32
        %scan3A_55 = arith.constant 8 : i32
        %scan3A_56 = arith.addi %scan3A_54, %scan3A_55 : i32
        %scan3A_57 = arith.constant 1 : i32
        scf.for %scan3A_59 = %scan3A_54 to %scan3A_56 step %scan3A_57  : i32 {
          %mul3A_60 = arith.constant 16 : i32
          %mul3A_61 = arith.muli %scan3A_59, %mul3A_60 : i32
          %add3A_62 = vector.broadcast %mul3A_61 : i32 to vector<16xi32>
          %add3A_63 = arith.addi %add3A_62, %and3A_52 : vector<16xi32>
          %mul3A_64 = arith.constant 64 : i32
          %mul3A_65 = vector.broadcast %mul3A_64 : i32 to vector<16xi32>
          %mul3A_66 = arith.muli %add3A_63, %mul3A_65 : vector<16xi32>
          %gather3A = tpu.vector_load_idx %arg5[%add3A_3, %add3A_63] : memref<64x128xf32, #tpu.memory_space<vmem>>[vector<16xi32>, vector<16xi32>], vector<16xf32>,
          %add3A_67 = arith.addi %mul3A_66, %add3A_3 : vector<16xi32>
          tpu.vector_store_idx %arg8[%add3A_67], %gather3A : memref<8192xf32, #tpu.memory_space<vmem>>[vector<16xi32>], vector<16xf32>,
          %gather3A_68 = tpu.vector_load_idx %arg5[%add3A_6, %add3A_63] : memref<64x128xf32, #tpu.memory_space<vmem>>[vector<16xi32>, vector<16xi32>], vector<16xf32>,
          %add3A_69 = arith.addi %mul3A_66, %add3A_6 : vector<16xi32>
          tpu.vector_store_idx %arg8[%add3A_69], %gather3A_68 : memref<8192xf32, #tpu.memory_space<vmem>>[vector<16xi32>], vector<16xf32>,
          %gather3A_70 = tpu.vector_load_idx %arg5[%add3A_9, %add3A_63] : memref<64x128xf32, #tpu.memory_space<vmem>>[vector<16xi32>, vector<16xi32>], vector<16xf32>,
          %add3A_71 = arith.addi %mul3A_66, %add3A_9 : vector<16xi32>
          tpu.vector_store_idx %arg8[%add3A_71], %gather3A_70 : memref<8192xf32, #tpu.memory_space<vmem>>[vector<16xi32>], vector<16xf32>,
          %gather3A_72 = tpu.vector_load_idx %arg5[%add3A_12, %add3A_63] : memref<64x128xf32, #tpu.memory_space<vmem>>[vector<16xi32>, vector<16xi32>], vector<16xf32>,
          %add3A_73 = arith.addi %mul3A_66, %add3A_12 : vector<16xi32>
          tpu.vector_store_idx %arg8[%add3A_73], %gather3A_72 : memref<8192xf32, #tpu.memory_space<vmem>>[vector<16xi32>], vector<16xf32>,
        }
        %scan3A_58 = arith.constant 8 : i32
      }
      %scan3A_47 = arith.constant 16 : i32
      "tpu.region"() ({
        %run_scoped3A = tpu.sem_alloc : memref<!tpu.dma_semaphore, #tpu.memory_space<semaphore_mem>>
        %dma_start3A = arith.constant 63991808 : i32
        %dma_start3A_48 = tpu.memref_slice %arg4[%dma_start3A] : memref<64000000xf32, #tpu.memory_space<hbm>> -> memref<8192xf32, #tpu.memory_space<hbm>>
        %dma_start3A_49 = arith.constant 63991808 : i32
        %dma_start3A_50 = tpu.memref_slice %arg4[%dma_start3A_49] : memref<64000000xf32, #tpu.memory_space<hbm>> -> memref<8192xf32, #tpu.memory_space<hbm>>
        tpu.enqueue_dma source(%arg8 : memref<8192xf32, #tpu.memory_space<vmem>>) target(%dma_start3A_50 : memref<8192xf32, #tpu.memory_space<hbm>>) target_semaphore(%run_scoped3A : memref<!tpu.dma_semaphore, #tpu.memory_space<semaphore_mem>>)
        %dma_wait3A_51 = arith.constant 63991808 : i32
        %dma_wait3A_52 = tpu.memref_slice %arg4[%dma_wait3A_51] : memref<64000000xf32, #tpu.memory_space<hbm>> -> memref<8192xf32, #tpu.memory_space<hbm>>
        %dma_wait3A_53 = arith.constant 63991808 : i32
        %dma_wait3A_54 = tpu.memref_slice %arg4[%dma_wait3A_53] : memref<64000000xf32, #tpu.memory_space<hbm>> -> memref<8192xf32, #tpu.memory_space<hbm>>
        tpu.wait_dma2 semaphore(%run_scoped3A : memref<!tpu.dma_semaphore, #tpu.memory_space<semaphore_mem>>) src(%arg8 : memref<8192xf32, #tpu.memory_space<vmem>>) dst(%dma_wait3A_54 : memref<8192xf32, #tpu.memory_space<hbm>>)
        tpu.yield
      }) : () -> ()
    } else {
    }
    return
  }
}

#map = affine_map<(d0, d1) -> (0)>
#map1 = affine_map<(d0, d1) -> (0, 0)>
#map2 = affine_map<(d0, d1) -> (0, 0, 0, 0)>
module attributes {stable_mosaic.version = 14 : i64} {
  func.func @k2(%arg0: i32, %arg1: i32, %arg2: memref<819200xi32, #tpu.memory_space<hbm>>, %arg3: memref<1000000x64xf32, #tpu.memory_space<hbm>>, %arg4: memref<200x8x32x1024xf32, #tpu.memory_space<hbm>>, %arg5: memref<128xi32, #tpu.memory_space<vmem>>, %arg6: memref<128xi32, #tpu.memory_space<vmem>>, %arg7: memref<128xi32, #tpu.memory_space<vmem>>, %arg8: memref<128xi32, #tpu.memory_space<vmem>>, %arg9: memref<128xi32, #tpu.memory_space<vmem>>, %arg10: memref<128x64xf32, #tpu.memory_space<vmem>>, %arg11: memref<128x64xf32, #tpu.memory_space<vmem>>, %arg12: memref<128x64xf32, #tpu.memory_space<vmem>>, %arg13: memref<128x64xf32, #tpu.memory_space<vmem>>, %arg14: memref<128x64xf32, #tpu.memory_space<vmem>>, %arg15: memref<8x1024xf32, #tpu.memory_space<vmem>>, %arg16: memref<8x1024xf32, #tpu.memory_space<vmem>>, %arg17: memref<8x1024xf32, #tpu.memory_space<vmem>>, %arg18: memref<8x1024xf32, #tpu.memory_space<vmem>>, %arg19: memref<8x1024xf32, #tpu.memory_space<vmem>>, %arg20: memref<!tpu.dma_semaphore, #tpu.memory_space<semaphore_mem>>, %arg21: memref<!tpu.dma_semaphore, #tpu.memory_space<semaphore_mem>>, %arg22: memref<!tpu.dma_semaphore, #tpu.memory_space<semaphore_mem>>, %arg23: memref<!tpu.dma_semaphore, #tpu.memory_space<semaphore_mem>>, %arg24: memref<!tpu.dma_semaphore, #tpu.memory_space<semaphore_mem>>, %arg25: memref<!tpu.dma_semaphore, #tpu.memory_space<semaphore_mem>>, %arg26: memref<!tpu.dma_semaphore, #tpu.memory_space<semaphore_mem>>, %arg27: memref<!tpu.dma_semaphore, #tpu.memory_space<semaphore_mem>>, %arg28: memref<!tpu.dma_semaphore, #tpu.memory_space<semaphore_mem>>, %arg29: memref<!tpu.dma_semaphore, #tpu.memory_space<semaphore_mem>>, %arg30: memref<!tpu.dma_semaphore, #tpu.memory_space<semaphore_mem>>, %arg31: memref<!tpu.dma_semaphore, #tpu.memory_space<semaphore_mem>>, %arg32: memref<!tpu.dma_semaphore, #tpu.memory_space<semaphore_mem>>, %arg33: memref<!tpu.dma_semaphore, #tpu.memory_space<semaphore_mem>>, %arg34: memref<!tpu.dma_semaphore, #tpu.memory_space<semaphore_mem>>) attributes {dimension_semantics = [#tpu.dimension_semantics<core_parallel>, #tpu.dimension_semantics<subcore_parallel>], iteration_bounds = array<i64: 2, 16>, scalar_prefetch = 0 : i64, scratch_operands = 30 : i64, tpu.core_type = #tpu.core_type<sc_vector_subcore>, window_params = [{transform_indices = #map}, {transform_indices = #map1}, {transform_indices = #map2}]} {
    %mul3A = arith.constant 2 : i32
    %mul3A_0 = arith.muli %arg1, %mul3A : i32
    %add3A = arith.addi %mul3A_0, %arg0 : i32
    %mul3A_1 = arith.constant 200 : i32
    %mul3A_2 = arith.muli %add3A, %mul3A_1 : i32
    %iota3A = tpu.iota {dimensions = array<i32: 0>} : vector<16xi32>
    %add3A_3 = arith.constant 0 : i32
    %add3A_4 = vector.broadcast %add3A_3 : i32 to vector<16xi32>
    %add3A_5 = arith.addi %add3A_4, %iota3A : vector<16xi32>
    %add3A_6 = arith.constant 16 : i32
    %add3A_7 = vector.broadcast %add3A_6 : i32 to vector<16xi32>
    %add3A_8 = arith.addi %add3A_7, %iota3A : vector<16xi32>
    %add3A_9 = arith.constant 32 : i32
    %add3A_10 = vector.broadcast %add3A_9 : i32 to vector<16xi32>
    %add3A_11 = arith.addi %add3A_10, %iota3A : vector<16xi32>
    %add3A_12 = arith.constant 48 : i32
    %add3A_13 = vector.broadcast %add3A_12 : i32 to vector<16xi32>
    %add3A_14 = arith.addi %add3A_13, %iota3A : vector<16xi32>
    %shift_right_arithmetic3A = arith.constant 3 : i32
    %shift_right_arithmetic3A_15 = vector.broadcast %shift_right_arithmetic3A : i32 to vector<16xi32>
    %shift_right_arithmetic3A_16 = arith.shrsi %add3A_5, %shift_right_arithmetic3A_15 : vector<16xi32>
    %shift_right_arithmetic3A_17 = arith.constant 3 : i32
    %shift_right_arithmetic3A_18 = vector.broadcast %shift_right_arithmetic3A_17 : i32 to vector<16xi32>
    %shift_right_arithmetic3A_19 = arith.shrsi %add3A_8, %shift_right_arithmetic3A_18 : vector<16xi32>
    %shift_right_arithmetic3A_20 = arith.constant 3 : i32
    %shift_right_arithmetic3A_21 = vector.broadcast %shift_right_arithmetic3A_20 : i32 to vector<16xi32>
    %shift_right_arithmetic3A_22 = arith.shrsi %add3A_11, %shift_right_arithmetic3A_21 : vector<16xi32>
    %shift_right_arithmetic3A_23 = arith.constant 3 : i32
    %shift_right_arithmetic3A_24 = vector.broadcast %shift_right_arithmetic3A_23 : i32 to vector<16xi32>
    %shift_right_arithmetic3A_25 = arith.shrsi %add3A_14, %shift_right_arithmetic3A_24 : vector<16xi32>
    %and3A = arith.constant 7 : i32
    %and3A_26 = vector.broadcast %and3A : i32 to vector<16xi32>
    %and3A_27 = arith.andi %add3A_5, %and3A_26 : vector<16xi32>
    %shift_left3A = arith.constant 7 : i32
    %shift_left3A_28 = vector.broadcast %shift_left3A : i32 to vector<16xi32>
    %shift_left3A_29 = arith.shli %and3A_27, %shift_left3A_28 : vector<16xi32>
    %and3A_30 = arith.constant 7 : i32
    %and3A_31 = vector.broadcast %and3A_30 : i32 to vector<16xi32>
    %and3A_32 = arith.andi %add3A_8, %and3A_31 : vector<16xi32>
    %shift_left3A_33 = arith.constant 7 : i32
    %shift_left3A_34 = vector.broadcast %shift_left3A_33 : i32 to vector<16xi32>
    %shift_left3A_35 = arith.shli %and3A_32, %shift_left3A_34 : vector<16xi32>
    %and3A_36 = arith.constant 7 : i32
    %and3A_37 = vector.broadcast %and3A_36 : i32 to vector<16xi32>
    %and3A_38 = arith.andi %add3A_11, %and3A_37 : vector<16xi32>
    %shift_left3A_39 = arith.constant 7 : i32
    %shift_left3A_40 = vector.broadcast %shift_left3A_39 : i32 to vector<16xi32>
    %shift_left3A_41 = arith.shli %and3A_38, %shift_left3A_40 : vector<16xi32>
    %and3A_42 = arith.constant 7 : i32
    %and3A_43 = vector.broadcast %and3A_42 : i32 to vector<16xi32>
    %and3A_44 = arith.andi %add3A_14, %and3A_43 : vector<16xi32>
    %shift_left3A_45 = arith.constant 7 : i32
    %shift_left3A_46 = vector.broadcast %shift_left3A_45 : i32 to vector<16xi32>
    %shift_left3A_47 = arith.shli %and3A_44, %shift_left3A_46 : vector<16xi32>
    %add3A_48 = arith.constant 0 : i32
    %add3A_49 = arith.addi %mul3A_2, %add3A_48 : i32
    %jit3A = arith.constant 32 : i32
    %div3A = arith.divsi %add3A_49, %jit3A : i32
    %sign3A = arith.constant 0 : i32
    %sign3A_50 = arith.cmpi sgt, %add3A_49, %sign3A : i32
    %sign3A_51 = arith.extui %sign3A_50 : i1 to i32
    %sign3A_52 = arith.constant 0 : i32
    %sign3A_53 = arith.cmpi slt, %add3A_49, %sign3A_52 : i32
    %sign3A_54 = arith.extui %sign3A_53 : i1 to i32
    %sign3A_55 = arith.subi %sign3A_51, %sign3A_54 : i32
    %sign3A_56 = arith.constant 0 : i32
    %sign3A_57 = arith.cmpi sgt, %jit3A, %sign3A_56 : i32
    %sign3A_58 = arith.extui %sign3A_57 : i1 to i32
    %sign3A_59 = arith.constant 0 : i32
    %sign3A_60 = arith.cmpi slt, %jit3A, %sign3A_59 : i32
    %sign3A_61 = arith.extui %sign3A_60 : i1 to i32
    %sign3A_62 = arith.subi %sign3A_58, %sign3A_61 : i32
    %ne3A = arith.cmpi ne, %sign3A_55, %sign3A_62 : i32
    %rem3A = arith.remsi %add3A_49, %jit3A : i32
    %ne3A_63 = arith.constant 0 : i32
    %ne3A_64 = arith.cmpi ne, %rem3A, %ne3A_63 : i32
    %and3A_65 = arith.andi %ne3A, %ne3A_64 : i1
    %sub3A = arith.constant 1 : i32
    %sub3A_66 = arith.subi %div3A, %sub3A : i32
    %select_n3A = arith.select %and3A_65, %sub3A_66, %div3A : i32
    %jit3A_67 = arith.constant 32 : i32
    %eq3A = arith.constant 0 : i32
    %eq3A_68 = arith.cmpi eq, %jit3A_67, %eq3A : i32
    %jit3A_69 = arith.constant 1 : i32
    %select_n3A_70 = arith.select %eq3A_68, %jit3A_69, %jit3A_67 : i32
    %rem3A_71 = arith.remsi %add3A_49, %select_n3A_70 : i32
    %ne3A_72 = arith.constant 0 : i32
    %ne3A_73 = arith.cmpi ne, %rem3A_71, %ne3A_72 : i32
    %lt3A = arith.constant 0 : i32
    %lt3A_74 = arith.cmpi slt, %rem3A_71, %lt3A : i32
    %lt3A_75 = arith.constant 0 : i32
    %lt3A_76 = arith.cmpi slt, %select_n3A_70, %lt3A_75 : i32
    %ne3A_77 = arith.xori %lt3A_74, %lt3A_76 : i1
    %and3A_78 = arith.andi %ne3A_77, %ne3A_73 : i1
    %add3A_79 = arith.addi %rem3A_71, %select_n3A_70 : i32
    %select_n3A_80 = arith.select %and3A_78, %add3A_79, %rem3A_71 : i32
    %mul3A_81 = arith.constant 4096 : i32
    %mul3A_82 = arith.muli %select_n3A, %mul3A_81 : i32
    %mul3A_83 = arith.constant 128 : i32
    %mul3A_84 = arith.muli %select_n3A_80, %mul3A_83 : i32
    %add3A_85 = arith.addi %mul3A_82, %mul3A_84 : i32
    %dma_start3A = tpu.memref_slice %arg2[%add3A_85] : memref<819200xi32, #tpu.memory_space<hbm>> -> memref<128xi32, #tpu.memory_space<hbm>>
    %dma_start3A_86 = tpu.memref_slice %arg2[%add3A_85] : memref<819200xi32, #tpu.memory_space<hbm>> -> memref<128xi32, #tpu.memory_space<hbm>>
    tpu.enqueue_dma source(%dma_start3A_86 : memref<128xi32, #tpu.memory_space<hbm>>) target(%arg5 : memref<128xi32, #tpu.memory_space<vmem>>) target_semaphore(%arg20 : memref<!tpu.dma_semaphore, #tpu.memory_space<semaphore_mem>>)
    %add3A_87 = arith.constant 1 : i32
    %add3A_88 = arith.addi %mul3A_2, %add3A_87 : i32
    %jit3A_89 = arith.constant 32 : i32
    %div3A_90 = arith.divsi %add3A_88, %jit3A_89 : i32
    %sign3A_91 = arith.constant 0 : i32
    %sign3A_92 = arith.cmpi sgt, %add3A_88, %sign3A_91 : i32
    %sign3A_93 = arith.extui %sign3A_92 : i1 to i32
    %sign3A_94 = arith.constant 0 : i32
    %sign3A_95 = arith.cmpi slt, %add3A_88, %sign3A_94 : i32
    %sign3A_96 = arith.extui %sign3A_95 : i1 to i32
    %sign3A_97 = arith.subi %sign3A_93, %sign3A_96 : i32
    %sign3A_98 = arith.constant 0 : i32
    %sign3A_99 = arith.cmpi sgt, %jit3A_89, %sign3A_98 : i32
    %sign3A_100 = arith.extui %sign3A_99 : i1 to i32
    %sign3A_101 = arith.constant 0 : i32
    %sign3A_102 = arith.cmpi slt, %jit3A_89, %sign3A_101 : i32
    %sign3A_103 = arith.extui %sign3A_102 : i1 to i32
    %sign3A_104 = arith.subi %sign3A_100, %sign3A_103 : i32
    %ne3A_105 = arith.cmpi ne, %sign3A_97, %sign3A_104 : i32
    %rem3A_106 = arith.remsi %add3A_88, %jit3A_89 : i32
    %ne3A_107 = arith.constant 0 : i32
    %ne3A_108 = arith.cmpi ne, %rem3A_106, %ne3A_107 : i32
    %and3A_109 = arith.andi %ne3A_105, %ne3A_108 : i1
    %sub3A_110 = arith.constant 1 : i32
    %sub3A_111 = arith.subi %div3A_90, %sub3A_110 : i32
    %select_n3A_112 = arith.select %and3A_109, %sub3A_111, %div3A_90 : i32
    %jit3A_113 = arith.constant 32 : i32
    %eq3A_114 = arith.constant 0 : i32
    %eq3A_115 = arith.cmpi eq, %jit3A_113, %eq3A_114 : i32
    %jit3A_116 = arith.constant 1 : i32
    %select_n3A_117 = arith.select %eq3A_115, %jit3A_116, %jit3A_113 : i32
    %rem3A_118 = arith.remsi %add3A_88, %select_n3A_117 : i32
    %ne3A_119 = arith.constant 0 : i32
    %ne3A_120 = arith.cmpi ne, %rem3A_118, %ne3A_119 : i32
    %lt3A_121 = arith.constant 0 : i32
    %lt3A_122 = arith.cmpi slt, %rem3A_118, %lt3A_121 : i32
    %lt3A_123 = arith.constant 0 : i32
    %lt3A_124 = arith.cmpi slt, %select_n3A_117, %lt3A_123 : i32
    %ne3A_125 = arith.xori %lt3A_122, %lt3A_124 : i1
    %and3A_126 = arith.andi %ne3A_125, %ne3A_120 : i1
    %add3A_127 = arith.addi %rem3A_118, %select_n3A_117 : i32
    %select_n3A_128 = arith.select %and3A_126, %add3A_127, %rem3A_118 : i32
    %mul3A_129 = arith.constant 4096 : i32
    %mul3A_130 = arith.muli %select_n3A_112, %mul3A_129 : i32
    %mul3A_131 = arith.constant 128 : i32
    %mul3A_132 = arith.muli %select_n3A_128, %mul3A_131 : i32
    %add3A_133 = arith.addi %mul3A_130, %mul3A_132 : i32
    %dma_start3A_134 = tpu.memref_slice %arg2[%add3A_133] : memref<819200xi32, #tpu.memory_space<hbm>> -> memref<128xi32, #tpu.memory_space<hbm>>
    %dma_start3A_135 = tpu.memref_slice %arg2[%add3A_133] : memref<819200xi32, #tpu.memory_space<hbm>> -> memref<128xi32, #tpu.memory_space<hbm>>
    tpu.enqueue_dma source(%dma_start3A_135 : memref<128xi32, #tpu.memory_space<hbm>>) target(%arg6 : memref<128xi32, #tpu.memory_space<vmem>>) target_semaphore(%arg21 : memref<!tpu.dma_semaphore, #tpu.memory_space<semaphore_mem>>)
    %add3A_136 = arith.constant 2 : i32
    %add3A_137 = arith.addi %mul3A_2, %add3A_136 : i32
    %jit3A_138 = arith.constant 32 : i32
    %div3A_139 = arith.divsi %add3A_137, %jit3A_138 : i32
    %sign3A_140 = arith.constant 0 : i32
    %sign3A_141 = arith.cmpi sgt, %add3A_137, %sign3A_140 : i32
    %sign3A_142 = arith.extui %sign3A_141 : i1 to i32
    %sign3A_143 = arith.constant 0 : i32
    %sign3A_144 = arith.cmpi slt, %add3A_137, %sign3A_143 : i32
    %sign3A_145 = arith.extui %sign3A_144 : i1 to i32
    %sign3A_146 = arith.subi %sign3A_142, %sign3A_145 : i32
    %sign3A_147 = arith.constant 0 : i32
    %sign3A_148 = arith.cmpi sgt, %jit3A_138, %sign3A_147 : i32
    %sign3A_149 = arith.extui %sign3A_148 : i1 to i32
    %sign3A_150 = arith.constant 0 : i32
    %sign3A_151 = arith.cmpi slt, %jit3A_138, %sign3A_150 : i32
    %sign3A_152 = arith.extui %sign3A_151 : i1 to i32
    %sign3A_153 = arith.subi %sign3A_149, %sign3A_152 : i32
    %ne3A_154 = arith.cmpi ne, %sign3A_146, %sign3A_153 : i32
    %rem3A_155 = arith.remsi %add3A_137, %jit3A_138 : i32
    %ne3A_156 = arith.constant 0 : i32
    %ne3A_157 = arith.cmpi ne, %rem3A_155, %ne3A_156 : i32
    %and3A_158 = arith.andi %ne3A_154, %ne3A_157 : i1
    %sub3A_159 = arith.constant 1 : i32
    %sub3A_160 = arith.subi %div3A_139, %sub3A_159 : i32
    %select_n3A_161 = arith.select %and3A_158, %sub3A_160, %div3A_139 : i32
    %jit3A_162 = arith.constant 32 : i32
    %eq3A_163 = arith.constant 0 : i32
    %eq3A_164 = arith.cmpi eq, %jit3A_162, %eq3A_163 : i32
    %jit3A_165 = arith.constant 1 : i32
    %select_n3A_166 = arith.select %eq3A_164, %jit3A_165, %jit3A_162 : i32
    %rem3A_167 = arith.remsi %add3A_137, %select_n3A_166 : i32
    %ne3A_168 = arith.constant 0 : i32
    %ne3A_169 = arith.cmpi ne, %rem3A_167, %ne3A_168 : i32
    %lt3A_170 = arith.constant 0 : i32
    %lt3A_171 = arith.cmpi slt, %rem3A_167, %lt3A_170 : i32
    %lt3A_172 = arith.constant 0 : i32
    %lt3A_173 = arith.cmpi slt, %select_n3A_166, %lt3A_172 : i32
    %ne3A_174 = arith.xori %lt3A_171, %lt3A_173 : i1
    %and3A_175 = arith.andi %ne3A_174, %ne3A_169 : i1
    %add3A_176 = arith.addi %rem3A_167, %select_n3A_166 : i32
    %select_n3A_177 = arith.select %and3A_175, %add3A_176, %rem3A_167 : i32
    %mul3A_178 = arith.constant 4096 : i32
    %mul3A_179 = arith.muli %select_n3A_161, %mul3A_178 : i32
    %mul3A_180 = arith.constant 128 : i32
    %mul3A_181 = arith.muli %select_n3A_177, %mul3A_180 : i32
    %add3A_182 = arith.addi %mul3A_179, %mul3A_181 : i32
    %dma_start3A_183 = tpu.memref_slice %arg2[%add3A_182] : memref<819200xi32, #tpu.memory_space<hbm>> -> memref<128xi32, #tpu.memory_space<hbm>>
    %dma_start3A_184 = tpu.memref_slice %arg2[%add3A_182] : memref<819200xi32, #tpu.memory_space<hbm>> -> memref<128xi32, #tpu.memory_space<hbm>>
    tpu.enqueue_dma source(%dma_start3A_184 : memref<128xi32, #tpu.memory_space<hbm>>) target(%arg7 : memref<128xi32, #tpu.memory_space<vmem>>) target_semaphore(%arg22 : memref<!tpu.dma_semaphore, #tpu.memory_space<semaphore_mem>>)
    %add3A_185 = arith.constant 3 : i32
    %add3A_186 = arith.addi %mul3A_2, %add3A_185 : i32
    %jit3A_187 = arith.constant 32 : i32
    %div3A_188 = arith.divsi %add3A_186, %jit3A_187 : i32
    %sign3A_189 = arith.constant 0 : i32
    %sign3A_190 = arith.cmpi sgt, %add3A_186, %sign3A_189 : i32
    %sign3A_191 = arith.extui %sign3A_190 : i1 to i32
    %sign3A_192 = arith.constant 0 : i32
    %sign3A_193 = arith.cmpi slt, %add3A_186, %sign3A_192 : i32
    %sign3A_194 = arith.extui %sign3A_193 : i1 to i32
    %sign3A_195 = arith.subi %sign3A_191, %sign3A_194 : i32
    %sign3A_196 = arith.constant 0 : i32
    %sign3A_197 = arith.cmpi sgt, %jit3A_187, %sign3A_196 : i32
    %sign3A_198 = arith.extui %sign3A_197 : i1 to i32
    %sign3A_199 = arith.constant 0 : i32
    %sign3A_200 = arith.cmpi slt, %jit3A_187, %sign3A_199 : i32
    %sign3A_201 = arith.extui %sign3A_200 : i1 to i32
    %sign3A_202 = arith.subi %sign3A_198, %sign3A_201 : i32
    %ne3A_203 = arith.cmpi ne, %sign3A_195, %sign3A_202 : i32
    %rem3A_204 = arith.remsi %add3A_186, %jit3A_187 : i32
    %ne3A_205 = arith.constant 0 : i32
    %ne3A_206 = arith.cmpi ne, %rem3A_204, %ne3A_205 : i32
    %and3A_207 = arith.andi %ne3A_203, %ne3A_206 : i1
    %sub3A_208 = arith.constant 1 : i32
    %sub3A_209 = arith.subi %div3A_188, %sub3A_208 : i32
    %select_n3A_210 = arith.select %and3A_207, %sub3A_209, %div3A_188 : i32
    %jit3A_211 = arith.constant 32 : i32
    %eq3A_212 = arith.constant 0 : i32
    %eq3A_213 = arith.cmpi eq, %jit3A_211, %eq3A_212 : i32
    %jit3A_214 = arith.constant 1 : i32
    %select_n3A_215 = arith.select %eq3A_213, %jit3A_214, %jit3A_211 : i32
    %rem3A_216 = arith.remsi %add3A_186, %select_n3A_215 : i32
    %ne3A_217 = arith.constant 0 : i32
    %ne3A_218 = arith.cmpi ne, %rem3A_216, %ne3A_217 : i32
    %lt3A_219 = arith.constant 0 : i32
    %lt3A_220 = arith.cmpi slt, %rem3A_216, %lt3A_219 : i32
    %lt3A_221 = arith.constant 0 : i32
    %lt3A_222 = arith.cmpi slt, %select_n3A_215, %lt3A_221 : i32
    %ne3A_223 = arith.xori %lt3A_220, %lt3A_222 : i1
    %and3A_224 = arith.andi %ne3A_223, %ne3A_218 : i1
    %add3A_225 = arith.addi %rem3A_216, %select_n3A_215 : i32
    %select_n3A_226 = arith.select %and3A_224, %add3A_225, %rem3A_216 : i32
    %mul3A_227 = arith.constant 4096 : i32
    %mul3A_228 = arith.muli %select_n3A_210, %mul3A_227 : i32
    %mul3A_229 = arith.constant 128 : i32
    %mul3A_230 = arith.muli %select_n3A_226, %mul3A_229 : i32
    %add3A_231 = arith.addi %mul3A_228, %mul3A_230 : i32
    %dma_start3A_232 = tpu.memref_slice %arg2[%add3A_231] : memref<819200xi32, #tpu.memory_space<hbm>> -> memref<128xi32, #tpu.memory_space<hbm>>
    %dma_start3A_233 = tpu.memref_slice %arg2[%add3A_231] : memref<819200xi32, #tpu.memory_space<hbm>> -> memref<128xi32, #tpu.memory_space<hbm>>
    tpu.enqueue_dma source(%dma_start3A_233 : memref<128xi32, #tpu.memory_space<hbm>>) target(%arg8 : memref<128xi32, #tpu.memory_space<vmem>>) target_semaphore(%arg23 : memref<!tpu.dma_semaphore, #tpu.memory_space<semaphore_mem>>)
    %add3A_234 = arith.constant 4 : i32
    %add3A_235 = arith.addi %mul3A_2, %add3A_234 : i32
    %jit3A_236 = arith.constant 32 : i32
    %div3A_237 = arith.divsi %add3A_235, %jit3A_236 : i32
    %sign3A_238 = arith.constant 0 : i32
    %sign3A_239 = arith.cmpi sgt, %add3A_235, %sign3A_238 : i32
    %sign3A_240 = arith.extui %sign3A_239 : i1 to i32
    %sign3A_241 = arith.constant 0 : i32
    %sign3A_242 = arith.cmpi slt, %add3A_235, %sign3A_241 : i32
    %sign3A_243 = arith.extui %sign3A_242 : i1 to i32
    %sign3A_244 = arith.subi %sign3A_240, %sign3A_243 : i32
    %sign3A_245 = arith.constant 0 : i32
    %sign3A_246 = arith.cmpi sgt, %jit3A_236, %sign3A_245 : i32
    %sign3A_247 = arith.extui %sign3A_246 : i1 to i32
    %sign3A_248 = arith.constant 0 : i32
    %sign3A_249 = arith.cmpi slt, %jit3A_236, %sign3A_248 : i32
    %sign3A_250 = arith.extui %sign3A_249 : i1 to i32
    %sign3A_251 = arith.subi %sign3A_247, %sign3A_250 : i32
    %ne3A_252 = arith.cmpi ne, %sign3A_244, %sign3A_251 : i32
    %rem3A_253 = arith.remsi %add3A_235, %jit3A_236 : i32
    %ne3A_254 = arith.constant 0 : i32
    %ne3A_255 = arith.cmpi ne, %rem3A_253, %ne3A_254 : i32
    %and3A_256 = arith.andi %ne3A_252, %ne3A_255 : i1
    %sub3A_257 = arith.constant 1 : i32
    %sub3A_258 = arith.subi %div3A_237, %sub3A_257 : i32
    %select_n3A_259 = arith.select %and3A_256, %sub3A_258, %div3A_237 : i32
    %jit3A_260 = arith.constant 32 : i32
    %eq3A_261 = arith.constant 0 : i32
    %eq3A_262 = arith.cmpi eq, %jit3A_260, %eq3A_261 : i32
    %jit3A_263 = arith.constant 1 : i32
    %select_n3A_264 = arith.select %eq3A_262, %jit3A_263, %jit3A_260 : i32
    %rem3A_265 = arith.remsi %add3A_235, %select_n3A_264 : i32
    %ne3A_266 = arith.constant 0 : i32
    %ne3A_267 = arith.cmpi ne, %rem3A_265, %ne3A_266 : i32
    %lt3A_268 = arith.constant 0 : i32
    %lt3A_269 = arith.cmpi slt, %rem3A_265, %lt3A_268 : i32
    %lt3A_270 = arith.constant 0 : i32
    %lt3A_271 = arith.cmpi slt, %select_n3A_264, %lt3A_270 : i32
    %ne3A_272 = arith.xori %lt3A_269, %lt3A_271 : i1
    %and3A_273 = arith.andi %ne3A_272, %ne3A_267 : i1
    %add3A_274 = arith.addi %rem3A_265, %select_n3A_264 : i32
    %select_n3A_275 = arith.select %and3A_273, %add3A_274, %rem3A_265 : i32
    %mul3A_276 = arith.constant 4096 : i32
    %mul3A_277 = arith.muli %select_n3A_259, %mul3A_276 : i32
    %mul3A_278 = arith.constant 128 : i32
    %mul3A_279 = arith.muli %select_n3A_275, %mul3A_278 : i32
    %add3A_280 = arith.addi %mul3A_277, %mul3A_279 : i32
    %dma_start3A_281 = tpu.memref_slice %arg2[%add3A_280] : memref<819200xi32, #tpu.memory_space<hbm>> -> memref<128xi32, #tpu.memory_space<hbm>>
    %dma_start3A_282 = tpu.memref_slice %arg2[%add3A_280] : memref<819200xi32, #tpu.memory_space<hbm>> -> memref<128xi32, #tpu.memory_space<hbm>>
    tpu.enqueue_dma source(%dma_start3A_282 : memref<128xi32, #tpu.memory_space<hbm>>) target(%arg9 : memref<128xi32, #tpu.memory_space<vmem>>) target_semaphore(%arg24 : memref<!tpu.dma_semaphore, #tpu.memory_space<semaphore_mem>>)
    %dma_wait3A = arith.constant 0 : i32
    %dma_wait3A_283 = tpu.memref_slice %arg2[%dma_wait3A] : memref<819200xi32, #tpu.memory_space<hbm>> -> memref<128xi32, #tpu.memory_space<hbm>>
    %dma_wait3A_284 = arith.constant 0 : i32
    %dma_wait3A_285 = tpu.memref_slice %arg2[%dma_wait3A_284] : memref<819200xi32, #tpu.memory_space<hbm>> -> memref<128xi32, #tpu.memory_space<hbm>>
    tpu.wait_dma2 semaphore(%arg20 : memref<!tpu.dma_semaphore, #tpu.memory_space<semaphore_mem>>) src(%dma_wait3A_285 : memref<128xi32, #tpu.memory_space<hbm>>) dst(%arg5 : memref<128xi32, #tpu.memory_space<vmem>>)
    %dma_start3A_286 = arith.constant 0 : i32
    %dma_start3A_287 = arith.constant 0 : i32
    %dma_start3A_288 = tpu.memref_slice %arg3[%dma_start3A_286, %dma_start3A_287] : memref<1000000x64xf32, #tpu.memory_space<hbm>> -> memref<1000000x64xf32, #tpu.memory_space<hbm>>
    tpu.enqueue_indirect_dma source(%dma_start3A_288 : memref<1000000x64xf32, #tpu.memory_space<hbm>>) target(%arg10 : memref<128x64xf32, #tpu.memory_space<vmem>>) offsets(%arg5 : memref<128xi32, #tpu.memory_space<vmem>>) semaphore(%arg25 : memref<!tpu.dma_semaphore, #tpu.memory_space<semaphore_mem>>)
    %dma_wait3A_289 = arith.constant 0 : i32
    %dma_wait3A_290 = tpu.memref_slice %arg2[%dma_wait3A_289] : memref<819200xi32, #tpu.memory_space<hbm>> -> memref<128xi32, #tpu.memory_space<hbm>>
    %dma_wait3A_291 = arith.constant 0 : i32
    %dma_wait3A_292 = tpu.memref_slice %arg2[%dma_wait3A_291] : memref<819200xi32, #tpu.memory_space<hbm>> -> memref<128xi32, #tpu.memory_space<hbm>>
    tpu.wait_dma2 semaphore(%arg21 : memref<!tpu.dma_semaphore, #tpu.memory_space<semaphore_mem>>) src(%dma_wait3A_292 : memref<128xi32, #tpu.memory_space<hbm>>) dst(%arg6 : memref<128xi32, #tpu.memory_space<vmem>>)
    %dma_start3A_293 = arith.constant 0 : i32
    %dma_start3A_294 = arith.constant 0 : i32
    %dma_start3A_295 = tpu.memref_slice %arg3[%dma_start3A_293, %dma_start3A_294] : memref<1000000x64xf32, #tpu.memory_space<hbm>> -> memref<1000000x64xf32, #tpu.memory_space<hbm>>
    tpu.enqueue_indirect_dma source(%dma_start3A_295 : memref<1000000x64xf32, #tpu.memory_space<hbm>>) target(%arg11 : memref<128x64xf32, #tpu.memory_space<vmem>>) offsets(%arg6 : memref<128xi32, #tpu.memory_space<vmem>>) semaphore(%arg26 : memref<!tpu.dma_semaphore, #tpu.memory_space<semaphore_mem>>)
    %dma_wait3A_296 = arith.constant 0 : i32
    %dma_wait3A_297 = tpu.memref_slice %arg2[%dma_wait3A_296] : memref<819200xi32, #tpu.memory_space<hbm>> -> memref<128xi32, #tpu.memory_space<hbm>>
    %dma_wait3A_298 = arith.constant 0 : i32
    %dma_wait3A_299 = tpu.memref_slice %arg2[%dma_wait3A_298] : memref<819200xi32, #tpu.memory_space<hbm>> -> memref<128xi32, #tpu.memory_space<hbm>>
    tpu.wait_dma2 semaphore(%arg22 : memref<!tpu.dma_semaphore, #tpu.memory_space<semaphore_mem>>) src(%dma_wait3A_299 : memref<128xi32, #tpu.memory_space<hbm>>) dst(%arg7 : memref<128xi32, #tpu.memory_space<vmem>>)
    %dma_start3A_300 = arith.constant 0 : i32
    %dma_start3A_301 = arith.constant 0 : i32
    %dma_start3A_302 = tpu.memref_slice %arg3[%dma_start3A_300, %dma_start3A_301] : memref<1000000x64xf32, #tpu.memory_space<hbm>> -> memref<1000000x64xf32, #tpu.memory_space<hbm>>
    tpu.enqueue_indirect_dma source(%dma_start3A_302 : memref<1000000x64xf32, #tpu.memory_space<hbm>>) target(%arg12 : memref<128x64xf32, #tpu.memory_space<vmem>>) offsets(%arg7 : memref<128xi32, #tpu.memory_space<vmem>>) semaphore(%arg27 : memref<!tpu.dma_semaphore, #tpu.memory_space<semaphore_mem>>)
    %scan3A = arith.constant 0 : i32
    %scan3A_303 = arith.constant 0 : i32
    %scan3A_304 = arith.constant 40 : i32
    %scan3A_305 = arith.addi %scan3A_303, %scan3A_304 : i32
    %scan3A_306 = arith.constant 1 : i32
    scf.for %scan3A_358 = %scan3A_303 to %scan3A_305 step %scan3A_306  : i32 {
      %mul3A_359 = arith.constant 5 : i32
      %mul3A_360 = arith.muli %scan3A_358, %mul3A_359 : i32
      %add3A_361 = arith.constant 0 : i32
      %add3A_362 = arith.addi %mul3A_360, %add3A_361 : i32
      %add3A_363 = arith.constant 3 : i32
      %add3A_364 = arith.addi %add3A_362, %add3A_363 : i32
      %lt3A_365 = arith.constant 200 : i32
      %lt3A_366 = arith.cmpi slt, %add3A_364, %lt3A_365 : i32
      %convert_element_type3A = arith.extui %lt3A_366 : i1 to i32
      %cond3A = arith.constant 0 : i32
      %cond3A_367 = arith.cmpi ne, %convert_element_type3A, %cond3A : i32
      scf.if %cond3A_367 {
        %dma_wait3A_761 = arith.constant 0 : i32
        %dma_wait3A_762 = tpu.memref_slice %arg2[%dma_wait3A_761] : memref<819200xi32, #tpu.memory_space<hbm>> -> memref<128xi32, #tpu.memory_space<hbm>>
        %dma_wait3A_763 = arith.constant 0 : i32
        %dma_wait3A_764 = tpu.memref_slice %arg2[%dma_wait3A_763] : memref<819200xi32, #tpu.memory_space<hbm>> -> memref<128xi32, #tpu.memory_space<hbm>>
        tpu.wait_dma2 semaphore(%arg23 : memref<!tpu.dma_semaphore, #tpu.memory_space<semaphore_mem>>) src(%dma_wait3A_764 : memref<128xi32, #tpu.memory_space<hbm>>) dst(%arg8 : memref<128xi32, #tpu.memory_space<vmem>>)
        %dma_start3A_765 = arith.constant 0 : i32
        %dma_start3A_766 = arith.constant 0 : i32
        %dma_start3A_767 = tpu.memref_slice %arg3[%dma_start3A_765, %dma_start3A_766] : memref<1000000x64xf32, #tpu.memory_space<hbm>> -> memref<1000000x64xf32, #tpu.memory_space<hbm>>
        tpu.enqueue_indirect_dma source(%dma_start3A_767 : memref<1000000x64xf32, #tpu.memory_space<hbm>>) target(%arg13 : memref<128x64xf32, #tpu.memory_space<vmem>>) offsets(%arg8 : memref<128xi32, #tpu.memory_space<vmem>>) semaphore(%arg28 : memref<!tpu.dma_semaphore, #tpu.memory_space<semaphore_mem>>)
      } else {
      }
      %dma_wait3A_368 = arith.constant 0 : i32
      %dma_wait3A_369 = arith.constant 0 : i32
      %dma_wait3A_370 = tpu.memref_slice %arg3[%dma_wait3A_368, %dma_wait3A_369] : memref<1000000x64xf32, #tpu.memory_space<hbm>> -> memref<1000000x64xf32, #tpu.memory_space<hbm>>
      tpu.wait_indirect_dma semaphore(%arg25 : memref<!tpu.dma_semaphore, #tpu.memory_space<semaphore_mem>>) src(%dma_wait3A_370 : memref<1000000x64xf32, #tpu.memory_space<hbm>>) dst(%arg10 : memref<128x64xf32, #tpu.memory_space<vmem>>)
      %add3A_371 = arith.constant 5 : i32
      %add3A_372 = arith.addi %add3A_362, %add3A_371 : i32
      %lt3A_373 = arith.constant 200 : i32
      %lt3A_374 = arith.cmpi slt, %add3A_372, %lt3A_373 : i32
      %convert_element_type3A_375 = arith.extui %lt3A_374 : i1 to i32
      %cond3A_376 = arith.constant 0 : i32
      %cond3A_377 = arith.cmpi ne, %convert_element_type3A_375, %cond3A_376 : i32
      scf.if %cond3A_377 {
        %add3A_761 = arith.addi %mul3A_2, %add3A_362 : i32
        %add3A_762 = arith.constant 5 : i32
        %add3A_763 = arith.addi %add3A_761, %add3A_762 : i32
        %jit3A_764 = arith.constant 32 : i32
        %div3A_765 = arith.divsi %add3A_763, %jit3A_764 : i32
        %sign3A_766 = arith.constant 0 : i32
        %sign3A_767 = arith.cmpi sgt, %add3A_763, %sign3A_766 : i32
        %sign3A_768 = arith.extui %sign3A_767 : i1 to i32
        %sign3A_769 = arith.constant 0 : i32
        %sign3A_770 = arith.cmpi slt, %add3A_763, %sign3A_769 : i32
        %sign3A_771 = arith.extui %sign3A_770 : i1 to i32
        %sign3A_772 = arith.subi %sign3A_768, %sign3A_771 : i32
        %sign3A_773 = arith.constant 0 : i32
        %sign3A_774 = arith.cmpi sgt, %jit3A_764, %sign3A_773 : i32
        %sign3A_775 = arith.extui %sign3A_774 : i1 to i32
        %sign3A_776 = arith.constant 0 : i32
        %sign3A_777 = arith.cmpi slt, %jit3A_764, %sign3A_776 : i32
        %sign3A_778 = arith.extui %sign3A_777 : i1 to i32
        %sign3A_779 = arith.subi %sign3A_775, %sign3A_778 : i32
        %ne3A_780 = arith.cmpi ne, %sign3A_772, %sign3A_779 : i32
        %rem3A_781 = arith.remsi %add3A_763, %jit3A_764 : i32
        %ne3A_782 = arith.constant 0 : i32
        %ne3A_783 = arith.cmpi ne, %rem3A_781, %ne3A_782 : i32
        %and3A_784 = arith.andi %ne3A_780, %ne3A_783 : i1
        %sub3A_785 = arith.constant 1 : i32
        %sub3A_786 = arith.subi %div3A_765, %sub3A_785 : i32
        %select_n3A_787 = arith.select %and3A_784, %sub3A_786, %div3A_765 : i32
        %jit3A_788 = arith.constant 32 : i32
        %eq3A_789 = arith.constant 0 : i32
        %eq3A_790 = arith.cmpi eq, %jit3A_788, %eq3A_789 : i32
        %jit3A_791 = arith.constant 1 : i32
        %select_n3A_792 = arith.select %eq3A_790, %jit3A_791, %jit3A_788 : i32
        %rem3A_793 = arith.remsi %add3A_763, %select_n3A_792 : i32
        %ne3A_794 = arith.constant 0 : i32
        %ne3A_795 = arith.cmpi ne, %rem3A_793, %ne3A_794 : i32
        %lt3A_796 = arith.constant 0 : i32
        %lt3A_797 = arith.cmpi slt, %rem3A_793, %lt3A_796 : i32
        %lt3A_798 = arith.constant 0 : i32
        %lt3A_799 = arith.cmpi slt, %select_n3A_792, %lt3A_798 : i32
        %ne3A_800 = arith.xori %lt3A_797, %lt3A_799 : i1
        %and3A_801 = arith.andi %ne3A_800, %ne3A_795 : i1
        %add3A_802 = arith.addi %rem3A_793, %select_n3A_792 : i32
        %select_n3A_803 = arith.select %and3A_801, %add3A_802, %rem3A_793 : i32
        %mul3A_804 = arith.constant 4096 : i32
        %mul3A_805 = arith.muli %select_n3A_787, %mul3A_804 : i32
        %mul3A_806 = arith.constant 128 : i32
        %mul3A_807 = arith.muli %select_n3A_803, %mul3A_806 : i32
        %add3A_808 = arith.addi %mul3A_805, %mul3A_807 : i32
        %dma_start3A_809 = tpu.memref_slice %arg2[%add3A_808] : memref<819200xi32, #tpu.memory_space<hbm>> -> memref<128xi32, #tpu.memory_space<hbm>>
        %dma_start3A_810 = tpu.memref_slice %arg2[%add3A_808] : memref<819200xi32, #tpu.memory_space<hbm>> -> memref<128xi32, #tpu.memory_space<hbm>>
        tpu.enqueue_dma source(%dma_start3A_810 : memref<128xi32, #tpu.memory_space<hbm>>) target(%arg5 : memref<128xi32, #tpu.memory_space<vmem>>) target_semaphore(%arg20 : memref<!tpu.dma_semaphore, #tpu.memory_space<semaphore_mem>>)
      } else {
      }
      %ge3A = arith.constant 5 : i32
      %ge3A_378 = arith.cmpi sge, %add3A_362, %ge3A : i32
      %convert_element_type3A_379 = arith.extui %ge3A_378 : i1 to i32
      %cond3A_380 = arith.constant 0 : i32
      %cond3A_381 = arith.cmpi ne, %convert_element_type3A_379, %cond3A_380 : i32
      scf.if %cond3A_381 {
        %dma_wait3A_761 = arith.constant 0 : i32
        %dma_wait3A_762 = arith.constant 0 : i32
        %dma_wait3A_763 = arith.constant 0 : i32
        %dma_wait3A_764 = arith.constant 0 : i32
        %dma_wait3A_765 = tpu.memref_slice %arg4[%dma_wait3A_761, %dma_wait3A_763, %dma_wait3A_762, %dma_wait3A_764] : memref<200x8x32x1024xf32, #tpu.memory_space<hbm>> -> memref<1x8x1x1024xf32, #tpu.memory_space<hbm>>
        %dma_wait3A_766 = tpu.memref_squeeze %dma_wait3A_765 : memref<1x8x1x1024xf32, #tpu.memory_space<hbm>> -> memref<8x1024xf32, #tpu.memory_space<hbm>>
        %dma_wait3A_767 = arith.constant 0 : i32
        %dma_wait3A_768 = arith.constant 0 : i32
        %dma_wait3A_769 = tpu.memref_slice %arg4[%dma_wait3A_761, %dma_wait3A_767, %dma_wait3A_762, %dma_wait3A_768] : memref<200x8x32x1024xf32, #tpu.memory_space<hbm>> -> memref<1x8x1x1024xf32, #tpu.memory_space<hbm>>
        %dma_wait3A_770 = tpu.memref_squeeze %dma_wait3A_769 : memref<1x8x1x1024xf32, #tpu.memory_space<hbm>> -> memref<8x1024xf32, #tpu.memory_space<hbm>>
        tpu.wait_dma2 semaphore(%arg30 : memref<!tpu.dma_semaphore, #tpu.memory_space<semaphore_mem>>) src(%arg15 : memref<8x1024xf32, #tpu.memory_space<vmem>>) dst(%dma_wait3A_770 : memref<8x1024xf32, #tpu.memory_space<hbm>>)
      } else {
      }
      %scan3A_382 = arith.constant 0 : i32
      %scan3A_383 = arith.constant 0 : i32
      %scan3A_384 = arith.constant 16 : i32
      %scan3A_385 = arith.addi %scan3A_383, %scan3A_384 : i32
      %scan3A_386 = arith.constant 1 : i32
      scf.for %scan3A_761 = %scan3A_383 to %scan3A_385 step %scan3A_386  : i32 {
        %add3A_762 = vector.broadcast %scan3A_761 : i32 to vector<16xi32>
        %add3A_763 = arith.addi %iota3A, %add3A_762 : vector<16xi32>
        %and3A_764 = arith.constant 15 : i32
        %and3A_765 = vector.broadcast %and3A_764 : i32 to vector<16xi32>
        %and3A_766 = arith.andi %add3A_763, %and3A_765 : vector<16xi32>
        %scan3A_767 = arith.constant 0 : i32
        %scan3A_768 = arith.constant 0 : i32
        %scan3A_769 = arith.constant 8 : i32
        %scan3A_770 = arith.addi %scan3A_768, %scan3A_769 : i32
        %scan3A_771 = arith.constant 1 : i32
        scf.for %scan3A_773 = %scan3A_768 to %scan3A_770 step %scan3A_771  : i32 {
          %mul3A_774 = arith.constant 16 : i32
          %mul3A_775 = arith.muli %scan3A_773, %mul3A_774 : i32
          %add3A_776 = vector.broadcast %mul3A_775 : i32 to vector<16xi32>
          %add3A_777 = arith.addi %add3A_776, %and3A_766 : vector<16xi32>
          %gather3A = tpu.vector_load_idx %arg10[%add3A_777, %add3A_5] : memref<128x64xf32, #tpu.memory_space<vmem>>[vector<16xi32>, vector<16xi32>], vector<16xf32>,
          %add3A_778 = arith.addi %shift_left3A_29, %add3A_777 : vector<16xi32>
          tpu.vector_store_idx %arg15[%shift_right_arithmetic3A_16, %add3A_778], %gather3A : memref<8x1024xf32, #tpu.memory_space<vmem>>[vector<16xi32>, vector<16xi32>], vector<16xf32>,
          %gather3A_779 = tpu.vector_load_idx %arg10[%add3A_777, %add3A_8] : memref<128x64xf32, #tpu.memory_space<vmem>>[vector<16xi32>, vector<16xi32>], vector<16xf32>,
          %add3A_780 = arith.addi %shift_left3A_35, %add3A_777 : vector<16xi32>
          tpu.vector_store_idx %arg15[%shift_right_arithmetic3A_19, %add3A_780], %gather3A_779 : memref<8x1024xf32, #tpu.memory_space<vmem>>[vector<16xi32>, vector<16xi32>], vector<16xf32>,
          %gather3A_781 = tpu.vector_load_idx %arg10[%add3A_777, %add3A_11] : memref<128x64xf32, #tpu.memory_space<vmem>>[vector<16xi32>, vector<16xi32>], vector<16xf32>,
          %add3A_782 = arith.addi %shift_left3A_41, %add3A_777 : vector<16xi32>
          tpu.vector_store_idx %arg15[%shift_right_arithmetic3A_22, %add3A_782], %gather3A_781 : memref<8x1024xf32, #tpu.memory_space<vmem>>[vector<16xi32>, vector<16xi32>], vector<16xf32>,
          %gather3A_783 = tpu.vector_load_idx %arg10[%add3A_777, %add3A_14] : memref<128x64xf32, #tpu.memory_space<vmem>>[vector<16xi32>, vector<16xi32>], vector<16xf32>,
          %add3A_784 = arith.addi %shift_left3A_47, %add3A_777 : vector<16xi32>
          tpu.vector_store_idx %arg15[%shift_right_arithmetic3A_25, %add3A_784], %gather3A_783 : memref<8x1024xf32, #tpu.memory_space<vmem>>[vector<16xi32>, vector<16xi32>], vector<16xf32>,
        }
        %scan3A_772 = arith.constant 8 : i32
      }
      %scan3A_387 = arith.constant 16 : i32
      %add3A_388 = arith.addi %mul3A_2, %add3A_362 : i32
      %jit3A_389 = arith.constant 32 : i32
      %div3A_390 = arith.divsi %add3A_388, %jit3A_389 : i32
      %sign3A_391 = arith.constant 0 : i32
      %sign3A_392 = arith.cmpi sgt, %add3A_388, %sign3A_391 : i32
      %sign3A_393 = arith.extui %sign3A_392 : i1 to i32
      %sign3A_394 = arith.constant 0 : i32
      %sign3A_395 = arith.cmpi slt, %add3A_388, %sign3A_394 : i32
      %sign3A_396 = arith.extui %sign3A_395 : i1 to i32
      %sign3A_397 = arith.subi %sign3A_393, %sign3A_396 : i32
      %sign3A_398 = arith.constant 0 : i32
      %sign3A_399 = arith.cmpi sgt, %jit3A_389, %sign3A_398 : i32
      %sign3A_400 = arith.extui %sign3A_399 : i1 to i32
      %sign3A_401 = arith.constant 0 : i32
      %sign3A_402 = arith.cmpi slt, %jit3A_389, %sign3A_401 : i32
      %sign3A_403 = arith.extui %sign3A_402 : i1 to i32
      %sign3A_404 = arith.subi %sign3A_400, %sign3A_403 : i32
      %ne3A_405 = arith.cmpi ne, %sign3A_397, %sign3A_404 : i32
      %rem3A_406 = arith.remsi %add3A_388, %jit3A_389 : i32
      %ne3A_407 = arith.constant 0 : i32
      %ne3A_408 = arith.cmpi ne, %rem3A_406, %ne3A_407 : i32
      %and3A_409 = arith.andi %ne3A_405, %ne3A_408 : i1
      %sub3A_410 = arith.constant 1 : i32
      %sub3A_411 = arith.subi %div3A_390, %sub3A_410 : i32
      %select_n3A_412 = arith.select %and3A_409, %sub3A_411, %div3A_390 : i32
      %jit3A_413 = arith.constant 32 : i32
      %eq3A_414 = arith.constant 0 : i32
      %eq3A_415 = arith.cmpi eq, %jit3A_413, %eq3A_414 : i32
      %jit3A_416 = arith.constant 1 : i32
      %select_n3A_417 = arith.select %eq3A_415, %jit3A_416, %jit3A_413 : i32
      %rem3A_418 = arith.remsi %add3A_388, %select_n3A_417 : i32
      %ne3A_419 = arith.constant 0 : i32
      %ne3A_420 = arith.cmpi ne, %rem3A_418, %ne3A_419 : i32
      %lt3A_421 = arith.constant 0 : i32
      %lt3A_422 = arith.cmpi slt, %rem3A_418, %lt3A_421 : i32
      %lt3A_423 = arith.constant 0 : i32
      %lt3A_424 = arith.cmpi slt, %select_n3A_417, %lt3A_423 : i32
      %ne3A_425 = arith.xori %lt3A_422, %lt3A_424 : i1
      %and3A_426 = arith.andi %ne3A_425, %ne3A_420 : i1
      %add3A_427 = arith.addi %rem3A_418, %select_n3A_417 : i32
      %select_n3A_428 = arith.select %and3A_426, %add3A_427, %rem3A_418 : i32
      %dma_start3A_429 = arith.constant 0 : i32
      %dma_start3A_430 = arith.constant 0 : i32
      %dma_start3A_431 = tpu.memref_slice %arg4[%select_n3A_412, %dma_start3A_429, %select_n3A_428, %dma_start3A_430] : memref<200x8x32x1024xf32, #tpu.memory_space<hbm>> -> memref<1x8x1x1024xf32, #tpu.memory_space<hbm>>
      %dma_start3A_432 = tpu.memref_squeeze %dma_start3A_431 : memref<1x8x1x1024xf32, #tpu.memory_space<hbm>> -> memref<8x1024xf32, #tpu.memory_space<hbm>>
      %dma_start3A_433 = arith.constant 0 : i32
      %dma_start3A_434 = arith.constant 0 : i32
      %dma_start3A_435 = tpu.memref_slice %arg4[%select_n3A_412, %dma_start3A_433, %select_n3A_428, %dma_start3A_434] : memref<200x8x32x1024xf32, #tpu.memory_space<hbm>> -> memref<1x8x1x1024xf32, #tpu.memory_space<hbm>>
      %dma_start3A_436 = tpu.memref_squeeze %dma_start3A_435 : memref<1x8x1x1024xf32, #tpu.memory_space<hbm>> -> memref<8x1024xf32, #tpu.memory_space<hbm>>
      tpu.enqueue_dma source(%arg15 : memref<8x1024xf32, #tpu.memory_space<vmem>>) target(%dma_start3A_436 : memref<8x1024xf32, #tpu.memory_space<hbm>>) target_semaphore(%arg30 : memref<!tpu.dma_semaphore, #tpu.memory_space<semaphore_mem>>)
      %mul3A_437 = arith.constant 5 : i32
      %mul3A_438 = arith.muli %scan3A_358, %mul3A_437 : i32
      %add3A_439 = arith.constant 1 : i32
      %add3A_440 = arith.addi %mul3A_438, %add3A_439 : i32
      %add3A_441 = arith.constant 3 : i32
      %add3A_442 = arith.addi %add3A_440, %add3A_441 : i32
      %lt3A_443 = arith.constant 200 : i32
      %lt3A_444 = arith.cmpi slt, %add3A_442, %lt3A_443 : i32
      %convert_element_type3A_445 = arith.extui %lt3A_444 : i1 to i32
      %cond3A_446 = arith.constant 0 : i32
      %cond3A_447 = arith.cmpi ne, %convert_element_type3A_445, %cond3A_446 : i32
      scf.if %cond3A_447 {
        %dma_wait3A_761 = arith.constant 0 : i32
        %dma_wait3A_762 = tpu.memref_slice %arg2[%dma_wait3A_761] : memref<819200xi32, #tpu.memory_space<hbm>> -> memref<128xi32, #tpu.memory_space<hbm>>
        %dma_wait3A_763 = arith.constant 0 : i32
        %dma_wait3A_764 = tpu.memref_slice %arg2[%dma_wait3A_763] : memref<819200xi32, #tpu.memory_space<hbm>> -> memref<128xi32, #tpu.memory_space<hbm>>
        tpu.wait_dma2 semaphore(%arg24 : memref<!tpu.dma_semaphore, #tpu.memory_space<semaphore_mem>>) src(%dma_wait3A_764 : memref<128xi32, #tpu.memory_space<hbm>>) dst(%arg9 : memref<128xi32, #tpu.memory_space<vmem>>)
        %dma_start3A_765 = arith.constant 0 : i32
        %dma_start3A_766 = arith.constant 0 : i32
        %dma_start3A_767 = tpu.memref_slice %arg3[%dma_start3A_765, %dma_start3A_766] : memref<1000000x64xf32, #tpu.memory_space<hbm>> -> memref<1000000x64xf32, #tpu.memory_space<hbm>>
        tpu.enqueue_indirect_dma source(%dma_start3A_767 : memref<1000000x64xf32, #tpu.memory_space<hbm>>) target(%arg14 : memref<128x64xf32, #tpu.memory_space<vmem>>) offsets(%arg9 : memref<128xi32, #tpu.memory_space<vmem>>) semaphore(%arg29 : memref<!tpu.dma_semaphore, #tpu.memory_space<semaphore_mem>>)
      } else {
      }
      %dma_wait3A_448 = arith.constant 0 : i32
      %dma_wait3A_449 = arith.constant 0 : i32
      %dma_wait3A_450 = tpu.memref_slice %arg3[%dma_wait3A_448, %dma_wait3A_449] : memref<1000000x64xf32, #tpu.memory_space<hbm>> -> memref<1000000x64xf32, #tpu.memory_space<hbm>>
      tpu.wait_indirect_dma semaphore(%arg26 : memref<!tpu.dma_semaphore, #tpu.memory_space<semaphore_mem>>) src(%dma_wait3A_450 : memref<1000000x64xf32, #tpu.memory_space<hbm>>) dst(%arg11 : memref<128x64xf32, #tpu.memory_space<vmem>>)
      %add3A_451 = arith.constant 5 : i32
      %add3A_452 = arith.addi %add3A_440, %add3A_451 : i32
      %lt3A_453 = arith.constant 200 : i32
      %lt3A_454 = arith.cmpi slt, %add3A_452, %lt3A_453 : i32
      %convert_element_type3A_455 = arith.extui %lt3A_454 : i1 to i32
      %cond3A_456 = arith.constant 0 : i32
      %cond3A_457 = arith.cmpi ne, %convert_element_type3A_455, %cond3A_456 : i32
      scf.if %cond3A_457 {
        %add3A_761 = arith.addi %mul3A_2, %add3A_440 : i32
        %add3A_762 = arith.constant 5 : i32
        %add3A_763 = arith.addi %add3A_761, %add3A_762 : i32
        %jit3A_764 = arith.constant 32 : i32
        %div3A_765 = arith.divsi %add3A_763, %jit3A_764 : i32
        %sign3A_766 = arith.constant 0 : i32
        %sign3A_767 = arith.cmpi sgt, %add3A_763, %sign3A_766 : i32
        %sign3A_768 = arith.extui %sign3A_767 : i1 to i32
        %sign3A_769 = arith.constant 0 : i32
        %sign3A_770 = arith.cmpi slt, %add3A_763, %sign3A_769 : i32
        %sign3A_771 = arith.extui %sign3A_770 : i1 to i32
        %sign3A_772 = arith.subi %sign3A_768, %sign3A_771 : i32
        %sign3A_773 = arith.constant 0 : i32
        %sign3A_774 = arith.cmpi sgt, %jit3A_764, %sign3A_773 : i32
        %sign3A_775 = arith.extui %sign3A_774 : i1 to i32
        %sign3A_776 = arith.constant 0 : i32
        %sign3A_777 = arith.cmpi slt, %jit3A_764, %sign3A_776 : i32
        %sign3A_778 = arith.extui %sign3A_777 : i1 to i32
        %sign3A_779 = arith.subi %sign3A_775, %sign3A_778 : i32
        %ne3A_780 = arith.cmpi ne, %sign3A_772, %sign3A_779 : i32
        %rem3A_781 = arith.remsi %add3A_763, %jit3A_764 : i32
        %ne3A_782 = arith.constant 0 : i32
        %ne3A_783 = arith.cmpi ne, %rem3A_781, %ne3A_782 : i32
        %and3A_784 = arith.andi %ne3A_780, %ne3A_783 : i1
        %sub3A_785 = arith.constant 1 : i32
        %sub3A_786 = arith.subi %div3A_765, %sub3A_785 : i32
        %select_n3A_787 = arith.select %and3A_784, %sub3A_786, %div3A_765 : i32
        %jit3A_788 = arith.constant 32 : i32
        %eq3A_789 = arith.constant 0 : i32
        %eq3A_790 = arith.cmpi eq, %jit3A_788, %eq3A_789 : i32
        %jit3A_791 = arith.constant 1 : i32
        %select_n3A_792 = arith.select %eq3A_790, %jit3A_791, %jit3A_788 : i32
        %rem3A_793 = arith.remsi %add3A_763, %select_n3A_792 : i32
        %ne3A_794 = arith.constant 0 : i32
        %ne3A_795 = arith.cmpi ne, %rem3A_793, %ne3A_794 : i32
        %lt3A_796 = arith.constant 0 : i32
        %lt3A_797 = arith.cmpi slt, %rem3A_793, %lt3A_796 : i32
        %lt3A_798 = arith.constant 0 : i32
        %lt3A_799 = arith.cmpi slt, %select_n3A_792, %lt3A_798 : i32
        %ne3A_800 = arith.xori %lt3A_797, %lt3A_799 : i1
        %and3A_801 = arith.andi %ne3A_800, %ne3A_795 : i1
        %add3A_802 = arith.addi %rem3A_793, %select_n3A_792 : i32
        %select_n3A_803 = arith.select %and3A_801, %add3A_802, %rem3A_793 : i32
        %mul3A_804 = arith.constant 4096 : i32
        %mul3A_805 = arith.muli %select_n3A_787, %mul3A_804 : i32
        %mul3A_806 = arith.constant 128 : i32
        %mul3A_807 = arith.muli %select_n3A_803, %mul3A_806 : i32
        %add3A_808 = arith.addi %mul3A_805, %mul3A_807 : i32
        %dma_start3A_809 = tpu.memref_slice %arg2[%add3A_808] : memref<819200xi32, #tpu.memory_space<hbm>> -> memref<128xi32, #tpu.memory_space<hbm>>
        %dma_start3A_810 = tpu.memref_slice %arg2[%add3A_808] : memref<819200xi32, #tpu.memory_space<hbm>> -> memref<128xi32, #tpu.memory_space<hbm>>
        tpu.enqueue_dma source(%dma_start3A_810 : memref<128xi32, #tpu.memory_space<hbm>>) target(%arg6 : memref<128xi32, #tpu.memory_space<vmem>>) target_semaphore(%arg21 : memref<!tpu.dma_semaphore, #tpu.memory_space<semaphore_mem>>)
      } else {
      }
      %ge3A_458 = arith.constant 5 : i32
      %ge3A_459 = arith.cmpi sge, %add3A_440, %ge3A_458 : i32
      %convert_element_type3A_460 = arith.extui %ge3A_459 : i1 to i32
      %cond3A_461 = arith.constant 0 : i32
      %cond3A_462 = arith.cmpi ne, %convert_element_type3A_460, %cond3A_461 : i32
      scf.if %cond3A_462 {
        %dma_wait3A_761 = arith.constant 0 : i32
        %dma_wait3A_762 = arith.constant 0 : i32
        %dma_wait3A_763 = arith.constant 0 : i32
        %dma_wait3A_764 = arith.constant 0 : i32
        %dma_wait3A_765 = tpu.memref_slice %arg4[%dma_wait3A_761, %dma_wait3A_763, %dma_wait3A_762, %dma_wait3A_764] : memref<200x8x32x1024xf32, #tpu.memory_space<hbm>> -> memref<1x8x1x1024xf32, #tpu.memory_space<hbm>>
        %dma_wait3A_766 = tpu.memref_squeeze %dma_wait3A_765 : memref<1x8x1x1024xf32, #tpu.memory_space<hbm>> -> memref<8x1024xf32, #tpu.memory_space<hbm>>
        %dma_wait3A_767 = arith.constant 0 : i32
        %dma_wait3A_768 = arith.constant 0 : i32
        %dma_wait3A_769 = tpu.memref_slice %arg4[%dma_wait3A_761, %dma_wait3A_767, %dma_wait3A_762, %dma_wait3A_768] : memref<200x8x32x1024xf32, #tpu.memory_space<hbm>> -> memref<1x8x1x1024xf32, #tpu.memory_space<hbm>>
        %dma_wait3A_770 = tpu.memref_squeeze %dma_wait3A_769 : memref<1x8x1x1024xf32, #tpu.memory_space<hbm>> -> memref<8x1024xf32, #tpu.memory_space<hbm>>
        tpu.wait_dma2 semaphore(%arg31 : memref<!tpu.dma_semaphore, #tpu.memory_space<semaphore_mem>>) src(%arg16 : memref<8x1024xf32, #tpu.memory_space<vmem>>) dst(%dma_wait3A_770 : memref<8x1024xf32, #tpu.memory_space<hbm>>)
      } else {
      }
      %scan3A_463 = arith.constant 0 : i32
      %scan3A_464 = arith.constant 0 : i32
      %scan3A_465 = arith.constant 16 : i32
      %scan3A_466 = arith.addi %scan3A_464, %scan3A_465 : i32
      %scan3A_467 = arith.constant 1 : i32
      scf.for %scan3A_761 = %scan3A_464 to %scan3A_466 step %scan3A_467  : i32 {
        %add3A_762 = vector.broadcast %scan3A_761 : i32 to vector<16xi32>
        %add3A_763 = arith.addi %iota3A, %add3A_762 : vector<16xi32>
        %and3A_764 = arith.constant 15 : i32
        %and3A_765 = vector.broadcast %and3A_764 : i32 to vector<16xi32>
        %and3A_766 = arith.andi %add3A_763, %and3A_765 : vector<16xi32>
        %scan3A_767 = arith.constant 0 : i32
        %scan3A_768 = arith.constant 0 : i32
        %scan3A_769 = arith.constant 8 : i32
        %scan3A_770 = arith.addi %scan3A_768, %scan3A_769 : i32
        %scan3A_771 = arith.constant 1 : i32
        scf.for %scan3A_773 = %scan3A_768 to %scan3A_770 step %scan3A_771  : i32 {
          %mul3A_774 = arith.constant 16 : i32
          %mul3A_775 = arith.muli %scan3A_773, %mul3A_774 : i32
          %add3A_776 = vector.broadcast %mul3A_775 : i32 to vector<16xi32>
          %add3A_777 = arith.addi %add3A_776, %and3A_766 : vector<16xi32>
          %gather3A = tpu.vector_load_idx %arg11[%add3A_777, %add3A_5] : memref<128x64xf32, #tpu.memory_space<vmem>>[vector<16xi32>, vector<16xi32>], vector<16xf32>,
          %add3A_778 = arith.addi %shift_left3A_29, %add3A_777 : vector<16xi32>
          tpu.vector_store_idx %arg16[%shift_right_arithmetic3A_16, %add3A_778], %gather3A : memref<8x1024xf32, #tpu.memory_space<vmem>>[vector<16xi32>, vector<16xi32>], vector<16xf32>,
          %gather3A_779 = tpu.vector_load_idx %arg11[%add3A_777, %add3A_8] : memref<128x64xf32, #tpu.memory_space<vmem>>[vector<16xi32>, vector<16xi32>], vector<16xf32>,
          %add3A_780 = arith.addi %shift_left3A_35, %add3A_777 : vector<16xi32>
          tpu.vector_store_idx %arg16[%shift_right_arithmetic3A_19, %add3A_780], %gather3A_779 : memref<8x1024xf32, #tpu.memory_space<vmem>>[vector<16xi32>, vector<16xi32>], vector<16xf32>,
          %gather3A_781 = tpu.vector_load_idx %arg11[%add3A_777, %add3A_11] : memref<128x64xf32, #tpu.memory_space<vmem>>[vector<16xi32>, vector<16xi32>], vector<16xf32>,
          %add3A_782 = arith.addi %shift_left3A_41, %add3A_777 : vector<16xi32>
          tpu.vector_store_idx %arg16[%shift_right_arithmetic3A_22, %add3A_782], %gather3A_781 : memref<8x1024xf32, #tpu.memory_space<vmem>>[vector<16xi32>, vector<16xi32>], vector<16xf32>,
          %gather3A_783 = tpu.vector_load_idx %arg11[%add3A_777, %add3A_14] : memref<128x64xf32, #tpu.memory_space<vmem>>[vector<16xi32>, vector<16xi32>], vector<16xf32>,
          %add3A_784 = arith.addi %shift_left3A_47, %add3A_777 : vector<16xi32>
          tpu.vector_store_idx %arg16[%shift_right_arithmetic3A_25, %add3A_784], %gather3A_783 : memref<8x1024xf32, #tpu.memory_space<vmem>>[vector<16xi32>, vector<16xi32>], vector<16xf32>,
        }
        %scan3A_772 = arith.constant 8 : i32
      }
      %scan3A_468 = arith.constant 16 : i32
      %add3A_469 = arith.addi %mul3A_2, %add3A_440 : i32
      %jit3A_470 = arith.constant 32 : i32
      %div3A_471 = arith.divsi %add3A_469, %jit3A_470 : i32
      %sign3A_472 = arith.constant 0 : i32
      %sign3A_473 = arith.cmpi sgt, %add3A_469, %sign3A_472 : i32
      %sign3A_474 = arith.extui %sign3A_473 : i1 to i32
      %sign3A_475 = arith.constant 0 : i32
      %sign3A_476 = arith.cmpi slt, %add3A_469, %sign3A_475 : i32
      %sign3A_477 = arith.extui %sign3A_476 : i1 to i32
      %sign3A_478 = arith.subi %sign3A_474, %sign3A_477 : i32
      %sign3A_479 = arith.constant 0 : i32
      %sign3A_480 = arith.cmpi sgt, %jit3A_470, %sign3A_479 : i32
      %sign3A_481 = arith.extui %sign3A_480 : i1 to i32
      %sign3A_482 = arith.constant 0 : i32
      %sign3A_483 = arith.cmpi slt, %jit3A_470, %sign3A_482 : i32
      %sign3A_484 = arith.extui %sign3A_483 : i1 to i32
      %sign3A_485 = arith.subi %sign3A_481, %sign3A_484 : i32
      %ne3A_486 = arith.cmpi ne, %sign3A_478, %sign3A_485 : i32
      %rem3A_487 = arith.remsi %add3A_469, %jit3A_470 : i32
      %ne3A_488 = arith.constant 0 : i32
      %ne3A_489 = arith.cmpi ne, %rem3A_487, %ne3A_488 : i32
      %and3A_490 = arith.andi %ne3A_486, %ne3A_489 : i1
      %sub3A_491 = arith.constant 1 : i32
      %sub3A_492 = arith.subi %div3A_471, %sub3A_491 : i32
      %select_n3A_493 = arith.select %and3A_490, %sub3A_492, %div3A_471 : i32
      %jit3A_494 = arith.constant 32 : i32
      %eq3A_495 = arith.constant 0 : i32
      %eq3A_496 = arith.cmpi eq, %jit3A_494, %eq3A_495 : i32
      %jit3A_497 = arith.constant 1 : i32
      %select_n3A_498 = arith.select %eq3A_496, %jit3A_497, %jit3A_494 : i32
      %rem3A_499 = arith.remsi %add3A_469, %select_n3A_498 : i32
      %ne3A_500 = arith.constant 0 : i32
      %ne3A_501 = arith.cmpi ne, %rem3A_499, %ne3A_500 : i32
      %lt3A_502 = arith.constant 0 : i32
      %lt3A_503 = arith.cmpi slt, %rem3A_499, %lt3A_502 : i32
      %lt3A_504 = arith.constant 0 : i32
      %lt3A_505 = arith.cmpi slt, %select_n3A_498, %lt3A_504 : i32
      %ne3A_506 = arith.xori %lt3A_503, %lt3A_505 : i1
      %and3A_507 = arith.andi %ne3A_506, %ne3A_501 : i1
      %add3A_508 = arith.addi %rem3A_499, %select_n3A_498 : i32
      %select_n3A_509 = arith.select %and3A_507, %add3A_508, %rem3A_499 : i32
      %dma_start3A_510 = arith.constant 0 : i32
      %dma_start3A_511 = arith.constant 0 : i32
      %dma_start3A_512 = tpu.memref_slice %arg4[%select_n3A_493, %dma_start3A_510, %select_n3A_509, %dma_start3A_511] : memref<200x8x32x1024xf32, #tpu.memory_space<hbm>> -> memref<1x8x1x1024xf32, #tpu.memory_space<hbm>>
      %dma_start3A_513 = tpu.memref_squeeze %dma_start3A_512 : memref<1x8x1x1024xf32, #tpu.memory_space<hbm>> -> memref<8x1024xf32, #tpu.memory_space<hbm>>
      %dma_start3A_514 = arith.constant 0 : i32
      %dma_start3A_515 = arith.constant 0 : i32
      %dma_start3A_516 = tpu.memref_slice %arg4[%select_n3A_493, %dma_start3A_514, %select_n3A_509, %dma_start3A_515] : memref<200x8x32x1024xf32, #tpu.memory_space<hbm>> -> memref<1x8x1x1024xf32, #tpu.memory_space<hbm>>
      %dma_start3A_517 = tpu.memref_squeeze %dma_start3A_516 : memref<1x8x1x1024xf32, #tpu.memory_space<hbm>> -> memref<8x1024xf32, #tpu.memory_space<hbm>>
      tpu.enqueue_dma source(%arg16 : memref<8x1024xf32, #tpu.memory_space<vmem>>) target(%dma_start3A_517 : memref<8x1024xf32, #tpu.memory_space<hbm>>) target_semaphore(%arg31 : memref<!tpu.dma_semaphore, #tpu.memory_space<semaphore_mem>>)
      %mul3A_518 = arith.constant 5 : i32
      %mul3A_519 = arith.muli %scan3A_358, %mul3A_518 : i32
      %add3A_520 = arith.constant 2 : i32
      %add3A_521 = arith.addi %mul3A_519, %add3A_520 : i32
      %add3A_522 = arith.constant 3 : i32
      %add3A_523 = arith.addi %add3A_521, %add3A_522 : i32
      %lt3A_524 = arith.constant 200 : i32
      %lt3A_525 = arith.cmpi slt, %add3A_523, %lt3A_524 : i32
      %convert_element_type3A_526 = arith.extui %lt3A_525 : i1 to i32
      %cond3A_527 = arith.constant 0 : i32
      %cond3A_528 = arith.cmpi ne, %convert_element_type3A_526, %cond3A_527 : i32
      scf.if %cond3A_528 {
        %dma_wait3A_761 = arith.constant 0 : i32
        %dma_wait3A_762 = tpu.memref_slice %arg2[%dma_wait3A_761] : memref<819200xi32, #tpu.memory_space<hbm>> -> memref<128xi32, #tpu.memory_space<hbm>>
        %dma_wait3A_763 = arith.constant 0 : i32
        %dma_wait3A_764 = tpu.memref_slice %arg2[%dma_wait3A_763] : memref<819200xi32, #tpu.memory_space<hbm>> -> memref<128xi32, #tpu.memory_space<hbm>>
        tpu.wait_dma2 semaphore(%arg20 : memref<!tpu.dma_semaphore, #tpu.memory_space<semaphore_mem>>) src(%dma_wait3A_764 : memref<128xi32, #tpu.memory_space<hbm>>) dst(%arg5 : memref<128xi32, #tpu.memory_space<vmem>>)
        %dma_start3A_765 = arith.constant 0 : i32
        %dma_start3A_766 = arith.constant 0 : i32
        %dma_start3A_767 = tpu.memref_slice %arg3[%dma_start3A_765, %dma_start3A_766] : memref<1000000x64xf32, #tpu.memory_space<hbm>> -> memref<1000000x64xf32, #tpu.memory_space<hbm>>
        tpu.enqueue_indirect_dma source(%dma_start3A_767 : memref<1000000x64xf32, #tpu.memory_space<hbm>>) target(%arg10 : memref<128x64xf32, #tpu.memory_space<vmem>>) offsets(%arg5 : memref<128xi32, #tpu.memory_space<vmem>>) semaphore(%arg25 : memref<!tpu.dma_semaphore, #tpu.memory_space<semaphore_mem>>)
      } else {
      }
      %dma_wait3A_529 = arith.constant 0 : i32
      %dma_wait3A_530 = arith.constant 0 : i32
      %dma_wait3A_531 = tpu.memref_slice %arg3[%dma_wait3A_529, %dma_wait3A_530] : memref<1000000x64xf32, #tpu.memory_space<hbm>> -> memref<1000000x64xf32, #tpu.memory_space<hbm>>
      tpu.wait_indirect_dma semaphore(%arg27 : memref<!tpu.dma_semaphore, #tpu.memory_space<semaphore_mem>>) src(%dma_wait3A_531 : memref<1000000x64xf32, #tpu.memory_space<hbm>>) dst(%arg12 : memref<128x64xf32, #tpu.memory_space<vmem>>)
      %add3A_532 = arith.constant 5 : i32
      %add3A_533 = arith.addi %add3A_521, %add3A_532 : i32
      %lt3A_534 = arith.constant 200 : i32
      %lt3A_535 = arith.cmpi slt, %add3A_533, %lt3A_534 : i32
      %convert_element_type3A_536 = arith.extui %lt3A_535 : i1 to i32
      %cond3A_537 = arith.constant 0 : i32
      %cond3A_538 = arith.cmpi ne, %convert_element_type3A_536, %cond3A_537 : i32
      scf.if %cond3A_538 {
        %add3A_761 = arith.addi %mul3A_2, %add3A_521 : i32
        %add3A_762 = arith.constant 5 : i32
        %add3A_763 = arith.addi %add3A_761, %add3A_762 : i32
        %jit3A_764 = arith.constant 32 : i32
        %div3A_765 = arith.divsi %add3A_763, %jit3A_764 : i32
        %sign3A_766 = arith.constant 0 : i32
        %sign3A_767 = arith.cmpi sgt, %add3A_763, %sign3A_766 : i32
        %sign3A_768 = arith.extui %sign3A_767 : i1 to i32
        %sign3A_769 = arith.constant 0 : i32
        %sign3A_770 = arith.cmpi slt, %add3A_763, %sign3A_769 : i32
        %sign3A_771 = arith.extui %sign3A_770 : i1 to i32
        %sign3A_772 = arith.subi %sign3A_768, %sign3A_771 : i32
        %sign3A_773 = arith.constant 0 : i32
        %sign3A_774 = arith.cmpi sgt, %jit3A_764, %sign3A_773 : i32
        %sign3A_775 = arith.extui %sign3A_774 : i1 to i32
        %sign3A_776 = arith.constant 0 : i32
        %sign3A_777 = arith.cmpi slt, %jit3A_764, %sign3A_776 : i32
        %sign3A_778 = arith.extui %sign3A_777 : i1 to i32
        %sign3A_779 = arith.subi %sign3A_775, %sign3A_778 : i32
        %ne3A_780 = arith.cmpi ne, %sign3A_772, %sign3A_779 : i32
        %rem3A_781 = arith.remsi %add3A_763, %jit3A_764 : i32
        %ne3A_782 = arith.constant 0 : i32
        %ne3A_783 = arith.cmpi ne, %rem3A_781, %ne3A_782 : i32
        %and3A_784 = arith.andi %ne3A_780, %ne3A_783 : i1
        %sub3A_785 = arith.constant 1 : i32
        %sub3A_786 = arith.subi %div3A_765, %sub3A_785 : i32
        %select_n3A_787 = arith.select %and3A_784, %sub3A_786, %div3A_765 : i32
        %jit3A_788 = arith.constant 32 : i32
        %eq3A_789 = arith.constant 0 : i32
        %eq3A_790 = arith.cmpi eq, %jit3A_788, %eq3A_789 : i32
        %jit3A_791 = arith.constant 1 : i32
        %select_n3A_792 = arith.select %eq3A_790, %jit3A_791, %jit3A_788 : i32
        %rem3A_793 = arith.remsi %add3A_763, %select_n3A_792 : i32
        %ne3A_794 = arith.constant 0 : i32
        %ne3A_795 = arith.cmpi ne, %rem3A_793, %ne3A_794 : i32
        %lt3A_796 = arith.constant 0 : i32
        %lt3A_797 = arith.cmpi slt, %rem3A_793, %lt3A_796 : i32
        %lt3A_798 = arith.constant 0 : i32
        %lt3A_799 = arith.cmpi slt, %select_n3A_792, %lt3A_798 : i32
        %ne3A_800 = arith.xori %lt3A_797, %lt3A_799 : i1
        %and3A_801 = arith.andi %ne3A_800, %ne3A_795 : i1
        %add3A_802 = arith.addi %rem3A_793, %select_n3A_792 : i32
        %select_n3A_803 = arith.select %and3A_801, %add3A_802, %rem3A_793 : i32
        %mul3A_804 = arith.constant 4096 : i32
        %mul3A_805 = arith.muli %select_n3A_787, %mul3A_804 : i32
        %mul3A_806 = arith.constant 128 : i32
        %mul3A_807 = arith.muli %select_n3A_803, %mul3A_806 : i32
        %add3A_808 = arith.addi %mul3A_805, %mul3A_807 : i32
        %dma_start3A_809 = tpu.memref_slice %arg2[%add3A_808] : memref<819200xi32, #tpu.memory_space<hbm>> -> memref<128xi32, #tpu.memory_space<hbm>>
        %dma_start3A_810 = tpu.memref_slice %arg2[%add3A_808] : memref<819200xi32, #tpu.memory_space<hbm>> -> memref<128xi32, #tpu.memory_space<hbm>>
        tpu.enqueue_dma source(%dma_start3A_810 : memref<128xi32, #tpu.memory_space<hbm>>) target(%arg7 : memref<128xi32, #tpu.memory_space<vmem>>) target_semaphore(%arg22 : memref<!tpu.dma_semaphore, #tpu.memory_space<semaphore_mem>>)
      } else {
      }
      %ge3A_539 = arith.constant 5 : i32
      %ge3A_540 = arith.cmpi sge, %add3A_521, %ge3A_539 : i32
      %convert_element_type3A_541 = arith.extui %ge3A_540 : i1 to i32
      %cond3A_542 = arith.constant 0 : i32
      %cond3A_543 = arith.cmpi ne, %convert_element_type3A_541, %cond3A_542 : i32
      scf.if %cond3A_543 {
        %dma_wait3A_761 = arith.constant 0 : i32
        %dma_wait3A_762 = arith.constant 0 : i32
        %dma_wait3A_763 = arith.constant 0 : i32
        %dma_wait3A_764 = arith.constant 0 : i32
        %dma_wait3A_765 = tpu.memref_slice %arg4[%dma_wait3A_761, %dma_wait3A_763, %dma_wait3A_762, %dma_wait3A_764] : memref<200x8x32x1024xf32, #tpu.memory_space<hbm>> -> memref<1x8x1x1024xf32, #tpu.memory_space<hbm>>
        %dma_wait3A_766 = tpu.memref_squeeze %dma_wait3A_765 : memref<1x8x1x1024xf32, #tpu.memory_space<hbm>> -> memref<8x1024xf32, #tpu.memory_space<hbm>>
        %dma_wait3A_767 = arith.constant 0 : i32
        %dma_wait3A_768 = arith.constant 0 : i32
        %dma_wait3A_769 = tpu.memref_slice %arg4[%dma_wait3A_761, %dma_wait3A_767, %dma_wait3A_762, %dma_wait3A_768] : memref<200x8x32x1024xf32, #tpu.memory_space<hbm>> -> memref<1x8x1x1024xf32, #tpu.memory_space<hbm>>
        %dma_wait3A_770 = tpu.memref_squeeze %dma_wait3A_769 : memref<1x8x1x1024xf32, #tpu.memory_space<hbm>> -> memref<8x1024xf32, #tpu.memory_space<hbm>>
        tpu.wait_dma2 semaphore(%arg32 : memref<!tpu.dma_semaphore, #tpu.memory_space<semaphore_mem>>) src(%arg17 : memref<8x1024xf32, #tpu.memory_space<vmem>>) dst(%dma_wait3A_770 : memref<8x1024xf32, #tpu.memory_space<hbm>>)
      } else {
      }
      %scan3A_544 = arith.constant 0 : i32
      %scan3A_545 = arith.constant 0 : i32
      %scan3A_546 = arith.constant 16 : i32
      %scan3A_547 = arith.addi %scan3A_545, %scan3A_546 : i32
      %scan3A_548 = arith.constant 1 : i32
      scf.for %scan3A_761 = %scan3A_545 to %scan3A_547 step %scan3A_548  : i32 {
        %add3A_762 = vector.broadcast %scan3A_761 : i32 to vector<16xi32>
        %add3A_763 = arith.addi %iota3A, %add3A_762 : vector<16xi32>
        %and3A_764 = arith.constant 15 : i32
        %and3A_765 = vector.broadcast %and3A_764 : i32 to vector<16xi32>
        %and3A_766 = arith.andi %add3A_763, %and3A_765 : vector<16xi32>
        %scan3A_767 = arith.constant 0 : i32
        %scan3A_768 = arith.constant 0 : i32
        %scan3A_769 = arith.constant 8 : i32
        %scan3A_770 = arith.addi %scan3A_768, %scan3A_769 : i32
        %scan3A_771 = arith.constant 1 : i32
        scf.for %scan3A_773 = %scan3A_768 to %scan3A_770 step %scan3A_771  : i32 {
          %mul3A_774 = arith.constant 16 : i32
          %mul3A_775 = arith.muli %scan3A_773, %mul3A_774 : i32
          %add3A_776 = vector.broadcast %mul3A_775 : i32 to vector<16xi32>
          %add3A_777 = arith.addi %add3A_776, %and3A_766 : vector<16xi32>
          %gather3A = tpu.vector_load_idx %arg12[%add3A_777, %add3A_5] : memref<128x64xf32, #tpu.memory_space<vmem>>[vector<16xi32>, vector<16xi32>], vector<16xf32>,
          %add3A_778 = arith.addi %shift_left3A_29, %add3A_777 : vector<16xi32>
          tpu.vector_store_idx %arg17[%shift_right_arithmetic3A_16, %add3A_778], %gather3A : memref<8x1024xf32, #tpu.memory_space<vmem>>[vector<16xi32>, vector<16xi32>], vector<16xf32>,
          %gather3A_779 = tpu.vector_load_idx %arg12[%add3A_777, %add3A_8] : memref<128x64xf32, #tpu.memory_space<vmem>>[vector<16xi32>, vector<16xi32>], vector<16xf32>,
          %add3A_780 = arith.addi %shift_left3A_35, %add3A_777 : vector<16xi32>
          tpu.vector_store_idx %arg17[%shift_right_arithmetic3A_19, %add3A_780], %gather3A_779 : memref<8x1024xf32, #tpu.memory_space<vmem>>[vector<16xi32>, vector<16xi32>], vector<16xf32>,
          %gather3A_781 = tpu.vector_load_idx %arg12[%add3A_777, %add3A_11] : memref<128x64xf32, #tpu.memory_space<vmem>>[vector<16xi32>, vector<16xi32>], vector<16xf32>,
          %add3A_782 = arith.addi %shift_left3A_41, %add3A_777 : vector<16xi32>
          tpu.vector_store_idx %arg17[%shift_right_arithmetic3A_22, %add3A_782], %gather3A_781 : memref<8x1024xf32, #tpu.memory_space<vmem>>[vector<16xi32>, vector<16xi32>], vector<16xf32>,
          %gather3A_783 = tpu.vector_load_idx %arg12[%add3A_777, %add3A_14] : memref<128x64xf32, #tpu.memory_space<vmem>>[vector<16xi32>, vector<16xi32>], vector<16xf32>,
          %add3A_784 = arith.addi %shift_left3A_47, %add3A_777 : vector<16xi32>
          tpu.vector_store_idx %arg17[%shift_right_arithmetic3A_25, %add3A_784], %gather3A_783 : memref<8x1024xf32, #tpu.memory_space<vmem>>[vector<16xi32>, vector<16xi32>], vector<16xf32>,
        }
        %scan3A_772 = arith.constant 8 : i32
      }
      %scan3A_549 = arith.constant 16 : i32
      %add3A_550 = arith.addi %mul3A_2, %add3A_521 : i32
      %jit3A_551 = arith.constant 32 : i32
      %div3A_552 = arith.divsi %add3A_550, %jit3A_551 : i32
      %sign3A_553 = arith.constant 0 : i32
      %sign3A_554 = arith.cmpi sgt, %add3A_550, %sign3A_553 : i32
      %sign3A_555 = arith.extui %sign3A_554 : i1 to i32
      %sign3A_556 = arith.constant 0 : i32
      %sign3A_557 = arith.cmpi slt, %add3A_550, %sign3A_556 : i32
      %sign3A_558 = arith.extui %sign3A_557 : i1 to i32
      %sign3A_559 = arith.subi %sign3A_555, %sign3A_558 : i32
      %sign3A_560 = arith.constant 0 : i32
      %sign3A_561 = arith.cmpi sgt, %jit3A_551, %sign3A_560 : i32
      %sign3A_562 = arith.extui %sign3A_561 : i1 to i32
      %sign3A_563 = arith.constant 0 : i32
      %sign3A_564 = arith.cmpi slt, %jit3A_551, %sign3A_563 : i32
      %sign3A_565 = arith.extui %sign3A_564 : i1 to i32
      %sign3A_566 = arith.subi %sign3A_562, %sign3A_565 : i32
      %ne3A_567 = arith.cmpi ne, %sign3A_559, %sign3A_566 : i32
      %rem3A_568 = arith.remsi %add3A_550, %jit3A_551 : i32
      %ne3A_569 = arith.constant 0 : i32
      %ne3A_570 = arith.cmpi ne, %rem3A_568, %ne3A_569 : i32
      %and3A_571 = arith.andi %ne3A_567, %ne3A_570 : i1
      %sub3A_572 = arith.constant 1 : i32
      %sub3A_573 = arith.subi %div3A_552, %sub3A_572 : i32
      %select_n3A_574 = arith.select %and3A_571, %sub3A_573, %div3A_552 : i32
      %jit3A_575 = arith.constant 32 : i32
      %eq3A_576 = arith.constant 0 : i32
      %eq3A_577 = arith.cmpi eq, %jit3A_575, %eq3A_576 : i32
      %jit3A_578 = arith.constant 1 : i32
      %select_n3A_579 = arith.select %eq3A_577, %jit3A_578, %jit3A_575 : i32
      %rem3A_580 = arith.remsi %add3A_550, %select_n3A_579 : i32
      %ne3A_581 = arith.constant 0 : i32
      %ne3A_582 = arith.cmpi ne, %rem3A_580, %ne3A_581 : i32
      %lt3A_583 = arith.constant 0 : i32
      %lt3A_584 = arith.cmpi slt, %rem3A_580, %lt3A_583 : i32
      %lt3A_585 = arith.constant 0 : i32
      %lt3A_586 = arith.cmpi slt, %select_n3A_579, %lt3A_585 : i32
      %ne3A_587 = arith.xori %lt3A_584, %lt3A_586 : i1
      %and3A_588 = arith.andi %ne3A_587, %ne3A_582 : i1
      %add3A_589 = arith.addi %rem3A_580, %select_n3A_579 : i32
      %select_n3A_590 = arith.select %and3A_588, %add3A_589, %rem3A_580 : i32
      %dma_start3A_591 = arith.constant 0 : i32
      %dma_start3A_592 = arith.constant 0 : i32
      %dma_start3A_593 = tpu.memref_slice %arg4[%select_n3A_574, %dma_start3A_591, %select_n3A_590, %dma_start3A_592] : memref<200x8x32x1024xf32, #tpu.memory_space<hbm>> -> memref<1x8x1x1024xf32, #tpu.memory_space<hbm>>
      %dma_start3A_594 = tpu.memref_squeeze %dma_start3A_593 : memref<1x8x1x1024xf32, #tpu.memory_space<hbm>> -> memref<8x1024xf32, #tpu.memory_space<hbm>>
      %dma_start3A_595 = arith.constant 0 : i32
      %dma_start3A_596 = arith.constant 0 : i32
      %dma_start3A_597 = tpu.memref_slice %arg4[%select_n3A_574, %dma_start3A_595, %select_n3A_590, %dma_start3A_596] : memref<200x8x32x1024xf32, #tpu.memory_space<hbm>> -> memref<1x8x1x1024xf32, #tpu.memory_space<hbm>>
      %dma_start3A_598 = tpu.memref_squeeze %dma_start3A_597 : memref<1x8x1x1024xf32, #tpu.memory_space<hbm>> -> memref<8x1024xf32, #tpu.memory_space<hbm>>
      tpu.enqueue_dma source(%arg17 : memref<8x1024xf32, #tpu.memory_space<vmem>>) target(%dma_start3A_598 : memref<8x1024xf32, #tpu.memory_space<hbm>>) target_semaphore(%arg32 : memref<!tpu.dma_semaphore, #tpu.memory_space<semaphore_mem>>)
      %mul3A_599 = arith.constant 5 : i32
      %mul3A_600 = arith.muli %scan3A_358, %mul3A_599 : i32
      %add3A_601 = arith.constant 3 : i32
      %add3A_602 = arith.addi %mul3A_600, %add3A_601 : i32
      %add3A_603 = arith.constant 3 : i32
      %add3A_604 = arith.addi %add3A_602, %add3A_603 : i32
      %lt3A_605 = arith.constant 200 : i32
      %lt3A_606 = arith.cmpi slt, %add3A_604, %lt3A_605 : i32
      %convert_element_type3A_607 = arith.extui %lt3A_606 : i1 to i32
      %cond3A_608 = arith.constant 0 : i32
      %cond3A_609 = arith.cmpi ne, %convert_element_type3A_607, %cond3A_608 : i32
      scf.if %cond3A_609 {
        %dma_wait3A_761 = arith.constant 0 : i32
        %dma_wait3A_762 = tpu.memref_slice %arg2[%dma_wait3A_761] : memref<819200xi32, #tpu.memory_space<hbm>> -> memref<128xi32, #tpu.memory_space<hbm>>
        %dma_wait3A_763 = arith.constant 0 : i32
        %dma_wait3A_764 = tpu.memref_slice %arg2[%dma_wait3A_763] : memref<819200xi32, #tpu.memory_space<hbm>> -> memref<128xi32, #tpu.memory_space<hbm>>
        tpu.wait_dma2 semaphore(%arg21 : memref<!tpu.dma_semaphore, #tpu.memory_space<semaphore_mem>>) src(%dma_wait3A_764 : memref<128xi32, #tpu.memory_space<hbm>>) dst(%arg6 : memref<128xi32, #tpu.memory_space<vmem>>)
        %dma_start3A_765 = arith.constant 0 : i32
        %dma_start3A_766 = arith.constant 0 : i32
        %dma_start3A_767 = tpu.memref_slice %arg3[%dma_start3A_765, %dma_start3A_766] : memref<1000000x64xf32, #tpu.memory_space<hbm>> -> memref<1000000x64xf32, #tpu.memory_space<hbm>>
        tpu.enqueue_indirect_dma source(%dma_start3A_767 : memref<1000000x64xf32, #tpu.memory_space<hbm>>) target(%arg11 : memref<128x64xf32, #tpu.memory_space<vmem>>) offsets(%arg6 : memref<128xi32, #tpu.memory_space<vmem>>) semaphore(%arg26 : memref<!tpu.dma_semaphore, #tpu.memory_space<semaphore_mem>>)
      } else {
      }
      %dma_wait3A_610 = arith.constant 0 : i32
      %dma_wait3A_611 = arith.constant 0 : i32
      %dma_wait3A_612 = tpu.memref_slice %arg3[%dma_wait3A_610, %dma_wait3A_611] : memref<1000000x64xf32, #tpu.memory_space<hbm>> -> memref<1000000x64xf32, #tpu.memory_space<hbm>>
      tpu.wait_indirect_dma semaphore(%arg28 : memref<!tpu.dma_semaphore, #tpu.memory_space<semaphore_mem>>) src(%dma_wait3A_612 : memref<1000000x64xf32, #tpu.memory_space<hbm>>) dst(%arg13 : memref<128x64xf32, #tpu.memory_space<vmem>>)
      %add3A_613 = arith.constant 5 : i32
      %add3A_614 = arith.addi %add3A_602, %add3A_613 : i32
      %lt3A_615 = arith.constant 200 : i32
      %lt3A_616 = arith.cmpi slt, %add3A_614, %lt3A_615 : i32
      %convert_element_type3A_617 = arith.extui %lt3A_616 : i1 to i32
      %cond3A_618 = arith.constant 0 : i32
      %cond3A_619 = arith.cmpi ne, %convert_element_type3A_617, %cond3A_618 : i32
      scf.if %cond3A_619 {
        %add3A_761 = arith.addi %mul3A_2, %add3A_602 : i32
        %add3A_762 = arith.constant 5 : i32
        %add3A_763 = arith.addi %add3A_761, %add3A_762 : i32
        %jit3A_764 = arith.constant 32 : i32
        %div3A_765 = arith.divsi %add3A_763, %jit3A_764 : i32
        %sign3A_766 = arith.constant 0 : i32
        %sign3A_767 = arith.cmpi sgt, %add3A_763, %sign3A_766 : i32
        %sign3A_768 = arith.extui %sign3A_767 : i1 to i32
        %sign3A_769 = arith.constant 0 : i32
        %sign3A_770 = arith.cmpi slt, %add3A_763, %sign3A_769 : i32
        %sign3A_771 = arith.extui %sign3A_770 : i1 to i32
        %sign3A_772 = arith.subi %sign3A_768, %sign3A_771 : i32
        %sign3A_773 = arith.constant 0 : i32
        %sign3A_774 = arith.cmpi sgt, %jit3A_764, %sign3A_773 : i32
        %sign3A_775 = arith.extui %sign3A_774 : i1 to i32
        %sign3A_776 = arith.constant 0 : i32
        %sign3A_777 = arith.cmpi slt, %jit3A_764, %sign3A_776 : i32
        %sign3A_778 = arith.extui %sign3A_777 : i1 to i32
        %sign3A_779 = arith.subi %sign3A_775, %sign3A_778 : i32
        %ne3A_780 = arith.cmpi ne, %sign3A_772, %sign3A_779 : i32
        %rem3A_781 = arith.remsi %add3A_763, %jit3A_764 : i32
        %ne3A_782 = arith.constant 0 : i32
        %ne3A_783 = arith.cmpi ne, %rem3A_781, %ne3A_782 : i32
        %and3A_784 = arith.andi %ne3A_780, %ne3A_783 : i1
        %sub3A_785 = arith.constant 1 : i32
        %sub3A_786 = arith.subi %div3A_765, %sub3A_785 : i32
        %select_n3A_787 = arith.select %and3A_784, %sub3A_786, %div3A_765 : i32
        %jit3A_788 = arith.constant 32 : i32
        %eq3A_789 = arith.constant 0 : i32
        %eq3A_790 = arith.cmpi eq, %jit3A_788, %eq3A_789 : i32
        %jit3A_791 = arith.constant 1 : i32
        %select_n3A_792 = arith.select %eq3A_790, %jit3A_791, %jit3A_788 : i32
        %rem3A_793 = arith.remsi %add3A_763, %select_n3A_792 : i32
        %ne3A_794 = arith.constant 0 : i32
        %ne3A_795 = arith.cmpi ne, %rem3A_793, %ne3A_794 : i32
        %lt3A_796 = arith.constant 0 : i32
        %lt3A_797 = arith.cmpi slt, %rem3A_793, %lt3A_796 : i32
        %lt3A_798 = arith.constant 0 : i32
        %lt3A_799 = arith.cmpi slt, %select_n3A_792, %lt3A_798 : i32
        %ne3A_800 = arith.xori %lt3A_797, %lt3A_799 : i1
        %and3A_801 = arith.andi %ne3A_800, %ne3A_795 : i1
        %add3A_802 = arith.addi %rem3A_793, %select_n3A_792 : i32
        %select_n3A_803 = arith.select %and3A_801, %add3A_802, %rem3A_793 : i32
        %mul3A_804 = arith.constant 4096 : i32
        %mul3A_805 = arith.muli %select_n3A_787, %mul3A_804 : i32
        %mul3A_806 = arith.constant 128 : i32
        %mul3A_807 = arith.muli %select_n3A_803, %mul3A_806 : i32
        %add3A_808 = arith.addi %mul3A_805, %mul3A_807 : i32
        %dma_start3A_809 = tpu.memref_slice %arg2[%add3A_808] : memref<819200xi32, #tpu.memory_space<hbm>> -> memref<128xi32, #tpu.memory_space<hbm>>
        %dma_start3A_810 = tpu.memref_slice %arg2[%add3A_808] : memref<819200xi32, #tpu.memory_space<hbm>> -> memref<128xi32, #tpu.memory_space<hbm>>
        tpu.enqueue_dma source(%dma_start3A_810 : memref<128xi32, #tpu.memory_space<hbm>>) target(%arg8 : memref<128xi32, #tpu.memory_space<vmem>>) target_semaphore(%arg23 : memref<!tpu.dma_semaphore, #tpu.memory_space<semaphore_mem>>)
      } else {
      }
      %ge3A_620 = arith.constant 5 : i32
      %ge3A_621 = arith.cmpi sge, %add3A_602, %ge3A_620 : i32
      %convert_element_type3A_622 = arith.extui %ge3A_621 : i1 to i32
      %cond3A_623 = arith.constant 0 : i32
      %cond3A_624 = arith.cmpi ne, %convert_element_type3A_622, %cond3A_623 : i32
      scf.if %cond3A_624 {
        %dma_wait3A_761 = arith.constant 0 : i32
        %dma_wait3A_762 = arith.constant 0 : i32
        %dma_wait3A_763 = arith.constant 0 : i32
        %dma_wait3A_764 = arith.constant 0 : i32
        %dma_wait3A_765 = tpu.memref_slice %arg4[%dma_wait3A_761, %dma_wait3A_763, %dma_wait3A_762, %dma_wait3A_764] : memref<200x8x32x1024xf32, #tpu.memory_space<hbm>> -> memref<1x8x1x1024xf32, #tpu.memory_space<hbm>>
        %dma_wait3A_766 = tpu.memref_squeeze %dma_wait3A_765 : memref<1x8x1x1024xf32, #tpu.memory_space<hbm>> -> memref<8x1024xf32, #tpu.memory_space<hbm>>
        %dma_wait3A_767 = arith.constant 0 : i32
        %dma_wait3A_768 = arith.constant 0 : i32
        %dma_wait3A_769 = tpu.memref_slice %arg4[%dma_wait3A_761, %dma_wait3A_767, %dma_wait3A_762, %dma_wait3A_768] : memref<200x8x32x1024xf32, #tpu.memory_space<hbm>> -> memref<1x8x1x1024xf32, #tpu.memory_space<hbm>>
        %dma_wait3A_770 = tpu.memref_squeeze %dma_wait3A_769 : memref<1x8x1x1024xf32, #tpu.memory_space<hbm>> -> memref<8x1024xf32, #tpu.memory_space<hbm>>
        tpu.wait_dma2 semaphore(%arg33 : memref<!tpu.dma_semaphore, #tpu.memory_space<semaphore_mem>>) src(%arg18 : memref<8x1024xf32, #tpu.memory_space<vmem>>) dst(%dma_wait3A_770 : memref<8x1024xf32, #tpu.memory_space<hbm>>)
      } else {
      }
      %scan3A_625 = arith.constant 0 : i32
      %scan3A_626 = arith.constant 0 : i32
      %scan3A_627 = arith.constant 16 : i32
      %scan3A_628 = arith.addi %scan3A_626, %scan3A_627 : i32
      %scan3A_629 = arith.constant 1 : i32
      scf.for %scan3A_761 = %scan3A_626 to %scan3A_628 step %scan3A_629  : i32 {
        %add3A_762 = vector.broadcast %scan3A_761 : i32 to vector<16xi32>
        %add3A_763 = arith.addi %iota3A, %add3A_762 : vector<16xi32>
        %and3A_764 = arith.constant 15 : i32
        %and3A_765 = vector.broadcast %and3A_764 : i32 to vector<16xi32>
        %and3A_766 = arith.andi %add3A_763, %and3A_765 : vector<16xi32>
        %scan3A_767 = arith.constant 0 : i32
        %scan3A_768 = arith.constant 0 : i32
        %scan3A_769 = arith.constant 8 : i32
        %scan3A_770 = arith.addi %scan3A_768, %scan3A_769 : i32
        %scan3A_771 = arith.constant 1 : i32
        scf.for %scan3A_773 = %scan3A_768 to %scan3A_770 step %scan3A_771  : i32 {
          %mul3A_774 = arith.constant 16 : i32
          %mul3A_775 = arith.muli %scan3A_773, %mul3A_774 : i32
          %add3A_776 = vector.broadcast %mul3A_775 : i32 to vector<16xi32>
          %add3A_777 = arith.addi %add3A_776, %and3A_766 : vector<16xi32>
          %gather3A = tpu.vector_load_idx %arg13[%add3A_777, %add3A_5] : memref<128x64xf32, #tpu.memory_space<vmem>>[vector<16xi32>, vector<16xi32>], vector<16xf32>,
          %add3A_778 = arith.addi %shift_left3A_29, %add3A_777 : vector<16xi32>
          tpu.vector_store_idx %arg18[%shift_right_arithmetic3A_16, %add3A_778], %gather3A : memref<8x1024xf32, #tpu.memory_space<vmem>>[vector<16xi32>, vector<16xi32>], vector<16xf32>,
          %gather3A_779 = tpu.vector_load_idx %arg13[%add3A_777, %add3A_8] : memref<128x64xf32, #tpu.memory_space<vmem>>[vector<16xi32>, vector<16xi32>], vector<16xf32>,
          %add3A_780 = arith.addi %shift_left3A_35, %add3A_777 : vector<16xi32>
          tpu.vector_store_idx %arg18[%shift_right_arithmetic3A_19, %add3A_780], %gather3A_779 : memref<8x1024xf32, #tpu.memory_space<vmem>>[vector<16xi32>, vector<16xi32>], vector<16xf32>,
          %gather3A_781 = tpu.vector_load_idx %arg13[%add3A_777, %add3A_11] : memref<128x64xf32, #tpu.memory_space<vmem>>[vector<16xi32>, vector<16xi32>], vector<16xf32>,
          %add3A_782 = arith.addi %shift_left3A_41, %add3A_777 : vector<16xi32>
          tpu.vector_store_idx %arg18[%shift_right_arithmetic3A_22, %add3A_782], %gather3A_781 : memref<8x1024xf32, #tpu.memory_space<vmem>>[vector<16xi32>, vector<16xi32>], vector<16xf32>,
          %gather3A_783 = tpu.vector_load_idx %arg13[%add3A_777, %add3A_14] : memref<128x64xf32, #tpu.memory_space<vmem>>[vector<16xi32>, vector<16xi32>], vector<16xf32>,
          %add3A_784 = arith.addi %shift_left3A_47, %add3A_777 : vector<16xi32>
          tpu.vector_store_idx %arg18[%shift_right_arithmetic3A_25, %add3A_784], %gather3A_783 : memref<8x1024xf32, #tpu.memory_space<vmem>>[vector<16xi32>, vector<16xi32>], vector<16xf32>,
        }
        %scan3A_772 = arith.constant 8 : i32
      }
      %scan3A_630 = arith.constant 16 : i32
      %add3A_631 = arith.addi %mul3A_2, %add3A_602 : i32
      %jit3A_632 = arith.constant 32 : i32
      %div3A_633 = arith.divsi %add3A_631, %jit3A_632 : i32
      %sign3A_634 = arith.constant 0 : i32
      %sign3A_635 = arith.cmpi sgt, %add3A_631, %sign3A_634 : i32
      %sign3A_636 = arith.extui %sign3A_635 : i1 to i32
      %sign3A_637 = arith.constant 0 : i32
      %sign3A_638 = arith.cmpi slt, %add3A_631, %sign3A_637 : i32
      %sign3A_639 = arith.extui %sign3A_638 : i1 to i32
      %sign3A_640 = arith.subi %sign3A_636, %sign3A_639 : i32
      %sign3A_641 = arith.constant 0 : i32
      %sign3A_642 = arith.cmpi sgt, %jit3A_632, %sign3A_641 : i32
      %sign3A_643 = arith.extui %sign3A_642 : i1 to i32
      %sign3A_644 = arith.constant 0 : i32
      %sign3A_645 = arith.cmpi slt, %jit3A_632, %sign3A_644 : i32
      %sign3A_646 = arith.extui %sign3A_645 : i1 to i32
      %sign3A_647 = arith.subi %sign3A_643, %sign3A_646 : i32
      %ne3A_648 = arith.cmpi ne, %sign3A_640, %sign3A_647 : i32
      %rem3A_649 = arith.remsi %add3A_631, %jit3A_632 : i32
      %ne3A_650 = arith.constant 0 : i32
      %ne3A_651 = arith.cmpi ne, %rem3A_649, %ne3A_650 : i32
      %and3A_652 = arith.andi %ne3A_648, %ne3A_651 : i1
      %sub3A_653 = arith.constant 1 : i32
      %sub3A_654 = arith.subi %div3A_633, %sub3A_653 : i32
      %select_n3A_655 = arith.select %and3A_652, %sub3A_654, %div3A_633 : i32
      %jit3A_656 = arith.constant 32 : i32
      %eq3A_657 = arith.constant 0 : i32
      %eq3A_658 = arith.cmpi eq, %jit3A_656, %eq3A_657 : i32
      %jit3A_659 = arith.constant 1 : i32
      %select_n3A_660 = arith.select %eq3A_658, %jit3A_659, %jit3A_656 : i32
      %rem3A_661 = arith.remsi %add3A_631, %select_n3A_660 : i32
      %ne3A_662 = arith.constant 0 : i32
      %ne3A_663 = arith.cmpi ne, %rem3A_661, %ne3A_662 : i32
      %lt3A_664 = arith.constant 0 : i32
      %lt3A_665 = arith.cmpi slt, %rem3A_661, %lt3A_664 : i32
      %lt3A_666 = arith.constant 0 : i32
      %lt3A_667 = arith.cmpi slt, %select_n3A_660, %lt3A_666 : i32
      %ne3A_668 = arith.xori %lt3A_665, %lt3A_667 : i1
      %and3A_669 = arith.andi %ne3A_668, %ne3A_663 : i1
      %add3A_670 = arith.addi %rem3A_661, %select_n3A_660 : i32
      %select_n3A_671 = arith.select %and3A_669, %add3A_670, %rem3A_661 : i32
      %dma_start3A_672 = arith.constant 0 : i32
      %dma_start3A_673 = arith.constant 0 : i32
      %dma_start3A_674 = tpu.memref_slice %arg4[%select_n3A_655, %dma_start3A_672, %select_n3A_671, %dma_start3A_673] : memref<200x8x32x1024xf32, #tpu.memory_space<hbm>> -> memref<1x8x1x1024xf32, #tpu.memory_space<hbm>>
      %dma_start3A_675 = tpu.memref_squeeze %dma_start3A_674 : memref<1x8x1x1024xf32, #tpu.memory_space<hbm>> -> memref<8x1024xf32, #tpu.memory_space<hbm>>
      %dma_start3A_676 = arith.constant 0 : i32
      %dma_start3A_677 = arith.constant 0 : i32
      %dma_start3A_678 = tpu.memref_slice %arg4[%select_n3A_655, %dma_start3A_676, %select_n3A_671, %dma_start3A_677] : memref<200x8x32x1024xf32, #tpu.memory_space<hbm>> -> memref<1x8x1x1024xf32, #tpu.memory_space<hbm>>
      %dma_start3A_679 = tpu.memref_squeeze %dma_start3A_678 : memref<1x8x1x1024xf32, #tpu.memory_space<hbm>> -> memref<8x1024xf32, #tpu.memory_space<hbm>>
      tpu.enqueue_dma source(%arg18 : memref<8x1024xf32, #tpu.memory_space<vmem>>) target(%dma_start3A_679 : memref<8x1024xf32, #tpu.memory_space<hbm>>) target_semaphore(%arg33 : memref<!tpu.dma_semaphore, #tpu.memory_space<semaphore_mem>>)
      %mul3A_680 = arith.constant 5 : i32
      %mul3A_681 = arith.muli %scan3A_358, %mul3A_680 : i32
      %add3A_682 = arith.constant 4 : i32
      %add3A_683 = arith.addi %mul3A_681, %add3A_682 : i32
      %add3A_684 = arith.constant 3 : i32
      %add3A_685 = arith.addi %add3A_683, %add3A_684 : i32
      %lt3A_686 = arith.constant 200 : i32
      %lt3A_687 = arith.cmpi slt, %add3A_685, %lt3A_686 : i32
      %convert_element_type3A_688 = arith.extui %lt3A_687 : i1 to i32
      %cond3A_689 = arith.constant 0 : i32
      %cond3A_690 = arith.cmpi ne, %convert_element_type3A_688, %cond3A_689 : i32
      scf.if %cond3A_690 {
        %dma_wait3A_761 = arith.constant 0 : i32
        %dma_wait3A_762 = tpu.memref_slice %arg2[%dma_wait3A_761] : memref<819200xi32, #tpu.memory_space<hbm>> -> memref<128xi32, #tpu.memory_space<hbm>>
        %dma_wait3A_763 = arith.constant 0 : i32
        %dma_wait3A_764 = tpu.memref_slice %arg2[%dma_wait3A_763] : memref<819200xi32, #tpu.memory_space<hbm>> -> memref<128xi32, #tpu.memory_space<hbm>>
        tpu.wait_dma2 semaphore(%arg22 : memref<!tpu.dma_semaphore, #tpu.memory_space<semaphore_mem>>) src(%dma_wait3A_764 : memref<128xi32, #tpu.memory_space<hbm>>) dst(%arg7 : memref<128xi32, #tpu.memory_space<vmem>>)
        %dma_start3A_765 = arith.constant 0 : i32
        %dma_start3A_766 = arith.constant 0 : i32
        %dma_start3A_767 = tpu.memref_slice %arg3[%dma_start3A_765, %dma_start3A_766] : memref<1000000x64xf32, #tpu.memory_space<hbm>> -> memref<1000000x64xf32, #tpu.memory_space<hbm>>
        tpu.enqueue_indirect_dma source(%dma_start3A_767 : memref<1000000x64xf32, #tpu.memory_space<hbm>>) target(%arg12 : memref<128x64xf32, #tpu.memory_space<vmem>>) offsets(%arg7 : memref<128xi32, #tpu.memory_space<vmem>>) semaphore(%arg27 : memref<!tpu.dma_semaphore, #tpu.memory_space<semaphore_mem>>)
      } else {
      }
      %dma_wait3A_691 = arith.constant 0 : i32
      %dma_wait3A_692 = arith.constant 0 : i32
      %dma_wait3A_693 = tpu.memref_slice %arg3[%dma_wait3A_691, %dma_wait3A_692] : memref<1000000x64xf32, #tpu.memory_space<hbm>> -> memref<1000000x64xf32, #tpu.memory_space<hbm>>
      tpu.wait_indirect_dma semaphore(%arg29 : memref<!tpu.dma_semaphore, #tpu.memory_space<semaphore_mem>>) src(%dma_wait3A_693 : memref<1000000x64xf32, #tpu.memory_space<hbm>>) dst(%arg14 : memref<128x64xf32, #tpu.memory_space<vmem>>)
      %add3A_694 = arith.constant 5 : i32
      %add3A_695 = arith.addi %add3A_683, %add3A_694 : i32
      %lt3A_696 = arith.constant 200 : i32
      %lt3A_697 = arith.cmpi slt, %add3A_695, %lt3A_696 : i32
      %convert_element_type3A_698 = arith.extui %lt3A_697 : i1 to i32
      %cond3A_699 = arith.constant 0 : i32
      %cond3A_700 = arith.cmpi ne, %convert_element_type3A_698, %cond3A_699 : i32
      scf.if %cond3A_700 {
        %add3A_761 = arith.addi %mul3A_2, %add3A_683 : i32
        %add3A_762 = arith.constant 5 : i32
        %add3A_763 = arith.addi %add3A_761, %add3A_762 : i32
        %jit3A_764 = arith.constant 32 : i32
        %div3A_765 = arith.divsi %add3A_763, %jit3A_764 : i32
        %sign3A_766 = arith.constant 0 : i32
        %sign3A_767 = arith.cmpi sgt, %add3A_763, %sign3A_766 : i32
        %sign3A_768 = arith.extui %sign3A_767 : i1 to i32
        %sign3A_769 = arith.constant 0 : i32
        %sign3A_770 = arith.cmpi slt, %add3A_763, %sign3A_769 : i32
        %sign3A_771 = arith.extui %sign3A_770 : i1 to i32
        %sign3A_772 = arith.subi %sign3A_768, %sign3A_771 : i32
        %sign3A_773 = arith.constant 0 : i32
        %sign3A_774 = arith.cmpi sgt, %jit3A_764, %sign3A_773 : i32
        %sign3A_775 = arith.extui %sign3A_774 : i1 to i32
        %sign3A_776 = arith.constant 0 : i32
        %sign3A_777 = arith.cmpi slt, %jit3A_764, %sign3A_776 : i32
        %sign3A_778 = arith.extui %sign3A_777 : i1 to i32
        %sign3A_779 = arith.subi %sign3A_775, %sign3A_778 : i32
        %ne3A_780 = arith.cmpi ne, %sign3A_772, %sign3A_779 : i32
        %rem3A_781 = arith.remsi %add3A_763, %jit3A_764 : i32
        %ne3A_782 = arith.constant 0 : i32
        %ne3A_783 = arith.cmpi ne, %rem3A_781, %ne3A_782 : i32
        %and3A_784 = arith.andi %ne3A_780, %ne3A_783 : i1
        %sub3A_785 = arith.constant 1 : i32
        %sub3A_786 = arith.subi %div3A_765, %sub3A_785 : i32
        %select_n3A_787 = arith.select %and3A_784, %sub3A_786, %div3A_765 : i32
        %jit3A_788 = arith.constant 32 : i32
        %eq3A_789 = arith.constant 0 : i32
        %eq3A_790 = arith.cmpi eq, %jit3A_788, %eq3A_789 : i32
        %jit3A_791 = arith.constant 1 : i32
        %select_n3A_792 = arith.select %eq3A_790, %jit3A_791, %jit3A_788 : i32
        %rem3A_793 = arith.remsi %add3A_763, %select_n3A_792 : i32
        %ne3A_794 = arith.constant 0 : i32
        %ne3A_795 = arith.cmpi ne, %rem3A_793, %ne3A_794 : i32
        %lt3A_796 = arith.constant 0 : i32
        %lt3A_797 = arith.cmpi slt, %rem3A_793, %lt3A_796 : i32
        %lt3A_798 = arith.constant 0 : i32
        %lt3A_799 = arith.cmpi slt, %select_n3A_792, %lt3A_798 : i32
        %ne3A_800 = arith.xori %lt3A_797, %lt3A_799 : i1
        %and3A_801 = arith.andi %ne3A_800, %ne3A_795 : i1
        %add3A_802 = arith.addi %rem3A_793, %select_n3A_792 : i32
        %select_n3A_803 = arith.select %and3A_801, %add3A_802, %rem3A_793 : i32
        %mul3A_804 = arith.constant 4096 : i32
        %mul3A_805 = arith.muli %select_n3A_787, %mul3A_804 : i32
        %mul3A_806 = arith.constant 128 : i32
        %mul3A_807 = arith.muli %select_n3A_803, %mul3A_806 : i32
        %add3A_808 = arith.addi %mul3A_805, %mul3A_807 : i32
        %dma_start3A_809 = tpu.memref_slice %arg2[%add3A_808] : memref<819200xi32, #tpu.memory_space<hbm>> -> memref<128xi32, #tpu.memory_space<hbm>>
        %dma_start3A_810 = tpu.memref_slice %arg2[%add3A_808] : memref<819200xi32, #tpu.memory_space<hbm>> -> memref<128xi32, #tpu.memory_space<hbm>>
        tpu.enqueue_dma source(%dma_start3A_810 : memref<128xi32, #tpu.memory_space<hbm>>) target(%arg9 : memref<128xi32, #tpu.memory_space<vmem>>) target_semaphore(%arg24 : memref<!tpu.dma_semaphore, #tpu.memory_space<semaphore_mem>>)
      } else {
      }
      %ge3A_701 = arith.constant 5 : i32
      %ge3A_702 = arith.cmpi sge, %add3A_683, %ge3A_701 : i32
      %convert_element_type3A_703 = arith.extui %ge3A_702 : i1 to i32
      %cond3A_704 = arith.constant 0 : i32
      %cond3A_705 = arith.cmpi ne, %convert_element_type3A_703, %cond3A_704 : i32
      scf.if %cond3A_705 {
        %dma_wait3A_761 = arith.constant 0 : i32
        %dma_wait3A_762 = arith.constant 0 : i32
        %dma_wait3A_763 = arith.constant 0 : i32
        %dma_wait3A_764 = arith.constant 0 : i32
        %dma_wait3A_765 = tpu.memref_slice %arg4[%dma_wait3A_761, %dma_wait3A_763, %dma_wait3A_762, %dma_wait3A_764] : memref<200x8x32x1024xf32, #tpu.memory_space<hbm>> -> memref<1x8x1x1024xf32, #tpu.memory_space<hbm>>
        %dma_wait3A_766 = tpu.memref_squeeze %dma_wait3A_765 : memref<1x8x1x1024xf32, #tpu.memory_space<hbm>> -> memref<8x1024xf32, #tpu.memory_space<hbm>>
        %dma_wait3A_767 = arith.constant 0 : i32
        %dma_wait3A_768 = arith.constant 0 : i32
        %dma_wait3A_769 = tpu.memref_slice %arg4[%dma_wait3A_761, %dma_wait3A_767, %dma_wait3A_762, %dma_wait3A_768] : memref<200x8x32x1024xf32, #tpu.memory_space<hbm>> -> memref<1x8x1x1024xf32, #tpu.memory_space<hbm>>
        %dma_wait3A_770 = tpu.memref_squeeze %dma_wait3A_769 : memref<1x8x1x1024xf32, #tpu.memory_space<hbm>> -> memref<8x1024xf32, #tpu.memory_space<hbm>>
        tpu.wait_dma2 semaphore(%arg34 : memref<!tpu.dma_semaphore, #tpu.memory_space<semaphore_mem>>) src(%arg19 : memref<8x1024xf32, #tpu.memory_space<vmem>>) dst(%dma_wait3A_770 : memref<8x1024xf32, #tpu.memory_space<hbm>>)
      } else {
      }
      %scan3A_706 = arith.constant 0 : i32
      %scan3A_707 = arith.constant 0 : i32
      %scan3A_708 = arith.constant 16 : i32
      %scan3A_709 = arith.addi %scan3A_707, %scan3A_708 : i32
      %scan3A_710 = arith.constant 1 : i32
      scf.for %scan3A_761 = %scan3A_707 to %scan3A_709 step %scan3A_710  : i32 {
        %add3A_762 = vector.broadcast %scan3A_761 : i32 to vector<16xi32>
        %add3A_763 = arith.addi %iota3A, %add3A_762 : vector<16xi32>
        %and3A_764 = arith.constant 15 : i32
        %and3A_765 = vector.broadcast %and3A_764 : i32 to vector<16xi32>
        %and3A_766 = arith.andi %add3A_763, %and3A_765 : vector<16xi32>
        %scan3A_767 = arith.constant 0 : i32
        %scan3A_768 = arith.constant 0 : i32
        %scan3A_769 = arith.constant 8 : i32
        %scan3A_770 = arith.addi %scan3A_768, %scan3A_769 : i32
        %scan3A_771 = arith.constant 1 : i32
        scf.for %scan3A_773 = %scan3A_768 to %scan3A_770 step %scan3A_771  : i32 {
          %mul3A_774 = arith.constant 16 : i32
          %mul3A_775 = arith.muli %scan3A_773, %mul3A_774 : i32
          %add3A_776 = vector.broadcast %mul3A_775 : i32 to vector<16xi32>
          %add3A_777 = arith.addi %add3A_776, %and3A_766 : vector<16xi32>
          %gather3A = tpu.vector_load_idx %arg14[%add3A_777, %add3A_5] : memref<128x64xf32, #tpu.memory_space<vmem>>[vector<16xi32>, vector<16xi32>], vector<16xf32>,
          %add3A_778 = arith.addi %shift_left3A_29, %add3A_777 : vector<16xi32>
          tpu.vector_store_idx %arg19[%shift_right_arithmetic3A_16, %add3A_778], %gather3A : memref<8x1024xf32, #tpu.memory_space<vmem>>[vector<16xi32>, vector<16xi32>], vector<16xf32>,
          %gather3A_779 = tpu.vector_load_idx %arg14[%add3A_777, %add3A_8] : memref<128x64xf32, #tpu.memory_space<vmem>>[vector<16xi32>, vector<16xi32>], vector<16xf32>,
          %add3A_780 = arith.addi %shift_left3A_35, %add3A_777 : vector<16xi32>
          tpu.vector_store_idx %arg19[%shift_right_arithmetic3A_19, %add3A_780], %gather3A_779 : memref<8x1024xf32, #tpu.memory_space<vmem>>[vector<16xi32>, vector<16xi32>], vector<16xf32>,
          %gather3A_781 = tpu.vector_load_idx %arg14[%add3A_777, %add3A_11] : memref<128x64xf32, #tpu.memory_space<vmem>>[vector<16xi32>, vector<16xi32>], vector<16xf32>,
          %add3A_782 = arith.addi %shift_left3A_41, %add3A_777 : vector<16xi32>
          tpu.vector_store_idx %arg19[%shift_right_arithmetic3A_22, %add3A_782], %gather3A_781 : memref<8x1024xf32, #tpu.memory_space<vmem>>[vector<16xi32>, vector<16xi32>], vector<16xf32>,
          %gather3A_783 = tpu.vector_load_idx %arg14[%add3A_777, %add3A_14] : memref<128x64xf32, #tpu.memory_space<vmem>>[vector<16xi32>, vector<16xi32>], vector<16xf32>,
          %add3A_784 = arith.addi %shift_left3A_47, %add3A_777 : vector<16xi32>
          tpu.vector_store_idx %arg19[%shift_right_arithmetic3A_25, %add3A_784], %gather3A_783 : memref<8x1024xf32, #tpu.memory_space<vmem>>[vector<16xi32>, vector<16xi32>], vector<16xf32>,
        }
        %scan3A_772 = arith.constant 8 : i32
      }
      %scan3A_711 = arith.constant 16 : i32
      %add3A_712 = arith.addi %mul3A_2, %add3A_683 : i32
      %jit3A_713 = arith.constant 32 : i32
      %div3A_714 = arith.divsi %add3A_712, %jit3A_713 : i32
      %sign3A_715 = arith.constant 0 : i32
      %sign3A_716 = arith.cmpi sgt, %add3A_712, %sign3A_715 : i32
      %sign3A_717 = arith.extui %sign3A_716 : i1 to i32
      %sign3A_718 = arith.constant 0 : i32
      %sign3A_719 = arith.cmpi slt, %add3A_712, %sign3A_718 : i32
      %sign3A_720 = arith.extui %sign3A_719 : i1 to i32
      %sign3A_721 = arith.subi %sign3A_717, %sign3A_720 : i32
      %sign3A_722 = arith.constant 0 : i32
      %sign3A_723 = arith.cmpi sgt, %jit3A_713, %sign3A_722 : i32
      %sign3A_724 = arith.extui %sign3A_723 : i1 to i32
      %sign3A_725 = arith.constant 0 : i32
      %sign3A_726 = arith.cmpi slt, %jit3A_713, %sign3A_725 : i32
      %sign3A_727 = arith.extui %sign3A_726 : i1 to i32
      %sign3A_728 = arith.subi %sign3A_724, %sign3A_727 : i32
      %ne3A_729 = arith.cmpi ne, %sign3A_721, %sign3A_728 : i32
      %rem3A_730 = arith.remsi %add3A_712, %jit3A_713 : i32
      %ne3A_731 = arith.constant 0 : i32
      %ne3A_732 = arith.cmpi ne, %rem3A_730, %ne3A_731 : i32
      %and3A_733 = arith.andi %ne3A_729, %ne3A_732 : i1
      %sub3A_734 = arith.constant 1 : i32
      %sub3A_735 = arith.subi %div3A_714, %sub3A_734 : i32
      %select_n3A_736 = arith.select %and3A_733, %sub3A_735, %div3A_714 : i32
      %jit3A_737 = arith.constant 32 : i32
      %eq3A_738 = arith.constant 0 : i32
      %eq3A_739 = arith.cmpi eq, %jit3A_737, %eq3A_738 : i32
      %jit3A_740 = arith.constant 1 : i32
      %select_n3A_741 = arith.select %eq3A_739, %jit3A_740, %jit3A_737 : i32
      %rem3A_742 = arith.remsi %add3A_712, %select_n3A_741 : i32
      %ne3A_743 = arith.constant 0 : i32
      %ne3A_744 = arith.cmpi ne, %rem3A_742, %ne3A_743 : i32
      %lt3A_745 = arith.constant 0 : i32
      %lt3A_746 = arith.cmpi slt, %rem3A_742, %lt3A_745 : i32
      %lt3A_747 = arith.constant 0 : i32
      %lt3A_748 = arith.cmpi slt, %select_n3A_741, %lt3A_747 : i32
      %ne3A_749 = arith.xori %lt3A_746, %lt3A_748 : i1
      %and3A_750 = arith.andi %ne3A_749, %ne3A_744 : i1
      %add3A_751 = arith.addi %rem3A_742, %select_n3A_741 : i32
      %select_n3A_752 = arith.select %and3A_750, %add3A_751, %rem3A_742 : i32
      %dma_start3A_753 = arith.constant 0 : i32
      %dma_start3A_754 = arith.constant 0 : i32
      %dma_start3A_755 = tpu.memref_slice %arg4[%select_n3A_736, %dma_start3A_753, %select_n3A_752, %dma_start3A_754] : memref<200x8x32x1024xf32, #tpu.memory_space<hbm>> -> memref<1x8x1x1024xf32, #tpu.memory_space<hbm>>
      %dma_start3A_756 = tpu.memref_squeeze %dma_start3A_755 : memref<1x8x1x1024xf32, #tpu.memory_space<hbm>> -> memref<8x1024xf32, #tpu.memory_space<hbm>>
      %dma_start3A_757 = arith.constant 0 : i32
      %dma_start3A_758 = arith.constant 0 : i32
      %dma_start3A_759 = tpu.memref_slice %arg4[%select_n3A_736, %dma_start3A_757, %select_n3A_752, %dma_start3A_758] : memref<200x8x32x1024xf32, #tpu.memory_space<hbm>> -> memref<1x8x1x1024xf32, #tpu.memory_space<hbm>>
      %dma_start3A_760 = tpu.memref_squeeze %dma_start3A_759 : memref<1x8x1x1024xf32, #tpu.memory_space<hbm>> -> memref<8x1024xf32, #tpu.memory_space<hbm>>
      tpu.enqueue_dma source(%arg19 : memref<8x1024xf32, #tpu.memory_space<vmem>>) target(%dma_start3A_760 : memref<8x1024xf32, #tpu.memory_space<hbm>>) target_semaphore(%arg34 : memref<!tpu.dma_semaphore, #tpu.memory_space<semaphore_mem>>)
    }
    %scan3A_307 = arith.constant 40 : i32
    %dma_wait3A_308 = arith.constant 0 : i32
    %dma_wait3A_309 = arith.constant 0 : i32
    %dma_wait3A_310 = arith.constant 0 : i32
    %dma_wait3A_311 = arith.constant 0 : i32
    %dma_wait3A_312 = tpu.memref_slice %arg4[%dma_wait3A_308, %dma_wait3A_310, %dma_wait3A_309, %dma_wait3A_311] : memref<200x8x32x1024xf32, #tpu.memory_space<hbm>> -> memref<1x8x1x1024xf32, #tpu.memory_space<hbm>>
    %dma_wait3A_313 = tpu.memref_squeeze %dma_wait3A_312 : memref<1x8x1x1024xf32, #tpu.memory_space<hbm>> -> memref<8x1024xf32, #tpu.memory_space<hbm>>
    %dma_wait3A_314 = arith.constant 0 : i32
    %dma_wait3A_315 = arith.constant 0 : i32
    %dma_wait3A_316 = tpu.memref_slice %arg4[%dma_wait3A_308, %dma_wait3A_314, %dma_wait3A_309, %dma_wait3A_315] : memref<200x8x32x1024xf32, #tpu.memory_space<hbm>> -> memref<1x8x1x1024xf32, #tpu.memory_space<hbm>>
    %dma_wait3A_317 = tpu.memref_squeeze %dma_wait3A_316 : memref<1x8x1x1024xf32, #tpu.memory_space<hbm>> -> memref<8x1024xf32, #tpu.memory_space<hbm>>
    tpu.wait_dma2 semaphore(%arg30 : memref<!tpu.dma_semaphore, #tpu.memory_space<semaphore_mem>>) src(%arg15 : memref<8x1024xf32, #tpu.memory_space<vmem>>) dst(%dma_wait3A_317 : memref<8x1024xf32, #tpu.memory_space<hbm>>)
    %dma_wait3A_318 = arith.constant 0 : i32
    %dma_wait3A_319 = arith.constant 0 : i32
    %dma_wait3A_320 = arith.constant 0 : i32
    %dma_wait3A_321 = arith.constant 0 : i32
    %dma_wait3A_322 = tpu.memref_slice %arg4[%dma_wait3A_318, %dma_wait3A_320, %dma_wait3A_319, %dma_wait3A_321] : memref<200x8x32x1024xf32, #tpu.memory_space<hbm>> -> memref<1x8x1x1024xf32, #tpu.memory_space<hbm>>
    %dma_wait3A_323 = tpu.memref_squeeze %dma_wait3A_322 : memref<1x8x1x1024xf32, #tpu.memory_space<hbm>> -> memref<8x1024xf32, #tpu.memory_space<hbm>>
    %dma_wait3A_324 = arith.constant 0 : i32
    %dma_wait3A_325 = arith.constant 0 : i32
    %dma_wait3A_326 = tpu.memref_slice %arg4[%dma_wait3A_318, %dma_wait3A_324, %dma_wait3A_319, %dma_wait3A_325] : memref<200x8x32x1024xf32, #tpu.memory_space<hbm>> -> memref<1x8x1x1024xf32, #tpu.memory_space<hbm>>
    %dma_wait3A_327 = tpu.memref_squeeze %dma_wait3A_326 : memref<1x8x1x1024xf32, #tpu.memory_space<hbm>> -> memref<8x1024xf32, #tpu.memory_space<hbm>>
    tpu.wait_dma2 semaphore(%arg31 : memref<!tpu.dma_semaphore, #tpu.memory_space<semaphore_mem>>) src(%arg16 : memref<8x1024xf32, #tpu.memory_space<vmem>>) dst(%dma_wait3A_327 : memref<8x1024xf32, #tpu.memory_space<hbm>>)
    %dma_wait3A_328 = arith.constant 0 : i32
    %dma_wait3A_329 = arith.constant 0 : i32
    %dma_wait3A_330 = arith.constant 0 : i32
    %dma_wait3A_331 = arith.constant 0 : i32
    %dma_wait3A_332 = tpu.memref_slice %arg4[%dma_wait3A_328, %dma_wait3A_330, %dma_wait3A_329, %dma_wait3A_331] : memref<200x8x32x1024xf32, #tpu.memory_space<hbm>> -> memref<1x8x1x1024xf32, #tpu.memory_space<hbm>>
    %dma_wait3A_333 = tpu.memref_squeeze %dma_wait3A_332 : memref<1x8x1x1024xf32, #tpu.memory_space<hbm>> -> memref<8x1024xf32, #tpu.memory_space<hbm>>
    %dma_wait3A_334 = arith.constant 0 : i32
    %dma_wait3A_335 = arith.constant 0 : i32
    %dma_wait3A_336 = tpu.memref_slice %arg4[%dma_wait3A_328, %dma_wait3A_334, %dma_wait3A_329, %dma_wait3A_335] : memref<200x8x32x1024xf32, #tpu.memory_space<hbm>> -> memref<1x8x1x1024xf32, #tpu.memory_space<hbm>>
    %dma_wait3A_337 = tpu.memref_squeeze %dma_wait3A_336 : memref<1x8x1x1024xf32, #tpu.memory_space<hbm>> -> memref<8x1024xf32, #tpu.memory_space<hbm>>
    tpu.wait_dma2 semaphore(%arg32 : memref<!tpu.dma_semaphore, #tpu.memory_space<semaphore_mem>>) src(%arg17 : memref<8x1024xf32, #tpu.memory_space<vmem>>) dst(%dma_wait3A_337 : memref<8x1024xf32, #tpu.memory_space<hbm>>)
    %dma_wait3A_338 = arith.constant 0 : i32
    %dma_wait3A_339 = arith.constant 0 : i32
    %dma_wait3A_340 = arith.constant 0 : i32
    %dma_wait3A_341 = arith.constant 0 : i32
    %dma_wait3A_342 = tpu.memref_slice %arg4[%dma_wait3A_338, %dma_wait3A_340, %dma_wait3A_339, %dma_wait3A_341] : memref<200x8x32x1024xf32, #tpu.memory_space<hbm>> -> memref<1x8x1x1024xf32, #tpu.memory_space<hbm>>
    %dma_wait3A_343 = tpu.memref_squeeze %dma_wait3A_342 : memref<1x8x1x1024xf32, #tpu.memory_space<hbm>> -> memref<8x1024xf32, #tpu.memory_space<hbm>>
    %dma_wait3A_344 = arith.constant 0 : i32
    %dma_wait3A_345 = arith.constant 0 : i32
    %dma_wait3A_346 = tpu.memref_slice %arg4[%dma_wait3A_338, %dma_wait3A_344, %dma_wait3A_339, %dma_wait3A_345] : memref<200x8x32x1024xf32, #tpu.memory_space<hbm>> -> memref<1x8x1x1024xf32, #tpu.memory_space<hbm>>
    %dma_wait3A_347 = tpu.memref_squeeze %dma_wait3A_346 : memref<1x8x1x1024xf32, #tpu.memory_space<hbm>> -> memref<8x1024xf32, #tpu.memory_space<hbm>>
    tpu.wait_dma2 semaphore(%arg33 : memref<!tpu.dma_semaphore, #tpu.memory_space<semaphore_mem>>) src(%arg18 : memref<8x1024xf32, #tpu.memory_space<vmem>>) dst(%dma_wait3A_347 : memref<8x1024xf32, #tpu.memory_space<hbm>>)
    %dma_wait3A_348 = arith.constant 0 : i32
    %dma_wait3A_349 = arith.constant 0 : i32
    %dma_wait3A_350 = arith.constant 0 : i32
    %dma_wait3A_351 = arith.constant 0 : i32
    %dma_wait3A_352 = tpu.memref_slice %arg4[%dma_wait3A_348, %dma_wait3A_350, %dma_wait3A_349, %dma_wait3A_351] : memref<200x8x32x1024xf32, #tpu.memory_space<hbm>> -> memref<1x8x1x1024xf32, #tpu.memory_space<hbm>>
    %dma_wait3A_353 = tpu.memref_squeeze %dma_wait3A_352 : memref<1x8x1x1024xf32, #tpu.memory_space<hbm>> -> memref<8x1024xf32, #tpu.memory_space<hbm>>
    %dma_wait3A_354 = arith.constant 0 : i32
    %dma_wait3A_355 = arith.constant 0 : i32
    %dma_wait3A_356 = tpu.memref_slice %arg4[%dma_wait3A_348, %dma_wait3A_354, %dma_wait3A_349, %dma_wait3A_355] : memref<200x8x32x1024xf32, #tpu.memory_space<hbm>> -> memref<1x8x1x1024xf32, #tpu.memory_space<hbm>>
    %dma_wait3A_357 = tpu.memref_squeeze %dma_wait3A_356 : memref<1x8x1x1024xf32, #tpu.memory_space<hbm>> -> memref<8x1024xf32, #tpu.memory_space<hbm>>
    tpu.wait_dma2 semaphore(%arg34 : memref<!tpu.dma_semaphore, #tpu.memory_space<semaphore_mem>>) src(%arg19 : memref<8x1024xf32, #tpu.memory_space<vmem>>) dst(%dma_wait3A_357 : memref<8x1024xf32, #tpu.memory_space<hbm>>)
    return
  }
}

</mosaic_0001>

<sc_bundles>
// kernel: kernel.4.cloned.1.call-start
scs
__scs_entry_jumppad:
0x0: {  	(pc) =	sbr.rel $0x88, $3  }
0x1: {  	(tag) =	ssettag $0x0;
	lr =	simm.s32 $0x1  }
0x2: {  	[smem:$0x3F9F] =	sst lr;
	_ =	strace $0xD0000000  }
0x3: {  	_ = 	snop  }
0x4: {  	_ = 	snop  }
0x5: {  	_ = 	snop  }
0x6: {  	_ = 	snop  }
0x7: {  	_ = 	snop  }
__scs_overlays_trampoline_lowered:
0x8: {  	[smem:$0x3FAE] =	sst s0  }
0x9: {  	[smem:$0x3FAF] =	sst s1  }
0xa: {  	[smem:$0x3FB0] =	sst s2  }
0xb: {  	[smem:$0x3FB1] =	sst s3  }
0xc: {  	[smem:$0x3FB2] =	sst s4  }
0xd: {  	[smem:$0x3FB3] =	sst s5  }
0xe: {  	[smem:$0x3FB4] =	sst s6  }
0xf: {  	[smem:$0x3FB5] =	sst s7  }
0x10: {  	[smem:$0x3FB6] =	sst s8  }
0x11: {  	[smem:$0x3FB7] =	sst s9;
	s0 =	simm.s32 @!p0 $0x0  }
0x12: {  	s1 =	sld [smem:$0x3F9D];
	s0 =	simm.s32 @p0 $0x1  }
0x13: {  	[smem:$0x3FB8] =	sst s0;
	s0 =	simm.s32 @!p1 $0x0  }
0x14: {  	s2 =	sld [smem:$0x3F9C];
	s0 =	simm.s32 @p1 $0x1  }
0x15: {  	[smem:$0x3FB9] =	sst s0;
	s0 =	simm.s32 @!p2 $0x0  }
0x16: {  	s3 =	sld [smem:$0x3FDB];
	s0 =	simm.s32 @p2 $0x1  }
0x17: {  	s4 =	simm.s32 $0x1BF5;
	[smem:$0x3FBB] =	sst s0  }
0x18: {  	s0 =	sld [smem:$0x3F9E];
	_ =	swait.ge [sflag:s4], $0x0  }
0x19: {  	s7 =	sld [smem:$0x3F9F]  }
0x1a: {  	s8 =	sadd.s32 $0xFFFFE003, lr  }
0x1b: {  	s9 =	sadd.s32 $0xFFFFFEF7, lr;
	s5 =	simm.s32 $0xFFFFFFFF;
	p2 =	slt.u32 s8, $0xFFFFF086  }
0x1c: {  	p1 =	slt.u32 s9, $0xF7A;
	s5 =	simm.s32 @!p2 $0x0  }
0x1d: {  	s5 =	simm.s32 @p1 $0x1;
	p0 =	seq.s32 s7, s2  }
0x1e: {  	s7 =	smul.u32 @!p0 $0xF7A, s2;
	p2 =	seq.s32 @!p0 s5, $0x0  }
0x1f: {  	s9 =	smul.u32 $0xF7A, s1;
	s8 =	simm.s32 @!p0 $0x1BF5;
	p2 =	por !p2, p0  }
0x20: {  	[sflag:s8] =	ssyncset.s32 @!p0 $0xFFFFF086;
	s6 =	sadd.s32 @!p0 s3, s7;
	s7 =	simm.s32 @!p0 $0x108  }
0x21: {  	s3 =	sadd.s32 s3, s9;
	s6 =	sadd.s32 @!p0 $0x88, s6;
	s7 =	simm.s32 @p2 $0x1082  }
0x22: {  	[simem:s7], [sflag:s8] =	dma.local @!p0 [hbm:s6], $0xF7A  }
0x23: {  	s9 =	sor.u32 $0xD0000000, s2;
	s6 =	simm.s32 $0x108;
	_ =	swait.ge @!p0 [sflag:s8], $0x0  }
0x24: {  	s3 =	sadd.s32 $0x88, s3;
	s6 =	simm.s32 @!p1 $0x1082;
	[sflag:s4] =	ssyncset.s32 $0xFFFFF086  }
0x25: {  	[simem:s6], [sflag:s4] =	dma.local [hbm:s3], $0xF7A  }
0x26: {  	[smem:$0x3F9F] =	sst s1;
	(tag) =	ssettag s2;
	_ =	strace s9  }
0x27: {  	s1 =	sld [smem:$0x3FAF]  }
0x28: {  	s2 =	sld [smem:$0x3FB0]  }
0x29: {  	s4 =	sld [smem:$0x3FB2]  }
0x2a: {  	p0 =	seq.s32 s5, $0x0;
	s5 =	sld [smem:$0x3FB3]  }
0x2b: {  	s6 =	sld [smem:$0x3FB4]  }
0x2c: {  	s7 =	sld [smem:$0x3FB5]  }
0x2d: {  	s3 =	simm.s32 $0x108;
	s8 =	sld [smem:$0x3FB6]  }
0x2e: {  	s3 =	simm.s32 @!p0 $0x1082;
	s9 =	sld [smem:$0x3FB7]  }
0x2f: {  	lr =	sadd.s32 s0, s3;
	s0 =	sld [smem:$0x3FAE]  }
0x30: {  	s3 =	sld [smem:$0x3FB1]  }
0x31: {  	[smem:$0x3FBA] =	sst s10  }
0x32: {  	s10 =	sld [smem:$0x3FB8];
	_ =	sdelay $0x3  }
0x33: {  	p0 =	seq.s32 s10, $0x1;
	s10 =	sld [smem:$0x3FBA];
	_ =	sdelay $0x3  }
0x34: {  	[smem:$0x3FBA] =	sst s10  }
0x35: {  	s10 =	sld [smem:$0x3FB9];
	_ =	sdelay $0x3  }
0x36: {  	p1 =	seq.s32 s10, $0x1;
	s10 =	sld [smem:$0x3FBA];
	_ =	sdelay $0x3  }
0x37: {  	[smem:$0x3FBA] =	sst s10  }
0x38: {  	s10 =	sld [smem:$0x3FBB]  }
0x39: {  	_ = 	snop;
	(pc) =	sbr.ind lr, $3  }
0x3a: {  	_ = 	snop  }
0x3b: {  	_ = 	snop  }
0x3c: {  	p2 =	seq.s32 s10, $0x1;
	s10 =	sld [smem:$0x3FBA]  }
0x3d: {  	_ =	shalt  }
0x3e: {  	_ =	shalt  }
0x3f: {  	_ =	shalt  }
0x40: {  	_ =	shalt  }
0x41: {  	_ =	shalt  }
0x42: {  	_ =	shalt  }
0x43: {  	_ =	shalt  }
0x44: {  	_ =	shalt  }
0x45: {  	_ =	shalt  }
0x46: {  	_ =	shalt  }
0x47: {  	_ =	shalt  }
0x48: {  	_ =	shalt  }
0x49: {  	_ =	shalt  }
0x4a: {  	_ =	shalt  }
0x4b: {  	_ =	shalt  }
0x4c: {  	_ =	shalt  }
0x4d: {  	_ =	shalt  }
0x4e: {  	_ =	shalt  }
0x4f: {  	_ =	shalt  }
0x50: {  	_ =	shalt  }
0x51: {  	_ =	shalt  }
0x52: {  	_ =	shalt  }
0x53: {  	_ =	shalt  }
0x54: {  	_ =	shalt  }
0x55: {  	_ =	shalt  }
0x56: {  	_ =	shalt  }
0x57: {  	_ =	shalt  }
0x58: {  	_ =	shalt  }
0x59: {  	_ =	shalt  }
0x5a: {  	_ =	shalt  }
0x5b: {  	_ =	shalt  }
0x5c: {  	_ =	shalt  }
0x5d: {  	_ =	shalt  }
0x5e: {  	_ =	shalt  }
0x5f: {  	_ =	shalt  }
0x60: {  	_ =	shalt  }
0x61: {  	_ =	shalt  }
0x62: {  	_ =	shalt  }
0x63: {  	_ =	shalt  }
0x64: {  	_ =	shalt  }
0x65: {  	_ =	shalt  }
0x66: {  	_ =	shalt  }
0x67: {  	_ =	shalt  }
0x68: {  	_ =	shalt  }
0x69: {  	_ =	shalt  }
0x6a: {  	_ =	shalt  }
0x6b: {  	_ =	shalt  }
0x6c: {  	_ =	shalt  }
0x6d: {  	_ =	shalt  }
0x6e: {  	_ =	shalt  }
0x6f: {  	_ =	shalt  }
0x70: {  	_ =	shalt  }
0x71: {  	_ =	shalt  }
0x72: {  	_ =	shalt  }
0x73: {  	_ =	shalt  }
0x74: {  	_ =	shalt  }
0x75: {  	_ =	shalt  }
0x76: {  	_ =	shalt  }
0x77: {  	_ =	shalt  }
0x78: {  	_ =	shalt  }
0x79: {  	_ =	shalt  }
0x7a: {  	_ =	shalt  }
0x7b: {  	_ =	shalt  }
0x7c: {  	_ =	shalt  }
0x7d: {  	_ =	shalt  }
0x7e: {  	_ =	shalt  }
0x7f: {  	_ =	shalt  }
0x80: {  	_ =	shalt  }
0x81: {  	_ =	shalt  }
0x82: {  	_ =	shalt  }
0x83: {  	_ =	shalt  }
0x84: {  	_ =	shalt  }
0x85: {  	_ =	shalt  }
0x86: {  	_ =	shalt  }
0x87: {  	_ =	shalt  }
.Lfunc_end0:
.L_simem_size_0:
called_computation_lowered:
.L_overlay_start_0:
0x88: {  	s2 =	sld [smem:$0x3FD9]  }
0x89: {  	s3 =	sld [smem:$0x3FFE];
	_ =	sdelay $0x1  }
0x8a: {  	s1 =	srdreg.scid  }
0x8b: {  	s0 =	sand.u32 $0x1, s1  }
0x8c: {  	s17 =	sshll.u32 s0, $0xA;
	s2 =	sadd.s32 s3, s2  }
0x8d: {  	s2 =	sadd.s32 s2, s17  }
0x8e: {  	[smem:$0x3FC6] =	sst s2  }
0x8f: {  	_ = 	snop  }
0x90: {  	s2 =	sld [smem:$0x3FC8]  }
0x91: {  	s18 =	sld [smem:$0x3FD0];
	(tm) =	ssettm $0x1  }
0x92: {  	s4 =	sld [smem:$0x3FFB];
	_ =	sdelay $0x3  }
0x93: {  	_ =	strace s4  }
0x94: {  	s4 =	sld [smem:$0x3FFC];
	_ =	sdelay $0x3  }
0x95: {  	_ =	strace s4  }
0x96: {  	s4 =	sld [smem:$0x3FFD];
	_ =	sdelay $0x3  }
0x97: {  	_ =	strace s4  }
0x98: {  	_ =	strace $0x8FFFFFFF  }
0x99: {  	s19 =	sld [smem:$0x3FDB];
	_ =	sdelay $0x1  }
0x9a: {  	s5 =	simm.s32 $_scs_section_size  }
0x9b: {  	s6 =	simm.s32 $_size__tile_overlayer_lowered;
	s7 =	simm.s32 $_tile_overlayer_lowered  }
0x9c: {  	s22 =	simm.s32 $0x1BFF;
	s21 =	sshll.u32 s7, $0x1;
	s4 =	sadd.s32 s5, s19  }
0x9d: {  	s8 =	simm.s32 $0x0;
	s20 =	sshll.u32 s6, $0x1;
	s6 =	sadd.s32 s21, s4  }
0x9e: {  	[timem:s8], [sflag:s22] =	dma.local [hbm:s6], s20  }
0x9f: {  	_ =	swait.ge [sflag:s22], s20  }
0xa0: {  	s5 =	ssub.s32 $0x0, s20;
	[sflag:s22] =	ssyncset.done $0x0  }
0xa1: {  	[sflag:s22] =	ssyncadd.s32 s5;
	_ =	sdelay $0x1  }
0xa2: {  	s23 =	simm.s32 $0x1B8B  }
0xa3: {  	_ =	swait.ge [sflag:s23], $0x1  }
0xa4: {  	[sflag:s23] =	ssyncset.done $0x0  }
0xa5: {  	s25 =	simm.s32 $0x1B8E;
	s24 =	sld [smem:$0x3FFE];
	[sflag:s23] =	ssyncadd.s32 $0xFFFFFFFF  }
0xa6: {  	s26 =	simm.s32 $execute0_lowered;
	[smem:$0x3FD2] =	sst s25  }
0xa7: {  	s6 =	sshll.u32 s26, $0x1;
	_ =	strace $0x80000046;
	[dreg:$0x1] =	wrdreg $0xFFFFFFFF  }
0xa8: {  	s28 =	simm.s32 $_size_execute0_lowered;
	s4 =	sadd.s32 s4, s6;
	[dreg:$0x0] =	wrdreg $0x0  }
0xa9: {  	s6 =	sshll.u32 s28, $0x1;
	[dreg:$0x2] =	wrdreg s4  }
0xaa: {  	[dreg:$0x3] =	wrdreg s6  }
0xab: {  	[dreg:$0x4] =	wrdreg $0xC0  }
0xac: {  	_ =	task [dreg:s8], $0x5FFFF  }
0xad: {  	[dreg:$0x1] =	wrdreg $0xFFFFFFFF  }
0xae: {  	[dreg:$0x0] =	wrdreg $0x60  }
0xaf: {  	[dreg:$0x2] =	wrdreg s2  }
0xb0: {  	[dreg:$0x3] =	wrdreg s18  }
0xb1: {  	[dreg:$0x4] =	wrdreg s24  }
0xb2: {  	[dreg:$0x5] =	wrdreg $0x9  }
0xb3: {  	_ =	task.clear_ibuf [dreg:s8], $0x6FFFF;
	_ =	strace $0x90000046  }
0xb4: {  	s29 =	simm.s32 $0x9;
	_ =	strace $0x80000048  }
0xb5: {  	_ =	swait.ge [sflag:s29], $0x1  }
0xb6: {  	[sflag:s29] =	ssyncadd.s32 $0xFFFFFFFF  }
0xb7: {  	_ =	strace $0x90000048  }
0xb8: {  	_ =	sfence  }
0xb9: {  	s30 =	sld [smem:$0x0];
	_ =	sdelay $0x2  }
0xba: {  	s31 =	sshll.u32 s1, $0xD;
	s1 =	sshrl.u32 s1, $0x2  }
0xbb: {  	s3 =	sand.u32 $0x4000, s31;
	s1 =	sadd.s32 s1, s30  }
0xbc: {  	s0 =	sor.u32 s3, s0;
	s1 =	sshll.u32 s1, $0x11  }
0xbd: {  	s0 =	sor.u32 s1, s0  }
0xbe: {  	s0 =	sadd.s32 $0x8F2B, s0  }
0xbf: {  	[sflag:s0] =	ssyncadd.remote.s32 $0x1  }
0xc0: {  	_ =	sfence.sel $0xFFFF  }
0xc1: {  	[dreg:$0x0] =	wrdreg $0xFFFFFFFF;
	(pc) =	sbr.abs _section_cstart, $3  }
0xc2: {  	[dreg:$0x1] =	wrdreg $0xFFFFFFFF  }
0xc3: {  	_ =	task.clear_ibuf [dreg:s8], $0x2FFFF;
	_ =	strace $0x9FFFFFFF  }
0xc4: {  	(tm) =	ssettm $0x7FFFFFFF  }
0xc5: {  	_ =	shalt  }
tec
execute0_lowered:
.L_overlay_start_1:
0x0: {  	(tag) =	ssettag $0x1  }
0x1: {  	s0 =	rddreg [dreg:$0x0];
	s1 =	srdreg.scid  }
0x2: {  	s3 =	stileid.u32;
	s2 =	rddreg [dreg:$0x2]  }
0x3: {  	s13 =	simm.s32 $0x400;
	s14 =	simm.s32 $0x7A1400;
	s15 =	simm.s32 $0x2000  }
0x4: {  	s16 =	simm.s32 $0x1;
	s17 =	simm.s32 $0x6000;
	s18 =	simm.s32 $0x2  }
0x5: {  	s19 =	simm.s32 $0x8000;
	s20 =	simm.s32 $0x3;
	s21 =	simm.s32 $0x4000  }
0x6: {  	s22 =	simm.s32 $0xA000;
	s23 =	simm.s32 $0x4;
	s24 =	simm.s32 $0x5  }
0x7: {  	s25 =	simm.s32 $0x6;
	s26 =	simm.s32 $0x7;
	s28 =	simm.s32 $0x0  }
0x8: {  	s1 =	sand.u32 $0x1, s1;
	s4 =	sshll.u32 s3, $0x1;
	s3 =	simm.s32 $0x0  }
0x9: {  	s6 =	sadd.s32 $0xA00, s2;
	s10 =	sadd.s32 $0x2000, s0;
	s31 =	sadd.s32 $0x7A1800, s2  }
.Ltmp0:
0xa: {  	s4 =	sor.u32 s1, s4;
	[smem:$0x7FF] =	sst s3;
	(pc) =	sbr.rel .LBB2_1-.Ltmp0, $4  }
0xb: {  	v0 =	vlaneseq.u32;
	s1 =	ssub.s32 $0x2, s1;
	s5 =	sshll.u32 s4, $0x7;
	_ =	strace $0x80000047  }
0xc: {  	v1 =	vmul.u32 $0x80, v0;
	s7 =	sshrl.u32 s1, $0x1;
	s8 =	sor.u32 $0x20, s4;
	s9 =	sor.u32 $0x40, s4  }
0xd: {  	v3 =	vor.u32 $0x10, v0;
	v5 =	vor.u32 $0x20, v0;
	v7 =	vor.u32 $0x30, v0;
	[dreg:$0x4] =	wrdreg s31;
	s5 =	sadd.s32 s0, s5;
	s1 =	ssub.s32 s1, s7  }
0xe: {  	v2 =	vor.u32 $0x800, v1;
	v4 =	vor.u32 $0x1000, v1;
	p0 =	sne.s32 s4, $0x0;
	v6 =	vor.u32 $0x1800, v1;
	s7 =	sadd.s32 $0x1000, s5;
	s12 =	smax.u32 s1, $0x1  }
.LBB2_19:
0xf: {  	_ =	swait.ge [sflag:s23], $0x2000  }
0x10: {  	[sflag:s23] =	ssyncset.done $0x0  }
0x11: {  	[sflag:s23] =	ssyncadd.s32 $0xFFFFE000  }
0x12: {  	_ =	swait.ge [sflag:s24], $0x2000  }
.Ltmp1:
0x13: {  	[sflag:s24] =	ssyncset.done $0x0;
	(pc) =	sbr.rel @!p0 .LBB2_20-.Ltmp1, $4  }
0x14: {  	[sflag:s24] =	ssyncadd.s32 $0xFFFFE000  }
0x15: {  	_ =	swait.ge [sflag:s25], $0x2000  }
0x16: {  	[sflag:s25] =	ssyncset.done $0x0  }
0x17: {  	[sflag:s25] =	ssyncadd.s32 $0xFFFFE000  }
.LBB2_25:
0x18: {  	s28 =	sadd.s32 $0x1, s28  }
0x19: {  	p1 =	sne.s32 s28, s12  }
.Ltmp2:
0x1a: {  	_ = 	snop;
	(pc) =	sbr.rel @!p1 .LBB2_26-.Ltmp2, $1  }
0x1b: {  	_ =	sdelay $0x3  }
.LBB2_1:
.Ltmp3:
0x1c: {  	(pc) =	sbr.rel .LBB2_2-.Ltmp3, $4  }
0x1d: {  	_ = 	snop  }
0x1e: {  	[tilespmem:s3], [sflag:$0x1] =	stream.strided.gather [hbm4b:s5+s13], $0x2000, s14, s13, $0x38;
	[tilespmem:$0xC000] =	vst v63  }
0x1f: {  	s29 =	simm.s32 $0x0  }
0x20: {  	[tilespmem:s15], [sflag:$0x2] =	stream.strided.gather [hbm4b:s7+s13], $0x2000, s14, s13, $0x38;
	[tilespmem:$0xC000] =	vst v63  }
.LBB2_18:
0x21: {  	s29 =	sadd.s32 $0x1, s29  }
0x22: {  	p1 =	sne.s32 s29, $0x52  }
.Ltmp4:
0x23: {  	_ = 	snop;
	(pc) =	sbr.rel @!p1 .LBB2_19-.Ltmp4, $1  }
0x24: {  	_ =	sdelay $0x3  }
.LBB2_2:
0x25: {  	s30 =	smul.u32 $0x60, s29;
	_ =	sdelay $0x1  }
0x26: {  	s31 =	sor.u32 s4, s30  }
0x27: {  	p1 =	sgt.u32 s31, $0x1E43  }
0x28: {  	s0 =	sshll.u32 @!p1 s31, $0x7;
	s1 =	simm.s32 @!p1 $0x400  }
0x29: {  	s2 =	simm.s32 @!p1 $0x7A1400;
	s11 =	simm.s32 @!p1 $0x4000;
	s0 =	sadd.s32 @!p1 s0, s10  }
0x2a: {  	[tilespmem:s11], [sflag:$0x3] =	stream.strided.gather @!p1 [hbm4b:s0+s1], $0x2000, s2, s1, $0x38;
	[tilespmem:$0xC000] =	vst v63  }
0x2b: {  	_ =	swait.ge [sflag:s16], $0x2000  }
0x2c: {  	p1 =	seq.s32 s29, $0x0;
	[sflag:s16] =	ssyncset.done $0x0  }
0x2d: {  	s0 =	simm.s32 @!p1 $0x4;
	[sflag:s16] =	ssyncadd.s32 $0xFFFFE000  }
0x2e: {  	_ =	swait.ge @!p1 [sflag:s0], $0x2000  }
0x2f: {  	[sflag:s0] =	ssyncset.done @!p1 $0x0  }
0x30: {  	s1 =	simm.s32 $0x0;
	[sflag:s0] =	ssyncadd.s32 @!p1 $0xFFFFE000;
	s0 =	simm.s32 $0x0  }
.LBB2_3:
0x31: {  	v8 =	vadd.s32 s0, v0  }
0x32: {  	v8 =	vand.u32 $0xF, v8  }
0x33: {  	v9 =	vor.u32 s1, v8  }
0x34: {  	v10 =	vor.u32 v1, v9;
	_ =	sdelay $0x3  }
0x35: {  	v11 =	vshll.u32 v9, $0x6  }
0x36: {  	v12 =	vor.u32 v0, v11;
	v10 =	vld.idx.msk [tilespmem:v10+s3+$0x0], $0xffff  }
0x37: {  	v13 =	vor.u32 v2, v9;
	_ =	sdelay $0x3  }
0x38: {  	[tilespmem:v12+s17+$0x0] =	vst.idx.msk $0xffff, v10  }
0x39: {  	v61 =	vor.u32 v3, v11;
	v10 =	vld.idx.msk [tilespmem:v13+s3+$0x0], $0xffff  }
0x3a: {  	v62 =	vor.u32 v4, v9;
	_ =	sdelay $0x3  }
0x3b: {  	[tilespmem:v61+s17+$0x0] =	vst.idx.msk $0xffff, v10  }
0x3c: {  	v63 =	vor.u32 v5, v11;
	v10 =	vld.idx.msk [tilespmem:v62+s3+$0x0], $0xffff  }
0x3d: {  	v9 =	vor.u32 v6, v9;
	_ =	sdelay $0x3  }
0x3e: {  	s2 =	simm.s32 $0x10;
	[tilespmem:v63+s17+$0x0] =	vst.idx.msk $0xffff, v10  }
0x3f: {  	v11 =	vor.u32 v7, v11;
	v10 =	vld.idx.msk [tilespmem:v9+s3+$0x0], $0xffff;
	v9 =	vor.u32 s2, v8;
	s2 =	simm.s32 $0x20  }
.LBB2_4:
0x40: {  	p2 =	sne.s32 s2, $0x70;
	v12 =	vor.u32 v1, v9;
	_ =	sdelay $0x3  }
0x41: {  	[tilespmem:v11+s17+$0x0] =	vst.idx.msk $0xffff, v10  }
0x42: {  	v11 =	vshll.u32 v9, $0x6;
	v10 =	vld.idx.msk [tilespmem:v12+s3+$0x0], $0xffff  }
0x43: {  	v12 =	vor.u32 v0, v11  }
0x44: {  	v13 =	vor.u32 v2, v9;
	_ =	sdelay $0x3  }
0x45: {  	[tilespmem:v12+s17+$0x0] =	vst.idx.msk $0xffff, v10  }
0x46: {  	v10 =	vld.idx.msk [tilespmem:v13+s3+$0x0], $0xffff  }
0x47: {  	v12 =	vor.u32 v3, v11  }
0x48: {  	v13 =	vor.u32 v4, v9;
	_ =	sdelay $0x3  }
0x49: {  	[tilespmem:v12+s17+$0x0] =	vst.idx.msk $0xffff, v10  }
0x4a: {  	v10 =	vld.idx.msk [tilespmem:v13+s3+$0x0], $0xffff  }
0x4b: {  	v12 =	vor.u32 v5, v11  }
0x4c: {  	v9 =	vor.u32 v6, v9;
	_ =	sdelay $0x1  }
.Ltmp5:
0x4d: {  	(pc) =	sbr.rel @p2 .LBB2_4-.Ltmp5, $4  }
0x4e: {  	_ = 	snop  }
0x4f: {  	[tilespmem:v12+s17+$0x0] =	vst.idx.msk $0xffff, v10  }
0x50: {  	v10 =	vld.idx.msk [tilespmem:v9+s3+$0x0], $0xffff  }
0x51: {  	v11 =	vor.u32 v7, v11;
	v9 =	vor.u32 s2, v8;
	s2 =	sadd.s32 $0x10, s2  }
0x52: {  	v8 =	vor.u32 v1, v9;
	_ =	sdelay $0x3  }
0x53: {  	v57 =	vshll.u32 v9, $0x6;
	[tilespmem:v11+s17+$0x0] =	vst.idx.msk $0xffff, v10  }
0x54: {  	v58 =	vor.u32 v0, v57;
	v8 =	vld.idx.msk [tilespmem:v8+s3+$0x0], $0xffff  }
0x55: {  	v12 =	vor.u32 v2, v9;
	_ =	sdelay $0x3  }
0x56: {  	[tilespmem:v58+s17+$0x0] =	vst.idx.msk $0xffff, v8  }
0x57: {  	v59 =	vor.u32 v3, v57;
	v8 =	vld.idx.msk [tilespmem:v12+s3+$0x0], $0xffff  }
0x58: {  	v60 =	vor.u32 v4, v9;
	_ =	sdelay $0x3  }
0x59: {  	[tilespmem:v59+s17+$0x0] =	vst.idx.msk $0xffff, v8  }
0x5a: {  	v61 =	vor.u32 v5, v57;
	v8 =	vld.idx.msk [tilespmem:v60+s3+$0x0], $0xffff  }
0x5b: {  	v62 =	vor.u32 v6, v9;
	_ =	sdelay $0x3  }
0x5c: {  	s0 =	sadd.s32 $0x1, s0;
	[tilespmem:v61+s17+$0x0] =	vst.idx.msk $0xffff, v8  }
0x5d: {  	v63 =	vor.u32 v7, v57;
	p2 =	sne.s32 s0, $0x10;
	v8 =	vld.idx.msk [tilespmem:v62+s3+$0x0], $0xffff  }
.Ltmp6:
0x5e: {  	_ = 	snop;
	(pc) =	sbr.rel @p2 .LBB2_3-.Ltmp6, $2  }
0x5f: {  	_ =	sdelay $0x2  }
0x60: {  	[tilespmem:v63+s17+$0x0] =	vst.idx.msk $0xffff, v8  }
0x61: {  	s0 =	sshll.u32 s31, $0xA;
	s31 =	sadd.s32 s8, s30  }
0x62: {  	p2 =	sgt.u32 s31, $0x1E83  }
.Ltmp7:
0x63: {  	_ = 	snop;
	(pc) =	sbr.rel @p2 .LBB2_12-.Ltmp7, $3  }
0x64: {  	_ =	sdelay $0x1  }
0x65: {  	s0 =	sadd.s32 s6, s0  }
0x66: {  	[hbm4b:s0+s3] =	stream.linear.scatter [tilespmem:s17], [sflag:$0x4], $0x2000, $0x38;
	[tilespmem:$0xC000] =	vst v63  }
0x67: {  	p2 =	sgt.u32 s31, $0x1E43  }
0x68: {  	s0 =	sshll.u32 @!p2 s31, $0x7;
	s1 =	simm.s32 @!p2 $0x400  }
0x69: {  	s2 =	simm.s32 @!p2 $0x7A1400;
	s11 =	simm.s32 @!p2 $0x0;
	s0 =	sadd.s32 @!p2 s0, s10  }
0x6a: {  	[tilespmem:s11], [sflag:$0x1] =	stream.strided.gather @!p2 [hbm4b:s0+s1], $0x2000, s2, s1, $0x38;
	[tilespmem:$0xC000] =	vst v63  }
0x6b: {  	_ =	swait.ge [sflag:s18], $0x2000  }
0x6c: {  	[sflag:s18] =	ssyncset.done $0x0  }
0x6d: {  	s0 =	simm.s32 @!p1 $0x5;
	[sflag:s18] =	ssyncadd.s32 $0xFFFFE000  }
0x6e: {  	_ =	swait.ge @!p1 [sflag:s0], $0x2000  }
0x6f: {  	[sflag:s0] =	ssyncset.done @!p1 $0x0  }
0x70: {  	s1 =	simm.s32 $0x0;
	[sflag:s0] =	ssyncadd.s32 @!p1 $0xFFFFE000;
	s0 =	simm.s32 $0x0  }
.LBB2_8:
0x71: {  	v8 =	vadd.s32 s0, v0  }
0x72: {  	v8 =	vand.u32 $0xF, v8  }
0x73: {  	v9 =	vor.u32 s1, v8  }
0x74: {  	v10 =	vor.u32 v1, v9;
	_ =	sdelay $0x3  }
0x75: {  	v11 =	vshll.u32 v9, $0x6  }
0x76: {  	v12 =	vor.u32 v0, v11;
	v10 =	vld.idx.msk [tilespmem:v10+s15+$0x0], $0xffff  }
0x77: {  	v13 =	vor.u32 v2, v9;
	_ =	sdelay $0x3  }
0x78: {  	[tilespmem:v12+s19+$0x0] =	vst.idx.msk $0xffff, v10  }
0x79: {  	v61 =	vor.u32 v3, v11;
	v10 =	vld.idx.msk [tilespmem:v13+s15+$0x0], $0xffff  }
0x7a: {  	v62 =	vor.u32 v4, v9;
	_ =	sdelay $0x3  }
0x7b: {  	[tilespmem:v61+s19+$0x0] =	vst.idx.msk $0xffff, v10  }
0x7c: {  	v63 =	vor.u32 v5, v11;
	v10 =	vld.idx.msk [tilespmem:v62+s15+$0x0], $0xffff  }
0x7d: {  	v9 =	vor.u32 v6, v9;
	_ =	sdelay $0x3  }
0x7e: {  	s2 =	simm.s32 $0x10;
	[tilespmem:v63+s19+$0x0] =	vst.idx.msk $0xffff, v10  }
0x7f: {  	v11 =	vor.u32 v7, v11;
	v10 =	vld.idx.msk [tilespmem:v9+s15+$0x0], $0xffff;
	v9 =	vor.u32 s2, v8;
	s2 =	simm.s32 $0x20  }
.LBB2_9:
0x80: {  	p2 =	sne.s32 s2, $0x70;
	v12 =	vor.u32 v1, v9;
	_ =	sdelay $0x3  }
0x81: {  	[tilespmem:v11+s19+$0x0] =	vst.idx.msk $0xffff, v10  }
0x82: {  	v11 =	vshll.u32 v9, $0x6;
	v10 =	vld.idx.msk [tilespmem:v12+s15+$0x0], $0xffff  }
0x83: {  	v12 =	vor.u32 v0, v11  }
0x84: {  	v13 =	vor.u32 v2, v9;
	_ =	sdelay $0x3  }
0x85: {  	[tilespmem:v12+s19+$0x0] =	vst.idx.msk $0xffff, v10  }
0x86: {  	v10 =	vld.idx.msk [tilespmem:v13+s15+$0x0], $0xffff  }
0x87: {  	v12 =	vor.u32 v3, v11  }
0x88: {  	v13 =	vor.u32 v4, v9;
	_ =	sdelay $0x3  }
0x89: {  	[tilespmem:v12+s19+$0x0] =	vst.idx.msk $0xffff, v10  }
0x8a: {  	v10 =	vld.idx.msk [tilespmem:v13+s15+$0x0], $0xffff  }
0x8b: {  	v12 =	vor.u32 v5, v11  }
0x8c: {  	v9 =	vor.u32 v6, v9;
	_ =	sdelay $0x1  }
.Ltmp8:
0x8d: {  	(pc) =	sbr.rel @p2 .LBB2_9-.Ltmp8, $4  }
0x8e: {  	_ = 	snop  }
0x8f: {  	[tilespmem:v12+s19+$0x0] =	vst.idx.msk $0xffff, v10  }
0x90: {  	v10 =	vld.idx.msk [tilespmem:v9+s15+$0x0], $0xffff  }
0x91: {  	v11 =	vor.u32 v7, v11;
	v9 =	vor.u32 s2, v8;
	s2 =	sadd.s32 $0x10, s2  }
0x92: {  	v8 =	vor.u32 v1, v9;
	_ =	sdelay $0x3  }
0x93: {  	v57 =	vshll.u32 v9, $0x6;
	[tilespmem:v11+s19+$0x0] =	vst.idx.msk $0xffff, v10  }
0x94: {  	v58 =	vor.u32 v0, v57;
	v8 =	vld.idx.msk [tilespmem:v8+s15+$0x0], $0xffff  }
0x95: {  	v12 =	vor.u32 v2, v9;
	_ =	sdelay $0x3  }
0x96: {  	[tilespmem:v58+s19+$0x0] =	vst.idx.msk $0xffff, v8  }
0x97: {  	v59 =	vor.u32 v3, v57;
	v8 =	vld.idx.msk [tilespmem:v12+s15+$0x0], $0xffff  }
0x98: {  	v60 =	vor.u32 v4, v9;
	_ =	sdelay $0x3  }
0x99: {  	[tilespmem:v59+s19+$0x0] =	vst.idx.msk $0xffff, v8  }
0x9a: {  	v61 =	vor.u32 v5, v57;
	v8 =	vld.idx.msk [tilespmem:v60+s15+$0x0], $0xffff  }
0x9b: {  	v62 =	vor.u32 v6, v9;
	_ =	sdelay $0x3  }
0x9c: {  	s0 =	sadd.s32 $0x1, s0;
	[tilespmem:v61+s19+$0x0] =	vst.idx.msk $0xffff, v8  }
0x9d: {  	v63 =	vor.u32 v7, v57;
	p2 =	sne.s32 s0, $0x10;
	v8 =	vld.idx.msk [tilespmem:v62+s15+$0x0], $0xffff  }
.Ltmp9:
0x9e: {  	_ = 	snop;
	(pc) =	sbr.rel @p2 .LBB2_8-.Ltmp9, $2  }
0x9f: {  	_ =	sdelay $0x2  }
0xa0: {  	[tilespmem:v63+s19+$0x0] =	vst.idx.msk $0xffff, v8  }
0xa1: {  	s0 =	sshll.u32 s31, $0xA  }
0xa2: {  	s0 =	sadd.s32 s6, s0  }
0xa3: {  	[hbm4b:s0+s3] =	stream.linear.scatter [tilespmem:s19], [sflag:$0x5], $0x2000, $0x38;
	[tilespmem:$0xC000] =	vst v63  }
.LBB2_12:
0xa4: {  	s30 =	sadd.s32 s9, s30  }
0xa5: {  	p2 =	sgt.u32 s30, $0x1E83  }
.Ltmp10:
0xa6: {  	_ = 	snop;
	(pc) =	sbr.rel @p2 .LBB2_18-.Ltmp10, $1  }
0xa7: {  	_ =	sdelay $0x3  }
0xa8: {  	p2 =	sgt.u32 s30, $0x1E43  }
0xa9: {  	s0 =	sshll.u32 @!p2 s30, $0x7;
	s1 =	simm.s32 @!p2 $0x400  }
0xaa: {  	s2 =	simm.s32 @!p2 $0x7A1400;
	s11 =	simm.s32 @!p2 $0x2000;
	s0 =	sadd.s32 @!p2 s0, s10  }
0xab: {  	[tilespmem:s11], [sflag:$0x2] =	stream.strided.gather @!p2 [hbm4b:s0+s1], $0x2000, s2, s1, $0x38;
	[tilespmem:$0xC000] =	vst v63  }
0xac: {  	_ =	swait.ge [sflag:s20], $0x2000  }
0xad: {  	[sflag:s20] =	ssyncset.done $0x0  }
0xae: {  	s0 =	simm.s32 @!p1 $0x6;
	[sflag:s20] =	ssyncadd.s32 $0xFFFFE000  }
0xaf: {  	_ =	swait.ge @!p1 [sflag:s0], $0x2000  }
0xb0: {  	[sflag:s0] =	ssyncset.done @!p1 $0x0  }
0xb1: {  	s1 =	simm.s32 $0x0;
	[sflag:s0] =	ssyncadd.s32 @!p1 $0xFFFFE000;
	s0 =	simm.s32 $0x0  }
.LBB2_14:
0xb2: {  	v8 =	vadd.s32 s0, v0  }
0xb3: {  	v8 =	vand.u32 $0xF, v8  }
0xb4: {  	v9 =	vor.u32 s1, v8  }
0xb5: {  	v10 =	vor.u32 v1, v9;
	_ =	sdelay $0x3  }
0xb6: {  	v11 =	vshll.u32 v9, $0x6  }
0xb7: {  	v12 =	vor.u32 v0, v11;
	v10 =	vld.idx.msk [tilespmem:v10+s21+$0x0], $0xffff  }
0xb8: {  	v13 =	vor.u32 v2, v9;
	_ =	sdelay $0x3  }
0xb9: {  	[tilespmem:v12+s22+$0x0] =	vst.idx.msk $0xffff, v10  }
0xba: {  	v61 =	vor.u32 v3, v11;
	v10 =	vld.idx.msk [tilespmem:v13+s21+$0x0], $0xffff  }
0xbb: {  	v62 =	vor.u32 v4, v9;
	_ =	sdelay $0x3  }
0xbc: {  	[tilespmem:v61+s22+$0x0] =	vst.idx.msk $0xffff, v10  }
0xbd: {  	v63 =	vor.u32 v5, v11;
	v10 =	vld.idx.msk [tilespmem:v62+s21+$0x0], $0xffff  }
0xbe: {  	v9 =	vor.u32 v6, v9;
	_ =	sdelay $0x3  }
0xbf: {  	s2 =	simm.s32 $0x10;
	[tilespmem:v63+s22+$0x0] =	vst.idx.msk $0xffff, v10  }
0xc0: {  	v11 =	vor.u32 v7, v11;
	v10 =	vld.idx.msk [tilespmem:v9+s21+$0x0], $0xffff;
	v9 =	vor.u32 s2, v8;
	s2 =	simm.s32 $0x20  }
.LBB2_15:
0xc1: {  	p1 =	sne.s32 s2, $0x70;
	v12 =	vor.u32 v1, v9;
	_ =	sdelay $0x3  }
0xc2: {  	[tilespmem:v11+s22+$0x0] =	vst.idx.msk $0xffff, v10  }
0xc3: {  	v11 =	vshll.u32 v9, $0x6;
	v10 =	vld.idx.msk [tilespmem:v12+s21+$0x0], $0xffff  }
0xc4: {  	v12 =	vor.u32 v0, v11  }
0xc5: {  	v13 =	vor.u32 v2, v9;
	_ =	sdelay $0x3  }
0xc6: {  	[tilespmem:v12+s22+$0x0] =	vst.idx.msk $0xffff, v10  }
0xc7: {  	v10 =	vld.idx.msk [tilespmem:v13+s21+$0x0], $0xffff  }
0xc8: {  	v12 =	vor.u32 v3, v11  }
0xc9: {  	v13 =	vor.u32 v4, v9;
	_ =	sdelay $0x3  }
0xca: {  	[tilespmem:v12+s22+$0x0] =	vst.idx.msk $0xffff, v10  }
0xcb: {  	v10 =	vld.idx.msk [tilespmem:v13+s21+$0x0], $0xffff  }
0xcc: {  	v12 =	vor.u32 v5, v11  }
0xcd: {  	v9 =	vor.u32 v6, v9;
	_ =	sdelay $0x1  }
.Ltmp11:
0xce: {  	(pc) =	sbr.rel @p1 .LBB2_15-.Ltmp11, $4  }
0xcf: {  	_ = 	snop  }
0xd0: {  	[tilespmem:v12+s22+$0x0] =	vst.idx.msk $0xffff, v10  }
0xd1: {  	v10 =	vld.idx.msk [tilespmem:v9+s21+$0x0], $0xffff  }
0xd2: {  	v11 =	vor.u32 v7, v11;
	v9 =	vor.u32 s2, v8;
	s2 =	sadd.s32 $0x10, s2  }
0xd3: {  	v8 =	vor.u32 v1, v9;
	_ =	sdelay $0x3  }
0xd4: {  	v57 =	vshll.u32 v9, $0x6;
	[tilespmem:v11+s22+$0x0] =	vst.idx.msk $0xffff, v10  }
0xd5: {  	v58 =	vor.u32 v0, v57;
	v8 =	vld.idx.msk [tilespmem:v8+s21+$0x0], $0xffff  }
0xd6: {  	v12 =	vor.u32 v2, v9;
	_ =	sdelay $0x3  }
0xd7: {  	[tilespmem:v58+s22+$0x0] =	vst.idx.msk $0xffff, v8  }
0xd8: {  	v59 =	vor.u32 v3, v57;
	v8 =	vld.idx.msk [tilespmem:v12+s21+$0x0], $0xffff  }
0xd9: {  	v60 =	vor.u32 v4, v9;
	_ =	sdelay $0x3  }
0xda: {  	[tilespmem:v59+s22+$0x0] =	vst.idx.msk $0xffff, v8  }
0xdb: {  	v61 =	vor.u32 v5, v57;
	v8 =	vld.idx.msk [tilespmem:v60+s21+$0x0], $0xffff  }
0xdc: {  	v62 =	vor.u32 v6, v9;
	_ =	sdelay $0x3  }
0xdd: {  	s0 =	sadd.s32 $0x1, s0;
	[tilespmem:v61+s22+$0x0] =	vst.idx.msk $0xffff, v8  }
0xde: {  	v63 =	vor.u32 v7, v57;
	p1 =	sne.s32 s0, $0x10;
	v8 =	vld.idx.msk [tilespmem:v62+s21+$0x0], $0xffff  }
.Ltmp12:
0xdf: {  	_ = 	snop;
	(pc) =	sbr.rel @p1 .LBB2_14-.Ltmp12, $2  }
0xe0: {  	_ =	sdelay $0x2  }
0xe1: {  	[tilespmem:v63+s22+$0x0] =	vst.idx.msk $0xffff, v8  }
.Ltmp13:
0xe2: {  	(pc) =	sbr.rel .LBB2_18-.Ltmp13, $4  }
0xe3: {  	_ = 	snop  }
0xe4: {  	s0 =	sshll.u32 s30, $0xA  }
0xe5: {  	s0 =	sadd.s32 s6, s0  }
0xe6: {  	[hbm4b:s0+s3] =	stream.linear.scatter [tilespmem:s22], [sflag:$0x6], $0x2000, $0x38;
	[tilespmem:$0xC000] =	vst v63  }
.LBB2_20:
0xe7: {  	s29 =	simm.s32 $0x0;
	s0 =	rddreg [dreg:$0x1]  }
0xe8: {  	[tilespmem:s29], [sflag:$0x7] =	stream.linear.gather [hbm4b:s0+s29], $0x2000, $0x38;
	[tilespmem:$0xC000] =	vst v63  }
0xe9: {  	_ =	swait.ge [sflag:s26], $0x2000  }
0xea: {  	[sflag:s26] =	ssyncset.done $0x0  }
0xeb: {  	s0 =	simm.s32 $0x0;
	[sflag:s26] =	ssyncadd.s32 $0xFFFFE000  }
.LBB2_21:
0xec: {  	v8 =	vadd.s32 s0, v0  }
0xed: {  	v8 =	vand.u32 $0xF, v8  }
0xee: {  	v9 =	vor.u32 s29, v8  }
0xef: {  	v10 =	vor.u32 v1, v9;
	_ =	sdelay $0x3  }
0xf0: {  	v11 =	vshll.u32 v9, $0x6  }
0xf1: {  	v12 =	vor.u32 v0, v11;
	v10 =	vld.idx.msk [tilespmem:v10+s3+$0x0], $0xffff  }
0xf2: {  	v13 =	vor.u32 v2, v9;
	_ =	sdelay $0x3  }
0xf3: {  	[tilespmem:v12+s17+$0x0] =	vst.idx.msk $0xffff, v10  }
0xf4: {  	v61 =	vor.u32 v3, v11;
	v10 =	vld.idx.msk [tilespmem:v13+s3+$0x0], $0xffff  }
0xf5: {  	v62 =	vor.u32 v4, v9;
	_ =	sdelay $0x3  }
0xf6: {  	[tilespmem:v61+s17+$0x0] =	vst.idx.msk $0xffff, v10  }
0xf7: {  	v63 =	vor.u32 v5, v11;
	v10 =	vld.idx.msk [tilespmem:v62+s3+$0x0], $0xffff  }
0xf8: {  	v9 =	vor.u32 v6, v9;
	_ =	sdelay $0x3  }
0xf9: {  	s1 =	simm.s32 $0x10;
	[tilespmem:v63+s17+$0x0] =	vst.idx.msk $0xffff, v10  }
0xfa: {  	v11 =	vor.u32 v7, v11;
	v10 =	vld.idx.msk [tilespmem:v9+s3+$0x0], $0xffff;
	v9 =	vor.u32 s1, v8;
	s1 =	simm.s32 $0x20  }
.LBB2_22:
0xfb: {  	p1 =	sne.s32 s1, $0x70;
	v12 =	vor.u32 v1, v9;
	_ =	sdelay $0x3  }
0xfc: {  	[tilespmem:v11+s17+$0x0] =	vst.idx.msk $0xffff, v10  }
0xfd: {  	v11 =	vshll.u32 v9, $0x6;
	v10 =	vld.idx.msk [tilespmem:v12+s3+$0x0], $0xffff  }
0xfe: {  	v12 =	vor.u32 v0, v11  }
0xff: {  	v13 =	vor.u32 v2, v9;
	_ =	sdelay $0x3  }
0x100: {  	[tilespmem:v12+s17+$0x0] =	vst.idx.msk $0xffff, v10  }
0x101: {  	v10 =	vld.idx.msk [tilespmem:v13+s3+$0x0], $0xffff  }
0x102: {  	v12 =	vor.u32 v3, v11  }
0x103: {  	v13 =	vor.u32 v4, v9;
	_ =	sdelay $0x3  }
0x104: {  	[tilespmem:v12+s17+$0x0] =	vst.idx.msk $0xffff, v10  }
0x105: {  	v10 =	vld.idx.msk [tilespmem:v13+s3+$0x0], $0xffff  }
0x106: {  	v12 =	vor.u32 v5, v11  }
0x107: {  	v9 =	vor.u32 v6, v9;
	_ =	sdelay $0x1  }
.Ltmp14:
0x108: {  	(pc) =	sbr.rel @p1 .LBB2_22-.Ltmp14, $4  }
0x109: {  	_ = 	snop  }
0x10a: {  	[tilespmem:v12+s17+$0x0] =	vst.idx.msk $0xffff, v10  }
0x10b: {  	v10 =	vld.idx.msk [tilespmem:v9+s3+$0x0], $0xffff  }
0x10c: {  	v11 =	vor.u32 v7, v11;
	v9 =	vor.u32 s1, v8;
	s1 =	sadd.s32 $0x10, s1  }
0x10d: {  	v8 =	vor.u32 v1, v9;
	_ =	sdelay $0x3  }
0x10e: {  	v57 =	vshll.u32 v9, $0x6;
	[tilespmem:v11+s17+$0x0] =	vst.idx.msk $0xffff, v10  }
0x10f: {  	v58 =	vor.u32 v0, v57;
	v8 =	vld.idx.msk [tilespmem:v8+s3+$0x0], $0xffff  }
0x110: {  	v12 =	vor.u32 v2, v9;
	_ =	sdelay $0x3  }
0x111: {  	[tilespmem:v58+s17+$0x0] =	vst.idx.msk $0xffff, v8  }
0x112: {  	v59 =	vor.u32 v3, v57;
	v8 =	vld.idx.msk [tilespmem:v12+s3+$0x0], $0xffff  }
0x113: {  	v60 =	vor.u32 v4, v9;
	_ =	sdelay $0x3  }
0x114: {  	[tilespmem:v59+s17+$0x0] =	vst.idx.msk $0xffff, v8  }
0x115: {  	v61 =	vor.u32 v5, v57;
	v8 =	vld.idx.msk [tilespmem:v60+s3+$0x0], $0xffff  }
0x116: {  	v62 =	vor.u32 v6, v9;
	_ =	sdelay $0x3  }
0x117: {  	s0 =	sadd.s32 $0x1, s0;
	[tilespmem:v61+s17+$0x0] =	vst.idx.msk $0xffff, v8  }
0x118: {  	v63 =	vor.u32 v7, v57;
	p1 =	sne.s32 s0, $0x10;
	v8 =	vld.idx.msk [tilespmem:v62+s3+$0x0], $0xffff  }
.Ltmp15:
0x119: {  	_ = 	snop;
	(pc) =	sbr.rel @p1 .LBB2_21-.Ltmp15, $2  }
0x11a: {  	_ =	sdelay $0x2  }
0x11b: {  	[tilespmem:v63+s17+$0x0] =	vst.idx.msk $0xffff, v8  }
.Ltmp16:
0x11c: {  	s0 =	rddreg [dreg:$0x4];
	(pc) =	sbr.rel .LBB2_25-.Ltmp16, $4  }
0x11d: {  	[hbm4b:s0+s3] =	stream.linear.scatter [tilespmem:s17], [sflag:$0x7], $0x2000, $0x38;
	[tilespmem:$0xC000] =	vst v63  }
0x11e: {  	_ =	swait.ge [sflag:s26], $0x2000  }
0x11f: {  	[sflag:s26] =	ssyncset.done $0x0  }
0x120: {  	[sflag:s26] =	ssyncadd.s32 $0xFFFFE000  }
.LBB2_26:
0x121: {  	_ =	sfence.sel $0x180000  }
0x122: {  	[bflag:$0x0] =	sbarrier.arrive $0xFFFF  }
0x123: {  	_ =	strace $0x90000047  }
0x124: {  	s0 =	stileid.u32;
	[bflag:$0x2] =	sbarrier.arrive $0xFFFF  }
0x125: {  	p0 =	sne.s32 s0, $0x0;
	s0 =	rddreg [dreg:$0x3]  }
0x126: {  	s0 =	sadd.s32 @!p0 $0x100000, s0  }
0x127: {  	[sflag:s0] =	ssyncadd.tile.s32 @!p0 $0x1;
	_ =	shalt  }
.Lfunc_end2:
_tile_overlayer_lowered:
.L_overlay_start_2:
0x128: {  	(tag) =	ssettag $0x2  }
0x129: {  	s0 =	rddreg [dreg:$0x0];
	s2 =	stileid.u32  }
0x12a: {  	s1 =	rddreg [dreg:$0x1];
	p0 =	sne.s32 s2, $0x0  }
0x12b: {  	s3 =	rddreg [dreg:$0x2];
	[bflag:$0x3] =	sbarrier.arrive $0xFFFF;
	s2 =	simm.s32 @!p0 $0x1C07  }
0x12c: {  	[timem:s3], [sflag:s2] =	dma.local @!p0 [hbm:s0], s1  }
0x12d: {  	s0 =	simm.s32 @!p0 $0x7  }
0x12e: {  	_ =	swait.ge @!p0 [sflag:s0], s1  }
0x12f: {  	s1 =	ssub.s32 @!p0 $0x0, s1;
	[sflag:s0] =	ssyncset.done @!p0 $0x0  }
0x130: {  	[sflag:s0] =	ssyncadd.s32 @!p0 s1  }
0x131: {  	[bflag:$0x3] =	sbarrier.arrive $0xFFFF  }
0x132: {  	_ =	shalt  }

// kernel: kernel.7.cloned.1.call-start
scs
__scs_entry_jumppad:
0x0: {  	(pc) =	sbr.rel $0x88, $3  }
0x1: {  	(tag) =	ssettag $0x0;
	lr =	simm.s32 $0x1  }
0x2: {  	[smem:$0x3F9F] =	sst lr;
	_ =	strace $0xD0000000  }
0x3: {  	_ = 	snop  }
0x4: {  	_ = 	snop  }
0x5: {  	_ = 	snop  }
0x6: {  	_ = 	snop  }
0x7: {  	_ = 	snop  }
__scs_overlays_trampoline_lowered:
0x8: {  	[smem:$0x3FAE] =	sst s0  }
0x9: {  	[smem:$0x3FAF] =	sst s1  }
0xa: {  	[smem:$0x3FB0] =	sst s2  }
0xb: {  	[smem:$0x3FB1] =	sst s3  }
0xc: {  	[smem:$0x3FB2] =	sst s4  }
0xd: {  	[smem:$0x3FB3] =	sst s5  }
0xe: {  	[smem:$0x3FB4] =	sst s6  }
0xf: {  	[smem:$0x3FB5] =	sst s7  }
0x10: {  	[smem:$0x3FB6] =	sst s8  }
0x11: {  	[smem:$0x3FB7] =	sst s9;
	s0 =	simm.s32 @!p0 $0x0  }
0x12: {  	s1 =	sld [smem:$0x3F9D];
	s0 =	simm.s32 @p0 $0x1  }
0x13: {  	[smem:$0x3FB8] =	sst s0;
	s0 =	simm.s32 @!p1 $0x0  }
0x14: {  	s2 =	sld [smem:$0x3F9C];
	s0 =	simm.s32 @p1 $0x1  }
0x15: {  	[smem:$0x3FB9] =	sst s0;
	s0 =	simm.s32 @!p2 $0x0  }
0x16: {  	s3 =	sld [smem:$0x3FDB];
	s0 =	simm.s32 @p2 $0x1  }
0x17: {  	s4 =	simm.s32 $0x1BF5;
	[smem:$0x3FBB] =	sst s0  }
0x18: {  	s0 =	sld [smem:$0x3F9E];
	_ =	swait.ge [sflag:s4], $0x0  }
0x19: {  	s7 =	sld [smem:$0x3F9F]  }
0x1a: {  	s8 =	sadd.s32 $0xFFFFE003, lr  }
0x1b: {  	s9 =	sadd.s32 $0xFFFFFEF7, lr;
	s5 =	simm.s32 $0xFFFFFFFF;
	p2 =	slt.u32 s8, $0xFFFFF086  }
0x1c: {  	p1 =	slt.u32 s9, $0xF7A;
	s5 =	simm.s32 @!p2 $0x0  }
0x1d: {  	s5 =	simm.s32 @p1 $0x1;
	p0 =	seq.s32 s7, s2  }
0x1e: {  	s7 =	smul.u32 @!p0 $0xF7A, s2;
	p2 =	seq.s32 @!p0 s5, $0x0  }
0x1f: {  	s9 =	smul.u32 $0xF7A, s1;
	s8 =	simm.s32 @!p0 $0x1BF5;
	p2 =	por !p2, p0  }
0x20: {  	[sflag:s8] =	ssyncset.s32 @!p0 $0xFFFFF086;
	s6 =	sadd.s32 @!p0 s3, s7;
	s7 =	simm.s32 @!p0 $0x108  }
0x21: {  	s3 =	sadd.s32 s3, s9;
	s6 =	sadd.s32 @!p0 $0x88, s6;
	s7 =	simm.s32 @p2 $0x1082  }
0x22: {  	[simem:s7], [sflag:s8] =	dma.local @!p0 [hbm:s6], $0xF7A  }
0x23: {  	s9 =	sor.u32 $0xD0000000, s2;
	s6 =	simm.s32 $0x108;
	_ =	swait.ge @!p0 [sflag:s8], $0x0  }
0x24: {  	s3 =	sadd.s32 $0x88, s3;
	s6 =	simm.s32 @!p1 $0x1082;
	[sflag:s4] =	ssyncset.s32 $0xFFFFF086  }
0x25: {  	[simem:s6], [sflag:s4] =	dma.local [hbm:s3], $0xF7A  }
0x26: {  	[smem:$0x3F9F] =	sst s1;
	(tag) =	ssettag s2;
	_ =	strace s9  }
0x27: {  	s1 =	sld [smem:$0x3FAF]  }
0x28: {  	s2 =	sld [smem:$0x3FB0]  }
0x29: {  	s4 =	sld [smem:$0x3FB2]  }
0x2a: {  	p0 =	seq.s32 s5, $0x0;
	s5 =	sld [smem:$0x3FB3]  }
0x2b: {  	s6 =	sld [smem:$0x3FB4]  }
0x2c: {  	s7 =	sld [smem:$0x3FB5]  }
0x2d: {  	s3 =	simm.s32 $0x108;
	s8 =	sld [smem:$0x3FB6]  }
0x2e: {  	s3 =	simm.s32 @!p0 $0x1082;
	s9 =	sld [smem:$0x3FB7]  }
0x2f: {  	lr =	sadd.s32 s0, s3;
	s0 =	sld [smem:$0x3FAE]  }
0x30: {  	s3 =	sld [smem:$0x3FB1]  }
0x31: {  	[smem:$0x3FBA] =	sst s10  }
0x32: {  	s10 =	sld [smem:$0x3FB8];
	_ =	sdelay $0x3  }
0x33: {  	p0 =	seq.s32 s10, $0x1;
	s10 =	sld [smem:$0x3FBA];
	_ =	sdelay $0x3  }
0x34: {  	[smem:$0x3FBA] =	sst s10  }
0x35: {  	s10 =	sld [smem:$0x3FB9];
	_ =	sdelay $0x3  }
0x36: {  	p1 =	seq.s32 s10, $0x1;
	s10 =	sld [smem:$0x3FBA];
	_ =	sdelay $0x3  }
0x37: {  	[smem:$0x3FBA] =	sst s10  }
0x38: {  	s10 =	sld [smem:$0x3FBB]  }
0x39: {  	_ = 	snop;
	(pc) =	sbr.ind lr, $3  }
0x3a: {  	_ = 	snop  }
0x3b: {  	_ = 	snop  }
0x3c: {  	p2 =	seq.s32 s10, $0x1;
	s10 =	sld [smem:$0x3FBA]  }
0x3d: {  	_ =	shalt  }
0x3e: {  	_ =	shalt  }
0x3f: {  	_ =	shalt  }
0x40: {  	_ =	shalt  }
0x41: {  	_ =	shalt  }
0x42: {  	_ =	shalt  }
0x43: {  	_ =	shalt  }
0x44: {  	_ =	shalt  }
0x45: {  	_ =	shalt  }
0x46: {  	_ =	shalt  }
0x47: {  	_ =	shalt  }
0x48: {  	_ =	shalt  }
0x49: {  	_ =	shalt  }
0x4a: {  	_ =	shalt  }
0x4b: {  	_ =	shalt  }
0x4c: {  	_ =	shalt  }
0x4d: {  	_ =	shalt  }
0x4e: {  	_ =	shalt  }
0x4f: {  	_ =	shalt  }
0x50: {  	_ =	shalt  }
0x51: {  	_ =	shalt  }
0x52: {  	_ =	shalt  }
0x53: {  	_ =	shalt  }
0x54: {  	_ =	shalt  }
0x55: {  	_ =	shalt  }
0x56: {  	_ =	shalt  }
0x57: {  	_ =	shalt  }
0x58: {  	_ =	shalt  }
0x59: {  	_ =	shalt  }
0x5a: {  	_ =	shalt  }
0x5b: {  	_ =	shalt  }
0x5c: {  	_ =	shalt  }
0x5d: {  	_ =	shalt  }
0x5e: {  	_ =	shalt  }
0x5f: {  	_ =	shalt  }
0x60: {  	_ =	shalt  }
0x61: {  	_ =	shalt  }
0x62: {  	_ =	shalt  }
0x63: {  	_ =	shalt  }
0x64: {  	_ =	shalt  }
0x65: {  	_ =	shalt  }
0x66: {  	_ =	shalt  }
0x67: {  	_ =	shalt  }
0x68: {  	_ =	shalt  }
0x69: {  	_ =	shalt  }
0x6a: {  	_ =	shalt  }
0x6b: {  	_ =	shalt  }
0x6c: {  	_ =	shalt  }
0x6d: {  	_ =	shalt  }
0x6e: {  	_ =	shalt  }
0x6f: {  	_ =	shalt  }
0x70: {  	_ =	shalt  }
0x71: {  	_ =	shalt  }
0x72: {  	_ =	shalt  }
0x73: {  	_ =	shalt  }
0x74: {  	_ =	shalt  }
0x75: {  	_ =	shalt  }
0x76: {  	_ =	shalt  }
0x77: {  	_ =	shalt  }
0x78: {  	_ =	shalt  }
0x79: {  	_ =	shalt  }
0x7a: {  	_ =	shalt  }
0x7b: {  	_ =	shalt  }
0x7c: {  	_ =	shalt  }
0x7d: {  	_ =	shalt  }
0x7e: {  	_ =	shalt  }
0x7f: {  	_ =	shalt  }
0x80: {  	_ =	shalt  }
0x81: {  	_ =	shalt  }
0x82: {  	_ =	shalt  }
0x83: {  	_ =	shalt  }
0x84: {  	_ =	shalt  }
0x85: {  	_ =	shalt  }
0x86: {  	_ =	shalt  }
0x87: {  	_ =	shalt  }
.Lfunc_end0:
.L_simem_size_0:
called_computation.1_lowered:
.L_overlay_start_0:
0x88: {  	s2 =	sld [smem:$0x3FD9]  }
0x89: {  	s3 =	sld [smem:$0x3FFE];
	_ =	sdelay $0x1  }
0x8a: {  	s1 =	srdreg.scid  }
0x8b: {  	s0 =	sand.u32 $0x1, s1  }
0x8c: {  	s17 =	sshll.u32 s0, $0xA;
	s2 =	sadd.s32 s3, s2  }
0x8d: {  	s2 =	sadd.s32 s2, s17  }
0x8e: {  	[smem:$0x3FC6] =	sst s2  }
0x8f: {  	_ = 	snop  }
0x90: {  	s2 =	sld [smem:$0x3FD0];
	(tm) =	ssettm $0x1  }
0x91: {  	s18 =	sld [smem:$0x3FFB];
	_ =	sdelay $0x3  }
0x92: {  	_ =	strace s18  }
0x93: {  	s3 =	sld [smem:$0x3FFC];
	_ =	sdelay $0x3  }
0x94: {  	_ =	strace s3  }
0x95: {  	s3 =	sld [smem:$0x3FFD];
	_ =	sdelay $0x3  }
0x96: {  	_ =	strace s3  }
0x97: {  	_ =	strace $0x8FFFFFFF  }
0x98: {  	s19 =	sld [smem:$0x3FDB];
	_ =	sdelay $0x1  }
0x99: {  	s4 =	simm.s32 $_scs_section_size  }
0x9a: {  	s5 =	simm.s32 $_size__tile_overlayer_lowered;
	s6 =	simm.s32 $_tile_overlayer_lowered  }
0x9b: {  	s22 =	simm.s32 $0x1BFF;
	s21 =	sshll.u32 s6, $0x1;
	s3 =	sadd.s32 s4, s19  }
0x9c: {  	s7 =	simm.s32 $0x0;
	s20 =	sshll.u32 s5, $0x1;
	s5 =	sadd.s32 s21, s3  }
0x9d: {  	[timem:s7], [sflag:s22] =	dma.local [hbm:s5], s20  }
0x9e: {  	_ =	swait.ge [sflag:s22], s20  }
0x9f: {  	s4 =	ssub.s32 $0x0, s20;
	[sflag:s22] =	ssyncset.done $0x0  }
0xa0: {  	[sflag:s22] =	ssyncadd.s32 s4;
	_ =	sdelay $0x1  }
0xa1: {  	s23 =	simm.s32 $0x1B8B  }
0xa2: {  	_ =	swait.ge [sflag:s23], $0x1  }
0xa3: {  	[sflag:s23] =	ssyncset.done $0x0  }
0xa4: {  	s25 =	simm.s32 $0x1B8E;
	s24 =	sld [smem:$0x3FFE];
	[sflag:s23] =	ssyncadd.s32 $0xFFFFFFFF  }
0xa5: {  	s26 =	simm.s32 $execute0_lowered;
	[smem:$0x3FD2] =	sst s25  }
0xa6: {  	s5 =	sshll.u32 s26, $0x1;
	_ =	strace $0x80000049;
	[dreg:$0x1] =	wrdreg $0xFFFFFFFF  }
0xa7: {  	s28 =	simm.s32 $_size_execute0_lowered;
	s3 =	sadd.s32 s3, s5;
	[dreg:$0x0] =	wrdreg $0x0  }
0xa8: {  	s5 =	sshll.u32 s28, $0x1;
	[dreg:$0x2] =	wrdreg s3  }
0xa9: {  	[dreg:$0x3] =	wrdreg s5  }
0xaa: {  	[dreg:$0x4] =	wrdreg $0xC0  }
0xab: {  	_ =	task [dreg:s7], $0x5FFFF  }
0xac: {  	[dreg:$0x1] =	wrdreg $0xFFFFFFFF  }
0xad: {  	[dreg:$0x0] =	wrdreg $0x60  }
0xae: {  	[dreg:$0x2] =	wrdreg s24  }
0xaf: {  	[dreg:$0x3] =	wrdreg s2  }
0xb0: {  	[dreg:$0x4] =	wrdreg $0x9  }
0xb1: {  	_ =	task.clear_ibuf [dreg:s7], $0x5FFFF;
	_ =	strace $0x90000049  }
0xb2: {  	s29 =	simm.s32 $0x9;
	_ =	strace $0x8000004B  }
0xb3: {  	_ =	swait.ge [sflag:s29], $0x1  }
0xb4: {  	[sflag:s29] =	ssyncadd.s32 $0xFFFFFFFF  }
0xb5: {  	_ =	strace $0x9000004B  }
0xb6: {  	_ =	sfence  }
0xb7: {  	s30 =	sld [smem:$0x0];
	_ =	sdelay $0x2  }
0xb8: {  	s31 =	sshll.u32 s1, $0xD;
	s1 =	sshrl.u32 s1, $0x2  }
0xb9: {  	s3 =	sand.u32 $0x4000, s31;
	s1 =	sadd.s32 s1, s30  }
0xba: {  	s0 =	sor.u32 s3, s0;
	s1 =	sshll.u32 s1, $0x11  }
0xbb: {  	s0 =	sor.u32 s1, s0  }
0xbc: {  	s0 =	sadd.s32 $0x8F2B, s0  }
0xbd: {  	[sflag:s0] =	ssyncadd.remote.s32 $0x1  }
0xbe: {  	_ =	sfence.sel $0xFFFF  }
0xbf: {  	[dreg:$0x0] =	wrdreg $0xFFFFFFFF;
	(pc) =	sbr.abs _section_cstart, $3  }
0xc0: {  	[dreg:$0x1] =	wrdreg $0xFFFFFFFF  }
0xc1: {  	_ =	task.clear_ibuf [dreg:s7], $0x2FFFF;
	_ =	strace $0x9FFFFFFF  }
0xc2: {  	(tm) =	ssettm $0x7FFFFFFF  }
0xc3: {  	_ =	shalt  }
tec
execute0_lowered:
.L_overlay_start_1:
0x0: {  	(tag) =	ssettag $0x1  }
0x1: {  	s0 =	srdreg.scid  }
0x2: {  	s1 =	stileid.u32;
	s6 =	rddreg [dreg:$0x0]  }
0x3: {  	s2 =	rddreg [dreg:$0x1];
	s5 =	simm.s32 $0x0;
	s13 =	simm.s32 $0x80  }
0x4: {  	s18 =	simm.s32 $0x280;
	s20 =	simm.s32 $0x2280;
	s28 =	simm.s32 $0x400  }
0x5: {  	s29 =	simm.s32 $0x8000;
	s0 =	sand.u32 $0x1, s0;
	s1 =	sshll.u32 s1, $0x1  }
0x6: {  	s30 =	simm.s32 $0x5;
	s31 =	simm.s32 $0x8280;
	s1 =	sor.u32 s0, s1  }
0x7: {  	s9 =	simm.s32 $0x10280;
	s10 =	simm.s32 $0xA;
	s3 =	smul.u32 $0x6400, s1  }
0x8: {  	s17 =	simm.s32 $0x12280;
	s11 =	simm.s32 $0x0;
	s4 =	sshll.u32 s1, $0xA  }
0x9: {  	s0 =	ssub.s32 $0x2, s0;
	s4 =	sand.u32 $0xC00, s4;
	s3 =	sand.u32 $0xFF000, s3  }
0xa: {  	[smem:$0x7FF] =	sst s5;
	s23 =	sshrl.u32 s0, $0x1;
	s3 =	sor.u32 s4, s3  }
0xb: {  	s12 =	sadd.s32 $0x7A1C50, s6;
	s0 =	ssub.s32 s0, s23;
	s3 =	sshrl.u32 s3, $0x3  }
0xc: {  	_ =	strace $0x8000004A;
	s0 =	smax.u32 s0, $0x1;
	s3 =	sadd.s32 s3, s6  }
0xd: {  	s5 =	smul.u32 $0xC8, s1;
	[dreg:$0x8] =	wrdreg s0;
	s22 =	sadd.s32 $0x7A1C00, s3  }
0xe: {  	s1 =	simm.s32 $0x7;
	s7 =	sadd.s32 $0x7A1C10, s3;
	[dreg:$0x3] =	wrdreg s22  }
0xf: {  	v0 =	vlaneseq.u32;
	s4 =	sadd.s32 $0xA00, s6;
	s24 =	sadd.s32 $0x7A1C20, s3;
	[dreg:$0x4] =	wrdreg s7  }
0x10: {  	v1 =	vshrl.u32 v0, $0x3;
	s0 =	simm.s32 $0xC280;
	s25 =	sadd.s32 $0x7A1C30, s3;
	[dreg:$0x5] =	wrdreg s24  }
0x11: {  	v2 =	vand.u32 $0x7, v0;
	v6 =	vor.u32 $0x10, v0;
	v1 =	vmul.u32 $0x400, v1;
	s6 =	simm.s32 $0xE280;
	s26 =	sadd.s32 $0x7A1C40, s3;
	[dreg:$0x6] =	wrdreg s25  }
0x12: {  	v7 =	vor.u32 $0x20, v0;
	v8 =	vor.u32 $0x30, v0;
	v2 =	vmul.u32 $0x80, v2;
	[dreg:$0x7] =	wrdreg s26;
	s22 =	simm.s32 $0x4280;
	s24 =	simm.s32 $0x6280  }
0x13: {  	v3 =	vor.u32 $0x800, v1;
	v4 =	vor.u32 $0x1000, v1;
	v5 =	vor.u32 $0x1800, v1;
	s25 =	simm.s32 $0x6;
	s26 =	simm.s32 $0xA280;
	s7 =	simm.s32 $0x9  }
.LBB2_1:
0x14: {  	[dreg:$0x9] =	wrdreg s11  }
0x15: {  	s3 =	simm.s32 $0x0;
	s8 =	rddreg [dreg:$0x3]  }
0x16: {  	[tilespmem:s3], [sflag:$0x1] =	stream.linear.gather [hbm4b:s8+s3], $0x80, $0x38;
	[tilespmem:$0x14280] =	vst v63  }
0x17: {  	s19 =	rddreg [dreg:$0x4]  }
0x18: {  	[tilespmem:s13], [sflag:$0x2] =	stream.linear.gather [hbm4b:s19+s3], $0x80, $0x38;
	[tilespmem:$0x14280] =	vst v63  }
0x19: {  	s21 =	rddreg [dreg:$0x5];
	s11 =	simm.s32 $0x100  }
0x1a: {  	[tilespmem:s11], [sflag:$0x3] =	stream.linear.gather [hbm4b:s21+s3], $0x80, $0x38;
	[tilespmem:$0x14280] =	vst v63  }
0x1b: {  	s23 =	rddreg [dreg:$0x6];
	s14 =	simm.s32 $0x180  }
0x1c: {  	[tilespmem:s14], [sflag:$0x4] =	stream.linear.gather [hbm4b:s23+s3], $0x80, $0x38;
	[tilespmem:$0x14280] =	vst v63  }
0x1d: {  	s15 =	rddreg [dreg:$0x7];
	s16 =	simm.s32 $0x200;
	s19 =	simm.s32 $0x1  }
0x1e: {  	[tilespmem:s16], [sflag:$0x5] =	stream.linear.gather [hbm4b:s15+s3], $0x80, $0x38;
	[tilespmem:$0x14280] =	vst v63  }
0x1f: {  	_ =	swait.ge [sflag:s19], $0x80  }
0x20: {  	[sflag:s19] =	ssyncset.done $0x0  }
0x21: {  	s21 =	simm.s32 $0x2;
	[sflag:s19] =	ssyncadd.s32 $0xFFFFFF80  }
0x22: {  	[tilespmem:s18], [sflag:$0x6] =	stream.indirect.gather [hbm4b:s4+s13], $0x40, s3, s13, $0xb8;
	[tilespmem:$0x14280] =	vst v63  }
0x23: {  	_ =	swait.ge [sflag:s21], $0x80  }
0x24: {  	[sflag:s21] =	ssyncset.done $0x0  }
0x25: {  	s23 =	simm.s32 $0x3;
	[sflag:s21] =	ssyncadd.s32 $0xFFFFFF80  }
0x26: {  	[tilespmem:s20], [sflag:$0x7] =	stream.indirect.gather [hbm4b:s4+s13], $0x40, s13, s13, $0xb8;
	[tilespmem:$0x14280] =	vst v63  }
0x27: {  	_ =	swait.ge [sflag:s23], $0x80  }
0x28: {  	[sflag:s23] =	ssyncset.done $0x0  }
0x29: {  	s3 =	simm.s32 $0x0;
	[sflag:s23] =	ssyncadd.s32 $0xFFFFFF80  }
0x2a: {  	[tilespmem:s22], [sflag:$0x8] =	stream.indirect.gather [hbm4b:s4+s13], $0x40, s11, s13, $0xb8;
	[tilespmem:$0x14280] =	vst v63  }
.LBB2_2:
0x2b: {  	s8 =	simm.s32 $0x4  }
0x2c: {  	p1 =	seq.s32 s3, $0x27;
	_ =	swait.ge [sflag:s8], $0x80  }
0x2d: {  	s19 =	smul.u32 $0x5, s3;
	p0 =	seq.s32 @!p1 s3, $0x0;
	[sflag:s8] =	ssyncset.done $0x0  }
0x2e: {  	s23 =	simm.s32 $0x180;
	p0 =	por p1, !p0;
	[sflag:s8] =	ssyncadd.s32 $0xFFFFFF80  }
0x2f: {  	[tilespmem:s24], [sflag:$0x9] =	stream.indirect.gather [hbm4b:s4+s13], $0x40, s23, s13, $0xb8;
	[tilespmem:$0x14280] =	vst v63  }
.Ltmp0:
0x30: {  	_ = 	snop;
	(pc) =	sbr.rel @!p0 .LBB2_3-.Ltmp0, $4  }
0x31: {  	s8 =	sadd.s32 @!p1 s5, s19;
	_ =	swait.ge [sflag:s25], $0x2000  }
0x32: {  	s8 =	sshll.u32 @!p1 s8, $0x4;
	[sflag:s25] =	ssyncset.done $0x0  }
0x33: {  	s11 =	simm.s32 @!p1 $0x0;
	s8 =	sadd.s32 @!p1 s12, s8;
	[sflag:s25] =	ssyncadd.s32 $0xFFFFE000  }
0x34: {  	[tilespmem:s11], [sflag:$0x1] =	stream.linear.gather @!p1 [hbm4b:s8+s11], $0x80, $0x38;
	[tilespmem:$0x14280] =	vst v63  }
.Ltmp1:
0x35: {  	(pc) =	sbr.rel .LBB2_5-.Ltmp1, $4  }
0x36: {  	s8 =	simm.s32 $0xB  }
0x37: {  	_ =	swait.ge [sflag:s8], $0x2000  }
0x38: {  	[sflag:s8] =	ssyncset.done $0x0  }
0x39: {  	p0 =	por $0x0, $0x0;
	[sflag:s8] =	ssyncadd.s32 $0xFFFFE000  }
.LBB2_3:
0x3a: {  	p0 =	por @!p1 $0x1, $0x1  }
.LBB2_5:
0x3b: {  	s16 =	sadd.s32 $0x3, s19;
	s15 =	simm.s32 $0x0;
	s14 =	simm.s32 $0x0  }
.LBB2_6:
0x3c: {  	v9 =	vadd.s32 s14, v0  }
0x3d: {  	v12 =	vand.u32 $0xF, v9  }
0x3e: {  	v10 =	vor.u32 s15, v12  }
0x3f: {  	v14 =	vshll.u32 v10, $0x6  }
0x40: {  	v11 =	vor.u32 v0, v14;
	_ =	sdelay $0x1  }
0x41: {  	v10 =	vor.u32 v2, v12  }
0x42: {  	v16 =	vand.u32 $0x7, v9;
	v13 =	vor.u32 s15, v10  }
0x43: {  	v9 =	vor.u32 v1, v16;
	v15 =	vand.u32 $0x3F8, v13  }
0x44: {  	v17 =	vor.u32 v9, v15;
	v13 =	vld.idx.msk [tilespmem:v11+s18+$0x0], $0xffff  }
0x45: {  	v18 =	vor.u32 v6, v14;
	_ =	sdelay $0x3  }
0x46: {  	v11 =	vor.u32 v3, v16;
	[tilespmem:v17+s26+$0x0] =	vst.idx.msk $0xffff, v13  }
0x47: {  	v17 =	vld.idx.msk [tilespmem:v18+s18+$0x0], $0xffff;
	v18 =	vor.u32 v11, v15  }
0x48: {  	v19 =	vor.u32 v7, v14;
	_ =	sdelay $0x3  }
0x49: {  	v13 =	vor.u32 v4, v16;
	[tilespmem:v18+s26+$0x0] =	vst.idx.msk $0xffff, v17  }
0x4a: {  	v18 =	vor.u32 v13, v15;
	v17 =	vld.idx.msk [tilespmem:v19+s18+$0x0], $0xffff  }
0x4b: {  	v19 =	vor.u32 v8, v14;
	_ =	sdelay $0x3  }
0x4c: {  	s8 =	simm.s32 $0x10;
	[tilespmem:v18+s26+$0x0] =	vst.idx.msk $0xffff, v17  }
0x4d: {  	s11 =	simm.s32 $0x20;
	v14 =	vor.u32 v5, v16;
	v17 =	vor.u32 s8, v12;
	v16 =	vld.idx.msk [tilespmem:v19+s18+$0x0], $0xffff  }
.LBB2_7:
0x4e: {  	p2 =	sne.s32 s11, $0x70;
	v17 =	vshll.u32 v17, $0x6;
	v15 =	vor.u32 v14, v15  }
0x4f: {  	v18 =	vor.u32 v0, v17;
	_ =	sdelay $0x3  }
0x50: {  	v19 =	vor.u32 s8, v10;
	s8 =	smov.u32 s11;
	[tilespmem:v15+s26+$0x0] =	vst.idx.msk $0xffff, v16  }
0x51: {  	v15 =	vand.u32 $0x3F8, v19;
	v16 =	vld.idx.msk [tilespmem:v18+s18+$0x0], $0xffff  }
0x52: {  	v18 =	vor.u32 v9, v15  }
0x53: {  	v19 =	vor.u32 v6, v17;
	_ =	sdelay $0x3  }
0x54: {  	[tilespmem:v18+s26+$0x0] =	vst.idx.msk $0xffff, v16  }
0x55: {  	v16 =	vld.idx.msk [tilespmem:v19+s18+$0x0], $0xffff  }
0x56: {  	v18 =	vor.u32 v11, v15  }
0x57: {  	v19 =	vor.u32 v7, v17;
	_ =	sdelay $0x3  }
0x58: {  	[tilespmem:v18+s26+$0x0] =	vst.idx.msk $0xffff, v16  }
0x59: {  	v16 =	vld.idx.msk [tilespmem:v19+s18+$0x0], $0xffff  }
0x5a: {  	v18 =	vor.u32 v13, v15  }
0x5b: {  	v19 =	vor.u32 v8, v17  }
.Ltmp2:
0x5c: {  	(pc) =	sbr.rel @p2 .LBB2_7-.Ltmp2, $3  }
0x5d: {  	_ =	sdelay $0x1  }
0x5e: {  	[tilespmem:v18+s26+$0x0] =	vst.idx.msk $0xffff, v16  }
0x5f: {  	s11 =	sadd.s32 $0x10, s11;
	v17 =	vor.u32 s8, v12;
	v16 =	vld.idx.msk [tilespmem:v19+s18+$0x0], $0xffff  }
0x60: {  	v12 =	vshll.u32 v17, $0x6;
	v15 =	vor.u32 v14, v15  }
0x61: {  	v17 =	vor.u32 v0, v12;
	_ =	sdelay $0x2  }
0x62: {  	v10 =	vor.u32 s8, v10  }
0x63: {  	v10 =	vand.u32 $0x3F8, v10;
	[tilespmem:v15+s26+$0x0] =	vst.idx.msk $0xffff, v16  }
0x64: {  	v9 =	vor.u32 v9, v10;
	v15 =	vld.idx.msk [tilespmem:v17+s18+$0x0], $0xffff  }
0x65: {  	v62 =	vor.u32 v6, v12;
	_ =	sdelay $0x3  }
0x66: {  	[tilespmem:v9+s26+$0x0] =	vst.idx.msk $0xffff, v15  }
0x67: {  	v11 =	vor.u32 v11, v10;
	v9 =	vld.idx.msk [tilespmem:v62+s18+$0x0], $0xffff  }
0x68: {  	v63 =	vor.u32 v7, v12;
	_ =	sdelay $0x3  }
0x69: {  	[tilespmem:v11+s26+$0x0] =	vst.idx.msk $0xffff, v9  }
0x6a: {  	v11 =	vor.u32 v13, v10;
	v9 =	vld.idx.msk [tilespmem:v63+s18+$0x0], $0xffff  }
0x6b: {  	v12 =	vor.u32 v8, v12;
	_ =	sdelay $0x3  }
0x6c: {  	s14 =	sadd.s32 $0x1, s14;
	[tilespmem:v11+s26+$0x0] =	vst.idx.msk $0xffff, v9  }
0x6d: {  	p2 =	sne.s32 s14, $0x10;
	v10 =	vor.u32 v14, v10;
	v9 =	vld.idx.msk [tilespmem:v12+s18+$0x0], $0xffff  }
.Ltmp3:
0x6e: {  	_ = 	snop;
	(pc) =	sbr.rel @p2 .LBB2_6-.Ltmp3, $2  }
0x6f: {  	_ =	sdelay $0x2  }
0x70: {  	[tilespmem:v10+s26+$0x0] =	vst.idx.msk $0xffff, v9  }
0x71: {  	s8 =	sadd.s32 s5, s19  }
0x72: {  	s11 =	sshll.u32 s8, $0x7  }
0x73: {  	s8 =	sshll.u32 s8, $0xA;
	s11 =	sand.u32 $0xF80, s11  }
0x74: {  	s8 =	sand.u32 $0xFFF8000, s8;
	s11 =	sadd.s32 s2, s11  }
0x75: {  	s8 =	sadd.s32 s8, s11  }
0x76: {  	[hbm4b:s8+s28] =	stream.strided.scatter [tilespmem:s26], [sflag:$0xB], $0x2000, s29, s28, $0x38;
	[tilespmem:$0x14280] =	vst v63  }
0x77: {  	_ =	swait.ge [sflag:s30], $0x80  }
0x78: {  	[sflag:s30] =	ssyncset.done $0x0  }
0x79: {  	s23 =	simm.s32 $0x200;
	s21 =	sadd.s32 $0x1, s19;
	[sflag:s30] =	ssyncadd.s32 $0xFFFFFF80  }
0x7a: {  	[tilespmem:s31], [sflag:$0xA] =	stream.indirect.gather [hbm4b:s4+s13], $0x40, s23, s13, $0xb8;
	[tilespmem:$0x14280] =	vst v63  }
0x7b: {  	s8 =	sadd.s32 @!p1 s5, s21;
	_ =	swait.ge [sflag:s1], $0x2000  }
0x7c: {  	s14 =	simm.s32 @!p1 $0x80;
	s8 =	sshll.u32 @!p1 s8, $0x4;
	[sflag:s1] =	ssyncset.done $0x0  }
0x7d: {  	s11 =	simm.s32 @!p1 $0x0;
	s8 =	sadd.s32 @!p1 s12, s8;
	[sflag:s1] =	ssyncadd.s32 $0xFFFFE000  }
0x7e: {  	[tilespmem:s14], [sflag:$0x2] =	stream.linear.gather @!p1 [hbm4b:s8+s11], $0x80, $0x38;
	[tilespmem:$0x14280] =	vst v63  }
0x7f: {  	s8 =	simm.s32 @!p0 $0xC  }
0x80: {  	_ =	swait.ge @!p0 [sflag:s8], $0x2000  }
0x81: {  	s15 =	sadd.s32 $0x4, s19;
	[sflag:s8] =	ssyncset.done @!p0 $0x0  }
0x82: {  	s14 =	simm.s32 $0x0;
	[sflag:s8] =	ssyncadd.s32 @!p0 $0xFFFFE000;
	s8 =	simm.s32 $0x0  }
.LBB2_10:
0x83: {  	v9 =	vadd.s32 s8, v0  }
0x84: {  	v12 =	vand.u32 $0xF, v9  }
0x85: {  	v10 =	vor.u32 s14, v12  }
0x86: {  	v14 =	vshll.u32 v10, $0x6  }
0x87: {  	v11 =	vor.u32 v0, v14;
	_ =	sdelay $0x1  }
0x88: {  	v10 =	vor.u32 v2, v12  }
0x89: {  	v16 =	vand.u32 $0x7, v9;
	v13 =	vor.u32 s14, v10  }
0x8a: {  	v9 =	vor.u32 v1, v16;
	v15 =	vand.u32 $0x3F8, v13  }
0x8b: {  	v17 =	vor.u32 v9, v15;
	v13 =	vld.idx.msk [tilespmem:v11+s20+$0x0], $0xffff  }
0x8c: {  	v18 =	vor.u32 v6, v14;
	_ =	sdelay $0x3  }
0x8d: {  	v11 =	vor.u32 v3, v16;
	[tilespmem:v17+s0+$0x0] =	vst.idx.msk $0xffff, v13  }
0x8e: {  	v17 =	vld.idx.msk [tilespmem:v18+s20+$0x0], $0xffff;
	v18 =	vor.u32 v11, v15  }
0x8f: {  	v19 =	vor.u32 v7, v14;
	_ =	sdelay $0x3  }
0x90: {  	v13 =	vor.u32 v4, v16;
	[tilespmem:v18+s0+$0x0] =	vst.idx.msk $0xffff, v17  }
0x91: {  	v18 =	vor.u32 v13, v15;
	v17 =	vld.idx.msk [tilespmem:v19+s20+$0x0], $0xffff  }
0x92: {  	v19 =	vor.u32 v8, v14;
	_ =	sdelay $0x3  }
0x93: {  	s11 =	simm.s32 $0x10;
	[tilespmem:v18+s0+$0x0] =	vst.idx.msk $0xffff, v17  }
0x94: {  	s23 =	simm.s32 $0x20;
	v14 =	vor.u32 v5, v16;
	v17 =	vor.u32 s11, v12;
	v16 =	vld.idx.msk [tilespmem:v19+s20+$0x0], $0xffff  }
.LBB2_11:
0x95: {  	p1 =	sne.s32 s23, $0x70;
	v17 =	vshll.u32 v17, $0x6;
	v15 =	vor.u32 v14, v15  }
0x96: {  	v18 =	vor.u32 v0, v17;
	_ =	sdelay $0x3  }
0x97: {  	v19 =	vor.u32 s11, v10;
	s11 =	smov.u32 s23;
	[tilespmem:v15+s0+$0x0] =	vst.idx.msk $0xffff, v16  }
0x98: {  	v15 =	vand.u32 $0x3F8, v19;
	v16 =	vld.idx.msk [tilespmem:v18+s20+$0x0], $0xffff  }
0x99: {  	v18 =	vor.u32 v9, v15  }
0x9a: {  	v19 =	vor.u32 v6, v17;
	_ =	sdelay $0x3  }
0x9b: {  	[tilespmem:v18+s0+$0x0] =	vst.idx.msk $0xffff, v16  }
0x9c: {  	v16 =	vld.idx.msk [tilespmem:v19+s20+$0x0], $0xffff  }
0x9d: {  	v18 =	vor.u32 v11, v15  }
0x9e: {  	v19 =	vor.u32 v7, v17;
	_ =	sdelay $0x3  }
0x9f: {  	[tilespmem:v18+s0+$0x0] =	vst.idx.msk $0xffff, v16  }
0xa0: {  	v16 =	vld.idx.msk [tilespmem:v19+s20+$0x0], $0xffff  }
0xa1: {  	v18 =	vor.u32 v13, v15  }
0xa2: {  	v19 =	vor.u32 v8, v17  }
.Ltmp4:
0xa3: {  	(pc) =	sbr.rel @p1 .LBB2_11-.Ltmp4, $3  }
0xa4: {  	_ =	sdelay $0x1  }
0xa5: {  	[tilespmem:v18+s0+$0x0] =	vst.idx.msk $0xffff, v16  }
0xa6: {  	s23 =	sadd.s32 $0x10, s23;
	v17 =	vor.u32 s11, v12;
	v16 =	vld.idx.msk [tilespmem:v19+s20+$0x0], $0xffff  }
0xa7: {  	v12 =	vshll.u32 v17, $0x6;
	v15 =	vor.u32 v14, v15  }
0xa8: {  	v17 =	vor.u32 v0, v12;
	_ =	sdelay $0x2  }
0xa9: {  	v10 =	vor.u32 s11, v10  }
0xaa: {  	v10 =	vand.u32 $0x3F8, v10;
	[tilespmem:v15+s0+$0x0] =	vst.idx.msk $0xffff, v16  }
0xab: {  	v9 =	vor.u32 v9, v10;
	v15 =	vld.idx.msk [tilespmem:v17+s20+$0x0], $0xffff  }
0xac: {  	v62 =	vor.u32 v6, v12;
	_ =	sdelay $0x3  }
0xad: {  	[tilespmem:v9+s0+$0x0] =	vst.idx.msk $0xffff, v15  }
0xae: {  	v11 =	vor.u32 v11, v10;
	v9 =	vld.idx.msk [tilespmem:v62+s20+$0x0], $0xffff  }
0xaf: {  	v63 =	vor.u32 v7, v12;
	_ =	sdelay $0x3  }
0xb0: {  	[tilespmem:v11+s0+$0x0] =	vst.idx.msk $0xffff, v9  }
0xb1: {  	v11 =	vor.u32 v13, v10;
	v9 =	vld.idx.msk [tilespmem:v63+s20+$0x0], $0xffff  }
0xb2: {  	v12 =	vor.u32 v8, v12;
	_ =	sdelay $0x3  }
0xb3: {  	s8 =	sadd.s32 $0x1, s8;
	[tilespmem:v11+s0+$0x0] =	vst.idx.msk $0xffff, v9  }
0xb4: {  	p1 =	sne.s32 s8, $0x10;
	v10 =	vor.u32 v14, v10;
	v9 =	vld.idx.msk [tilespmem:v12+s20+$0x0], $0xffff  }
.Ltmp5:
0xb5: {  	_ = 	snop;
	(pc) =	sbr.rel @p1 .LBB2_10-.Ltmp5, $2  }
0xb6: {  	_ =	sdelay $0x2  }
0xb7: {  	[tilespmem:v10+s0+$0x0] =	vst.idx.msk $0xffff, v9  }
0xb8: {  	s8 =	sadd.s32 s5, s21  }
0xb9: {  	s11 =	sshll.u32 s8, $0x7  }
0xba: {  	s8 =	sshll.u32 s8, $0xA;
	s11 =	sand.u32 $0xF80, s11  }
0xbb: {  	s8 =	sand.u32 $0xFFF8000, s8;
	s11 =	sadd.s32 s2, s11  }
0xbc: {  	p1 =	sne.s32 s3, $0x27;
	s8 =	sadd.s32 s8, s11  }
0xbd: {  	[hbm4b:s8+s28] =	stream.strided.scatter [tilespmem:s0], [sflag:$0xC], $0x2000, s29, s28, $0x38;
	[tilespmem:$0x14280] =	vst v63  }
0xbe: {  	s8 =	simm.s32 @p1 $0x1  }
0xbf: {  	_ =	swait.ge @p1 [sflag:s8], $0x80  }
0xc0: {  	s14 =	simm.s32 @p1 $0x280;
	[sflag:s8] =	ssyncset.done @p1 $0x0  }
0xc1: {  	s11 =	simm.s32 @p1 $0x0;
	[sflag:s8] =	ssyncadd.s32 @p1 $0xFFFFFF80;
	s8 =	simm.s32 @p1 $0x80  }
0xc2: {  	[tilespmem:s14], [sflag:$0x6] =	stream.indirect.gather @p1 [hbm4b:s4+s8], $0x40, s11, s8, $0xb8;
	[tilespmem:$0x14280] =	vst v63  }
0xc3: {  	s19 =	sadd.s32 $0x2, s19;
	s8 =	simm.s32 @p1 $0x8  }
0xc4: {  	s14 =	sadd.s32 @p1 s5, s19;
	_ =	swait.ge @p1 [sflag:s8], $0x2000  }
0xc5: {  	s14 =	sshll.u32 @p1 s14, $0x4;
	[sflag:s8] =	ssyncset.done @p1 $0x0  }
0xc6: {  	[sflag:s8] =	ssyncadd.s32 @p1 $0xFFFFE000;
	s8 =	sadd.s32 @p1 s12, s14;
	s14 =	simm.s32 @p1 $0x100  }
0xc7: {  	[tilespmem:s14], [sflag:$0x3] =	stream.linear.gather @p1 [hbm4b:s8+s11], $0x80, $0x38;
	[tilespmem:$0x14280] =	vst v63  }
0xc8: {  	s8 =	simm.s32 @!p1 $0x8  }
0xc9: {  	_ =	swait.ge @!p1 [sflag:s8], $0x2000  }
0xca: {  	[sflag:s8] =	ssyncset.done @!p1 $0x0  }
0xcb: {  	[sflag:s8] =	ssyncadd.s32 @!p1 $0xFFFFE000;
	s8 =	simm.s32 @!p0 $0xD  }
0xcc: {  	_ =	swait.ge @!p0 [sflag:s8], $0x2000  }
0xcd: {  	[sflag:s8] =	ssyncset.done @!p0 $0x0  }
0xce: {  	s14 =	simm.s32 $0x0;
	[sflag:s8] =	ssyncadd.s32 @!p0 $0xFFFFE000;
	s8 =	simm.s32 $0x0  }
.LBB2_14:
0xcf: {  	v9 =	vadd.s32 s8, v0  }
0xd0: {  	v12 =	vand.u32 $0xF, v9  }
0xd1: {  	v10 =	vor.u32 s14, v12  }
0xd2: {  	v14 =	vshll.u32 v10, $0x6  }
0xd3: {  	v11 =	vor.u32 v0, v14;
	_ =	sdelay $0x1  }
0xd4: {  	v10 =	vor.u32 v2, v12  }
0xd5: {  	v16 =	vand.u32 $0x7, v9;
	v13 =	vor.u32 s14, v10  }
0xd6: {  	v9 =	vor.u32 v1, v16;
	v15 =	vand.u32 $0x3F8, v13  }
0xd7: {  	v17 =	vor.u32 v9, v15;
	v13 =	vld.idx.msk [tilespmem:v11+s22+$0x0], $0xffff  }
0xd8: {  	v18 =	vor.u32 v6, v14;
	_ =	sdelay $0x3  }
0xd9: {  	v11 =	vor.u32 v3, v16;
	[tilespmem:v17+s6+$0x0] =	vst.idx.msk $0xffff, v13  }
0xda: {  	v17 =	vld.idx.msk [tilespmem:v18+s22+$0x0], $0xffff;
	v18 =	vor.u32 v11, v15  }
0xdb: {  	v19 =	vor.u32 v7, v14;
	_ =	sdelay $0x3  }
0xdc: {  	v13 =	vor.u32 v4, v16;
	[tilespmem:v18+s6+$0x0] =	vst.idx.msk $0xffff, v17  }
0xdd: {  	v18 =	vor.u32 v13, v15;
	v17 =	vld.idx.msk [tilespmem:v19+s22+$0x0], $0xffff  }
0xde: {  	v19 =	vor.u32 v8, v14;
	_ =	sdelay $0x3  }
0xdf: {  	s11 =	simm.s32 $0x10;
	[tilespmem:v18+s6+$0x0] =	vst.idx.msk $0xffff, v17  }
0xe0: {  	s21 =	simm.s32 $0x20;
	v14 =	vor.u32 v5, v16;
	v17 =	vor.u32 s11, v12;
	v16 =	vld.idx.msk [tilespmem:v19+s22+$0x0], $0xffff  }
.LBB2_15:
0xe1: {  	p2 =	sne.s32 s21, $0x70;
	v17 =	vshll.u32 v17, $0x6;
	v15 =	vor.u32 v14, v15  }
0xe2: {  	v18 =	vor.u32 v0, v17;
	_ =	sdelay $0x3  }
0xe3: {  	v19 =	vor.u32 s11, v10;
	s11 =	smov.u32 s21;
	[tilespmem:v15+s6+$0x0] =	vst.idx.msk $0xffff, v16  }
0xe4: {  	v15 =	vand.u32 $0x3F8, v19;
	v16 =	vld.idx.msk [tilespmem:v18+s22+$0x0], $0xffff  }
0xe5: {  	v18 =	vor.u32 v9, v15  }
0xe6: {  	v19 =	vor.u32 v6, v17;
	_ =	sdelay $0x3  }
0xe7: {  	[tilespmem:v18+s6+$0x0] =	vst.idx.msk $0xffff, v16  }
0xe8: {  	v16 =	vld.idx.msk [tilespmem:v19+s22+$0x0], $0xffff  }
0xe9: {  	v18 =	vor.u32 v11, v15  }
0xea: {  	v19 =	vor.u32 v7, v17;
	_ =	sdelay $0x3  }
0xeb: {  	[tilespmem:v18+s6+$0x0] =	vst.idx.msk $0xffff, v16  }
0xec: {  	v16 =	vld.idx.msk [tilespmem:v19+s22+$0x0], $0xffff  }
0xed: {  	v18 =	vor.u32 v13, v15  }
0xee: {  	v19 =	vor.u32 v8, v17  }
.Ltmp6:
0xef: {  	(pc) =	sbr.rel @p2 .LBB2_15-.Ltmp6, $3  }
0xf0: {  	_ =	sdelay $0x1  }
0xf1: {  	[tilespmem:v18+s6+$0x0] =	vst.idx.msk $0xffff, v16  }
0xf2: {  	s21 =	sadd.s32 $0x10, s21;
	v17 =	vor.u32 s11, v12;
	v16 =	vld.idx.msk [tilespmem:v19+s22+$0x0], $0xffff  }
0xf3: {  	v12 =	vshll.u32 v17, $0x6;
	v15 =	vor.u32 v14, v15  }
0xf4: {  	v17 =	vor.u32 v0, v12;
	_ =	sdelay $0x2  }
0xf5: {  	v10 =	vor.u32 s11, v10  }
0xf6: {  	v10 =	vand.u32 $0x3F8, v10;
	[tilespmem:v15+s6+$0x0] =	vst.idx.msk $0xffff, v16  }
0xf7: {  	v9 =	vor.u32 v9, v10;
	v15 =	vld.idx.msk [tilespmem:v17+s22+$0x0], $0xffff  }
0xf8: {  	v62 =	vor.u32 v6, v12;
	_ =	sdelay $0x3  }
0xf9: {  	[tilespmem:v9+s6+$0x0] =	vst.idx.msk $0xffff, v15  }
0xfa: {  	v11 =	vor.u32 v11, v10;
	v9 =	vld.idx.msk [tilespmem:v62+s22+$0x0], $0xffff  }
0xfb: {  	v63 =	vor.u32 v7, v12;
	_ =	sdelay $0x3  }
0xfc: {  	[tilespmem:v11+s6+$0x0] =	vst.idx.msk $0xffff, v9  }
0xfd: {  	v11 =	vor.u32 v13, v10;
	v9 =	vld.idx.msk [tilespmem:v63+s22+$0x0], $0xffff  }
0xfe: {  	v12 =	vor.u32 v8, v12;
	_ =	sdelay $0x3  }
0xff: {  	s8 =	sadd.s32 $0x1, s8;
	[tilespmem:v11+s6+$0x0] =	vst.idx.msk $0xffff, v9  }
0x100: {  	p2 =	sne.s32 s8, $0x10;
	v10 =	vor.u32 v14, v10;
	v9 =	vld.idx.msk [tilespmem:v12+s22+$0x0], $0xffff  }
.Ltmp7:
0x101: {  	_ = 	snop;
	(pc) =	sbr.rel @p2 .LBB2_14-.Ltmp7, $2  }
0x102: {  	_ =	sdelay $0x2  }
0x103: {  	[tilespmem:v10+s6+$0x0] =	vst.idx.msk $0xffff, v9  }
0x104: {  	s8 =	sadd.s32 s5, s19  }
.Ltmp8:
0x105: {  	s11 =	sshll.u32 s8, $0x7;
	(pc) =	sbr.rel @p1 .LBB2_19-.Ltmp8, $4  }
0x106: {  	s8 =	sshll.u32 s8, $0xA;
	s11 =	sand.u32 $0xF80, s11  }
0x107: {  	s8 =	sand.u32 $0xFFF8000, s8;
	s11 =	sadd.s32 s2, s11  }
0x108: {  	s8 =	sadd.s32 s8, s11  }
0x109: {  	[hbm4b:s8+s28] =	stream.strided.scatter [tilespmem:s6], [sflag:$0xD], $0x2000, s29, s28, $0x38;
	[tilespmem:$0x14280] =	vst v63  }
.Ltmp9:
0x10a: {  	(pc) =	sbr.rel .LBB2_20-.Ltmp9, $4  }
0x10b: {  	_ = 	snop  }
0x10c: {  	_ =	swait.ge [sflag:s7], $0x2000  }
0x10d: {  	[sflag:s7] =	ssyncset.done $0x0  }
0x10e: {  	[sflag:s7] =	ssyncadd.s32 $0xFFFFE000  }
.LBB2_19:
0x10f: {  	s8 =	simm.s32 $0x2  }
0x110: {  	_ =	swait.ge [sflag:s8], $0x80  }
0x111: {  	[sflag:s8] =	ssyncset.done $0x0  }
0x112: {  	[sflag:s8] =	ssyncadd.s32 $0xFFFFFF80  }
0x113: {  	[tilespmem:s20], [sflag:$0x7] =	stream.indirect.gather [hbm4b:s4+s13], $0x40, s13, s13, $0xb8;
	[tilespmem:$0x14280] =	vst v63  }
.Ltmp10:
0x114: {  	_ = 	snop;
	(pc) =	sbr.rel @p0 .LBB2_21-.Ltmp10, $4  }
0x115: {  	s23 =	sadd.s32 s5, s16;
	_ =	swait.ge [sflag:s7], $0x2000  }
0x116: {  	s11 =	simm.s32 $0x0;
	s8 =	sshll.u32 s23, $0x4;
	[sflag:s7] =	ssyncset.done $0x0  }
0x117: {  	s14 =	simm.s32 $0x180;
	s8 =	sadd.s32 s12, s8;
	[sflag:s7] =	ssyncadd.s32 $0xFFFFE000  }
0x118: {  	[tilespmem:s14], [sflag:$0x4] =	stream.linear.gather [hbm4b:s8+s11], $0x80, $0x38;
	[tilespmem:$0x14280] =	vst v63  }
.LBB2_20:
0x119: {  	s8 =	simm.s32 $0xE  }
0x11a: {  	_ =	swait.ge [sflag:s8], $0x2000  }
0x11b: {  	[sflag:s8] =	ssyncset.done $0x0  }
0x11c: {  	[sflag:s8] =	ssyncadd.s32 $0xFFFFE000  }
.LBB2_21:
0x11d: {  	s14 =	simm.s32 $0x0;
	s8 =	simm.s32 $0x0  }
.LBB2_22:
0x11e: {  	v9 =	vadd.s32 s8, v0  }
0x11f: {  	v12 =	vand.u32 $0xF, v9  }
0x120: {  	v10 =	vor.u32 s14, v12  }
0x121: {  	v14 =	vshll.u32 v10, $0x6  }
0x122: {  	v11 =	vor.u32 v0, v14;
	_ =	sdelay $0x1  }
0x123: {  	v10 =	vor.u32 v2, v12  }
0x124: {  	v16 =	vand.u32 $0x7, v9;
	v13 =	vor.u32 s14, v10  }
0x125: {  	v9 =	vor.u32 v1, v16;
	v15 =	vand.u32 $0x3F8, v13  }
0x126: {  	v17 =	vor.u32 v9, v15;
	v13 =	vld.idx.msk [tilespmem:v11+s24+$0x0], $0xffff  }
0x127: {  	v18 =	vor.u32 v6, v14;
	_ =	sdelay $0x3  }
0x128: {  	v11 =	vor.u32 v3, v16;
	[tilespmem:v17+s9+$0x0] =	vst.idx.msk $0xffff, v13  }
0x129: {  	v17 =	vld.idx.msk [tilespmem:v18+s24+$0x0], $0xffff;
	v18 =	vor.u32 v11, v15  }
0x12a: {  	v19 =	vor.u32 v7, v14;
	_ =	sdelay $0x3  }
0x12b: {  	v13 =	vor.u32 v4, v16;
	[tilespmem:v18+s9+$0x0] =	vst.idx.msk $0xffff, v17  }
0x12c: {  	v18 =	vor.u32 v13, v15;
	v17 =	vld.idx.msk [tilespmem:v19+s24+$0x0], $0xffff  }
0x12d: {  	v19 =	vor.u32 v8, v14;
	_ =	sdelay $0x3  }
0x12e: {  	s11 =	simm.s32 $0x10;
	[tilespmem:v18+s9+$0x0] =	vst.idx.msk $0xffff, v17  }
0x12f: {  	s19 =	simm.s32 $0x20;
	v14 =	vor.u32 v5, v16;
	v17 =	vor.u32 s11, v12;
	v16 =	vld.idx.msk [tilespmem:v19+s24+$0x0], $0xffff  }
.LBB2_23:
0x130: {  	p2 =	sne.s32 s19, $0x70;
	v17 =	vshll.u32 v17, $0x6;
	v15 =	vor.u32 v14, v15  }
0x131: {  	v18 =	vor.u32 v0, v17;
	_ =	sdelay $0x3  }
0x132: {  	v19 =	vor.u32 s11, v10;
	s11 =	smov.u32 s19;
	[tilespmem:v15+s9+$0x0] =	vst.idx.msk $0xffff, v16  }
0x133: {  	v15 =	vand.u32 $0x3F8, v19;
	v16 =	vld.idx.msk [tilespmem:v18+s24+$0x0], $0xffff  }
0x134: {  	v18 =	vor.u32 v9, v15  }
0x135: {  	v19 =	vor.u32 v6, v17;
	_ =	sdelay $0x3  }
0x136: {  	[tilespmem:v18+s9+$0x0] =	vst.idx.msk $0xffff, v16  }
0x137: {  	v16 =	vld.idx.msk [tilespmem:v19+s24+$0x0], $0xffff  }
0x138: {  	v18 =	vor.u32 v11, v15  }
0x139: {  	v19 =	vor.u32 v7, v17;
	_ =	sdelay $0x3  }
0x13a: {  	[tilespmem:v18+s9+$0x0] =	vst.idx.msk $0xffff, v16  }
0x13b: {  	v16 =	vld.idx.msk [tilespmem:v19+s24+$0x0], $0xffff  }
0x13c: {  	v18 =	vor.u32 v13, v15  }
0x13d: {  	v19 =	vor.u32 v8, v17  }
.Ltmp11:
0x13e: {  	(pc) =	sbr.rel @p2 .LBB2_23-.Ltmp11, $3  }
0x13f: {  	_ =	sdelay $0x1  }
0x140: {  	[tilespmem:v18+s9+$0x0] =	vst.idx.msk $0xffff, v16  }
0x141: {  	s19 =	sadd.s32 $0x10, s19;
	v17 =	vor.u32 s11, v12;
	v16 =	vld.idx.msk [tilespmem:v19+s24+$0x0], $0xffff  }
0x142: {  	v12 =	vshll.u32 v17, $0x6;
	v15 =	vor.u32 v14, v15  }
0x143: {  	v17 =	vor.u32 v0, v12;
	_ =	sdelay $0x2  }
0x144: {  	v10 =	vor.u32 s11, v10  }
0x145: {  	v10 =	vand.u32 $0x3F8, v10;
	[tilespmem:v15+s9+$0x0] =	vst.idx.msk $0xffff, v16  }
0x146: {  	v9 =	vor.u32 v9, v10;
	v15 =	vld.idx.msk [tilespmem:v17+s24+$0x0], $0xffff  }
0x147: {  	v62 =	vor.u32 v6, v12;
	_ =	sdelay $0x3  }
0x148: {  	[tilespmem:v9+s9+$0x0] =	vst.idx.msk $0xffff, v15  }
0x149: {  	v11 =	vor.u32 v11, v10;
	v9 =	vld.idx.msk [tilespmem:v62+s24+$0x0], $0xffff  }
0x14a: {  	v63 =	vor.u32 v7, v12;
	_ =	sdelay $0x3  }
0x14b: {  	[tilespmem:v11+s9+$0x0] =	vst.idx.msk $0xffff, v9  }
0x14c: {  	v11 =	vor.u32 v13, v10;
	v9 =	vld.idx.msk [tilespmem:v63+s24+$0x0], $0xffff  }
0x14d: {  	v12 =	vor.u32 v8, v12;
	_ =	sdelay $0x3  }
0x14e: {  	s8 =	sadd.s32 $0x1, s8;
	[tilespmem:v11+s9+$0x0] =	vst.idx.msk $0xffff, v9  }
0x14f: {  	p2 =	sne.s32 s8, $0x10;
	v10 =	vor.u32 v14, v10;
	v9 =	vld.idx.msk [tilespmem:v12+s24+$0x0], $0xffff  }
.Ltmp12:
0x150: {  	_ = 	snop;
	(pc) =	sbr.rel @p2 .LBB2_22-.Ltmp12, $2  }
0x151: {  	_ =	sdelay $0x2  }
0x152: {  	[tilespmem:v10+s9+$0x0] =	vst.idx.msk $0xffff, v9  }
0x153: {  	s8 =	sadd.s32 s5, s16  }
.Ltmp13:
0x154: {  	s11 =	sshll.u32 s8, $0x7;
	(pc) =	sbr.rel @p1 .LBB2_27-.Ltmp13, $4  }
0x155: {  	s8 =	sshll.u32 s8, $0xA;
	s11 =	sand.u32 $0xF80, s11  }
0x156: {  	s8 =	sand.u32 $0xFFF8000, s8;
	s11 =	sadd.s32 s2, s11  }
0x157: {  	s8 =	sadd.s32 s8, s11  }
0x158: {  	[hbm4b:s8+s28] =	stream.strided.scatter [tilespmem:s9], [sflag:$0xE], $0x2000, s29, s28, $0x38;
	[tilespmem:$0x14280] =	vst v63  }
.Ltmp14:
0x159: {  	(pc) =	sbr.rel .LBB2_28-.Ltmp14, $4  }
0x15a: {  	_ = 	snop  }
0x15b: {  	_ =	swait.ge [sflag:s10], $0x2000  }
0x15c: {  	[sflag:s10] =	ssyncset.done $0x0  }
0x15d: {  	[sflag:s10] =	ssyncadd.s32 $0xFFFFE000  }
.LBB2_27:
0x15e: {  	s8 =	simm.s32 $0x3  }
0x15f: {  	_ =	swait.ge [sflag:s8], $0x80  }
0x160: {  	[sflag:s8] =	ssyncset.done $0x0  }
0x161: {  	s21 =	simm.s32 $0x100;
	[sflag:s8] =	ssyncadd.s32 $0xFFFFFF80  }
0x162: {  	[tilespmem:s22], [sflag:$0x8] =	stream.indirect.gather [hbm4b:s4+s13], $0x40, s21, s13, $0xb8;
	[tilespmem:$0x14280] =	vst v63  }
.Ltmp15:
0x163: {  	_ = 	snop;
	(pc) =	sbr.rel @p0 .LBB2_29-.Ltmp15, $4  }
0x164: {  	s23 =	sadd.s32 s5, s15;
	_ =	swait.ge [sflag:s10], $0x2000  }
0x165: {  	s11 =	simm.s32 $0x0;
	s8 =	sshll.u32 s23, $0x4;
	[sflag:s10] =	ssyncset.done $0x0  }
0x166: {  	s14 =	simm.s32 $0x200;
	s8 =	sadd.s32 s12, s8;
	[sflag:s10] =	ssyncadd.s32 $0xFFFFE000  }
0x167: {  	[tilespmem:s14], [sflag:$0x5] =	stream.linear.gather [hbm4b:s8+s11], $0x80, $0x38;
	[tilespmem:$0x14280] =	vst v63  }
.LBB2_28:
0x168: {  	s8 =	simm.s32 $0xF  }
0x169: {  	_ =	swait.ge [sflag:s8], $0x2000  }
0x16a: {  	[sflag:s8] =	ssyncset.done $0x0  }
0x16b: {  	[sflag:s8] =	ssyncadd.s32 $0xFFFFE000  }
.LBB2_29:
0x16c: {  	s14 =	simm.s32 $0x0;
	s8 =	simm.s32 $0x0  }
.LBB2_30:
0x16d: {  	v9 =	vadd.s32 s8, v0  }
0x16e: {  	v12 =	vand.u32 $0xF, v9  }
0x16f: {  	v10 =	vor.u32 s14, v12  }
0x170: {  	v14 =	vshll.u32 v10, $0x6  }
0x171: {  	v11 =	vor.u32 v0, v14;
	_ =	sdelay $0x1  }
0x172: {  	v10 =	vor.u32 v2, v12  }
0x173: {  	v16 =	vand.u32 $0x7, v9;
	v13 =	vor.u32 s14, v10  }
0x174: {  	v9 =	vor.u32 v1, v16;
	v15 =	vand.u32 $0x3F8, v13  }
0x175: {  	v17 =	vor.u32 v9, v15;
	v13 =	vld.idx.msk [tilespmem:v11+s31+$0x0], $0xffff  }
0x176: {  	v18 =	vor.u32 v6, v14;
	_ =	sdelay $0x3  }
0x177: {  	v11 =	vor.u32 v3, v16;
	[tilespmem:v17+s17+$0x0] =	vst.idx.msk $0xffff, v13  }
0x178: {  	v17 =	vld.idx.msk [tilespmem:v18+s31+$0x0], $0xffff;
	v18 =	vor.u32 v11, v15  }
0x179: {  	v19 =	vor.u32 v7, v14;
	_ =	sdelay $0x3  }
0x17a: {  	v13 =	vor.u32 v4, v16;
	[tilespmem:v18+s17+$0x0] =	vst.idx.msk $0xffff, v17  }
0x17b: {  	v18 =	vor.u32 v13, v15;
	v17 =	vld.idx.msk [tilespmem:v19+s31+$0x0], $0xffff  }
0x17c: {  	v19 =	vor.u32 v8, v14;
	_ =	sdelay $0x3  }
0x17d: {  	s11 =	simm.s32 $0x10;
	[tilespmem:v18+s17+$0x0] =	vst.idx.msk $0xffff, v17  }
0x17e: {  	s16 =	simm.s32 $0x20;
	v14 =	vor.u32 v5, v16;
	v17 =	vor.u32 s11, v12;
	v16 =	vld.idx.msk [tilespmem:v19+s31+$0x0], $0xffff  }
.LBB2_31:
0x17f: {  	p0 =	sne.s32 s16, $0x70;
	v17 =	vshll.u32 v17, $0x6;
	v15 =	vor.u32 v14, v15  }
0x180: {  	v18 =	vor.u32 v0, v17;
	_ =	sdelay $0x3  }
0x181: {  	v19 =	vor.u32 s11, v10;
	s11 =	smov.u32 s16;
	[tilespmem:v15+s17+$0x0] =	vst.idx.msk $0xffff, v16  }
0x182: {  	v15 =	vand.u32 $0x3F8, v19;
	v16 =	vld.idx.msk [tilespmem:v18+s31+$0x0], $0xffff  }
0x183: {  	v18 =	vor.u32 v9, v15  }
0x184: {  	v19 =	vor.u32 v6, v17;
	_ =	sdelay $0x3  }
0x185: {  	[tilespmem:v18+s17+$0x0] =	vst.idx.msk $0xffff, v16  }
0x186: {  	v16 =	vld.idx.msk [tilespmem:v19+s31+$0x0], $0xffff  }
0x187: {  	v18 =	vor.u32 v11, v15  }
0x188: {  	v19 =	vor.u32 v7, v17;
	_ =	sdelay $0x3  }
0x189: {  	[tilespmem:v18+s17+$0x0] =	vst.idx.msk $0xffff, v16  }
0x18a: {  	v16 =	vld.idx.msk [tilespmem:v19+s31+$0x0], $0xffff  }
0x18b: {  	v18 =	vor.u32 v13, v15  }
0x18c: {  	v19 =	vor.u32 v8, v17  }
.Ltmp16:
0x18d: {  	(pc) =	sbr.rel @p0 .LBB2_31-.Ltmp16, $3  }
0x18e: {  	_ =	sdelay $0x1  }
0x18f: {  	[tilespmem:v18+s17+$0x0] =	vst.idx.msk $0xffff, v16  }
0x190: {  	s16 =	sadd.s32 $0x10, s16;
	v17 =	vor.u32 s11, v12;
	v16 =	vld.idx.msk [tilespmem:v19+s31+$0x0], $0xffff  }
0x191: {  	v12 =	vshll.u32 v17, $0x6;
	v15 =	vor.u32 v14, v15  }
0x192: {  	v17 =	vor.u32 v0, v12;
	_ =	sdelay $0x2  }
0x193: {  	v10 =	vor.u32 s11, v10  }
0x194: {  	v10 =	vand.u32 $0x3F8, v10;
	[tilespmem:v15+s17+$0x0] =	vst.idx.msk $0xffff, v16  }
0x195: {  	v9 =	vor.u32 v9, v10;
	v15 =	vld.idx.msk [tilespmem:v17+s31+$0x0], $0xffff  }
0x196: {  	v62 =	vor.u32 v6, v12;
	_ =	sdelay $0x3  }
0x197: {  	[tilespmem:v9+s17+$0x0] =	vst.idx.msk $0xffff, v15  }
0x198: {  	v11 =	vor.u32 v11, v10;
	v9 =	vld.idx.msk [tilespmem:v62+s31+$0x0], $0xffff  }
0x199: {  	v63 =	vor.u32 v7, v12;
	_ =	sdelay $0x3  }
0x19a: {  	[tilespmem:v11+s17+$0x0] =	vst.idx.msk $0xffff, v9  }
0x19b: {  	v11 =	vor.u32 v13, v10;
	v9 =	vld.idx.msk [tilespmem:v63+s31+$0x0], $0xffff  }
0x19c: {  	v12 =	vor.u32 v8, v12;
	_ =	sdelay $0x3  }
0x19d: {  	s8 =	sadd.s32 $0x1, s8;
	[tilespmem:v11+s17+$0x0] =	vst.idx.msk $0xffff, v9  }
0x19e: {  	p0 =	sne.s32 s8, $0x10;
	v10 =	vor.u32 v14, v10;
	v9 =	vld.idx.msk [tilespmem:v12+s31+$0x0], $0xffff  }
.Ltmp17:
0x19f: {  	_ = 	snop;
	(pc) =	sbr.rel @p0 .LBB2_30-.Ltmp17, $2  }
0x1a0: {  	_ =	sdelay $0x2  }
0x1a1: {  	[tilespmem:v10+s17+$0x0] =	vst.idx.msk $0xffff, v9  }
0x1a2: {  	s3 =	sadd.s32 $0x1, s3  }
0x1a3: {  	s8 =	sadd.s32 s5, s15;
	p0 =	sne.s32 s3, $0x28  }
.Ltmp18:
0x1a4: {  	s11 =	sshll.u32 s8, $0x7;
	(pc) =	sbr.rel @p0 .LBB2_2-.Ltmp18, $4  }
0x1a5: {  	s8 =	sshll.u32 s8, $0xA;
	s11 =	sand.u32 $0xF80, s11  }
0x1a6: {  	s8 =	sand.u32 $0xFFF8000, s8;
	s11 =	sadd.s32 s2, s11  }
0x1a7: {  	s8 =	sadd.s32 s8, s11  }
0x1a8: {  	[hbm4b:s8+s28] =	stream.strided.scatter [tilespmem:s17], [sflag:$0xF], $0x2000, s29, s28, $0x38;
	[tilespmem:$0x14280] =	vst v63  }
0x1a9: {  	s3 =	simm.s32 $0xB  }
0x1aa: {  	_ =	swait.ge [sflag:s3], $0x2000  }
0x1ab: {  	[sflag:s3] =	ssyncset.done $0x0  }
0x1ac: {  	s16 =	simm.s32 $0xC;
	[sflag:s3] =	ssyncadd.s32 $0xFFFFE000  }
0x1ad: {  	_ =	swait.ge [sflag:s16], $0x2000  }
0x1ae: {  	[sflag:s16] =	ssyncset.done $0x0  }
0x1af: {  	s19 =	simm.s32 $0xD;
	[sflag:s16] =	ssyncadd.s32 $0xFFFFE000  }
0x1b0: {  	_ =	swait.ge [sflag:s19], $0x2000  }
0x1b1: {  	[sflag:s19] =	ssyncset.done $0x0  }
0x1b2: {  	s21 =	simm.s32 $0xE;
	[sflag:s19] =	ssyncadd.s32 $0xFFFFE000  }
0x1b3: {  	_ =	swait.ge [sflag:s21], $0x2000  }
0x1b4: {  	[sflag:s21] =	ssyncset.done $0x0  }
0x1b5: {  	s8 =	simm.s32 $0xF;
	[sflag:s21] =	ssyncadd.s32 $0xFFFFE000  }
0x1b6: {  	_ =	swait.ge [sflag:s8], $0x2000  }
0x1b7: {  	s11 =	rddreg [dreg:$0x9]  }
0x1b8: {  	s23 =	rddreg [dreg:$0x8];
	s11 =	sadd.s32 $0x1, s11  }
0x1b9: {  	p0 =	sne.s32 s11, s23  }
.Ltmp19:
0x1ba: {  	_ = 	snop;
	(pc) =	sbr.rel @p0 .LBB2_1-.Ltmp19, $3  }
0x1bb: {  	_ =	sdelay $0x1  }
0x1bc: {  	[sflag:s8] =	ssyncset.done $0x0  }
0x1bd: {  	[sflag:s8] =	ssyncadd.s32 $0xFFFFE000  }
0x1be: {  	_ =	sfence.sel $0x180000  }
0x1bf: {  	[bflag:$0x0] =	sbarrier.arrive $0xFFFF  }
0x1c0: {  	_ =	strace $0x9000004A  }
0x1c1: {  	s0 =	stileid.u32;
	[bflag:$0x2] =	sbarrier.arrive $0xFFFF  }
0x1c2: {  	p0 =	sne.s32 s0, $0x0;
	s0 =	rddreg [dreg:$0x2]  }
0x1c3: {  	s0 =	sadd.s32 @!p0 $0x100000, s0  }
0x1c4: {  	[sflag:s0] =	ssyncadd.tile.s32 @!p0 $0x1;
	_ =	shalt  }
.Lfunc_end2:
_tile_overlayer_lowered:
.L_overlay_start_2:
0x1c5: {  	(tag) =	ssettag $0x2  }
0x1c6: {  	s0 =	rddreg [dreg:$0x0];
	s2 =	stileid.u32  }
0x1c7: {  	s1 =	rddreg [dreg:$0x1];
	p0 =	sne.s32 s2, $0x0  }
0x1c8: {  	s3 =	rddreg [dreg:$0x2];
	[bflag:$0x3] =	sbarrier.arrive $0xFFFF;
	s2 =	simm.s32 @!p0 $0x1C10  }
0x1c9: {  	[timem:s3], [sflag:s2] =	dma.local @!p0 [hbm:s0], s1  }
0x1ca: {  	s0 =	simm.s32 @!p0 $0x10  }
0x1cb: {  	_ =	swait.ge @!p0 [sflag:s0], s1  }
0x1cc: {  	s1 =	ssub.s32 @!p0 $0x0, s1;
	[sflag:s0] =	ssyncset.done @!p0 $0x0  }
0x1cd: {  	[sflag:s0] =	ssyncadd.s32 @!p0 s1  }
0x1ce: {  	[bflag:$0x3] =	sbarrier.arrive $0xFFFF  }
0x1cf: {  	_ =	shalt  }

</sc_bundles>
